<compile_context>
chip_gen: v7x
topology: tpu7x:2x2x1
jax: 0.10.2.dev20260603
libtpu: 0.0.44.dev20260713+nightly
codegen_flags: <defaults>
</compile_context>

<pallas_src>
import functools

import jax
import jax.numpy as jnp
from jax import lax
from jax.experimental import pallas as pl
from jax.experimental.pallas import tpu as pltpu
from jax.experimental.pallas import tpu_sc as plsc

N = 50000
E = 800000
NUM_ELEM = 64
F = 16
SH = 4
CUTOFF = 5.0
NB = 8

NPAD = 51200
ROWS_PER_TILE = NPAD // 16
CHUNK = 128

NCHUNK = E // CHUNK
G_CH = 196
G_GRP = G_CH // 4
GPAD_ROWS = 32 * G_CH
EPAD = GPAD_ROWS * CHUNK
S_CH = 391
SPAD_ROWS = 6256

INV_NORM = 1.0 / ((E / N) ** 0.5)
SQRT3 = 3.0 ** 0.5

def _gather_body(h_hbm, src2_hbm, out_hbm, idx_v, rows_v, sem):
    wid = lax.axis_index("s") * 2 + lax.axis_index("c")
    start = wid * (G_CH - 1) + jnp.minimum(wid, 10)
    pltpu.sync_copy(src2_hbm.at[pl.ds(start, G_CH)], idx_v)

    def body(g, _):
        c0 = g * 4
        ds = [
            pltpu.async_copy(h_hbm.at[idx_v.at[c0 + j]],
                             rows_v.at[pl.ds(j * CHUNK, CHUNK)], sem)
            for j in range(4)
        ]
        for d in ds:
            d.wait()
        pltpu.sync_copy(rows_v,
                        out_hbm.at[pl.ds((start + c0) * CHUNK, 4 * CHUNK)])
        return _

    lax.fori_loop(0, G_GRP, body, None)


@functools.lru_cache(maxsize=None)
def _gather_sc():
    mesh = plsc.VectorSubcoreMesh(core_axis_name="c", subcore_axis_name="s")
    return pl.kernel(
        _gather_body,
        mesh=mesh,
        out_type=jax.ShapeDtypeStruct((EPAD, 64), jnp.float32),
        scratch_types=[
            pltpu.VMEM((G_CH, CHUNK), jnp.int32),
            pltpu.VMEM((4 * CHUNK, 64), jnp.float32),
            pltpu.SemaphoreType.DMA,
        ],
        compiler_params=pltpu.CompilerParams(use_tc_tiling_on_sc=False),
    )


def _scatter_body(msg_hbm, dst2_hbm, zeros_hbm, agg_hbm, idx_v, msg_v,
                  shared, sem):
    cid = lax.axis_index("c")
    sid = lax.axis_index("s")
    fbase = cid * 32
    rbase = sid * ROWS_PER_TILE
    pltpu.sync_copy(zeros_hbm, shared.at[pl.ds(rbase, ROWS_PER_TILE)])
    plsc.subcore_barrier()

    start = sid * (S_CH - 1) + jnp.minimum(sid, 10)

    def add_chunks(k):
        ds = [
            pltpu.async_copy(msg_v.at[pl.ds(j * CHUNK, CHUNK)],
                             shared.at[idx_v.at[j]], sem, add=True)
            for j in range(k)
        ]
        for d in ds:
            d.wait()

    def body(g, _):
        c0 = g * 4
        pltpu.sync_copy(dst2_hbm.at[pl.ds(start + c0, 4)], idx_v)
        pltpu.sync_copy(
            msg_hbm.at[pl.ds((start + c0) * CHUNK, 4 * CHUNK),
                       pl.ds(fbase, 32)], msg_v)
        add_chunks(4)
        return _

    lax.fori_loop(0, 97, body, None)
    pltpu.sync_copy(dst2_hbm.at[pl.ds(start + 388, 2)],
                    idx_v.at[pl.ds(0, 2)])
    pltpu.sync_copy(
        msg_hbm.at[pl.ds((start + 388) * CHUNK, 2 * CHUNK),
                   pl.ds(fbase, 32)], msg_v.at[pl.ds(0, 2 * CHUNK)])
    add_chunks(2)

    @pl.when(sid < 10)
    def _extra():
        pltpu.sync_copy(dst2_hbm.at[pl.ds(start + 390, 1)],
                        idx_v.at[pl.ds(0, 1)])
        pltpu.sync_copy(
            msg_hbm.at[pl.ds((start + 390) * CHUNK, CHUNK),
                       pl.ds(fbase, 32)], msg_v.at[pl.ds(0, CHUNK)])
        pltpu.async_copy(msg_v.at[pl.ds(0, CHUNK)],
                         shared.at[idx_v.at[0]], sem, add=True).wait()

    plsc.subcore_barrier()
    pltpu.sync_copy(shared.at[pl.ds(rbase, ROWS_PER_TILE)],
                    agg_hbm.at[pl.ds(rbase, ROWS_PER_TILE),
                               pl.ds(fbase, 32)])


@functools.lru_cache(maxsize=None)
def _scatter_sc():
    mesh = plsc.VectorSubcoreMesh(core_axis_name="c", subcore_axis_name="s")
    return pl.kernel(
        _scatter_body,
        mesh=mesh,
        out_type=jax.ShapeDtypeStruct((NPAD, 64), jnp.float32),
        scratch_types=[
            pltpu.VMEM((4, CHUNK), jnp.int32),
            pltpu.VMEM((4 * CHUNK, 32), jnp.float32),
            pltpu.VMEM_SHARED((NPAD, 32), jnp.float32),
            pltpu.SemaphoreType.DMA,
        ],
        compiler_params=pltpu.CompilerParams(use_tc_tiling_on_sc=False),
    )


BE = 1000


def _msg_body(hs_ref, d_ref, dx_ref, dy_ref, dz_ref, wr1_ref, wr2_ref,
              out_ref):
    d = d_ref[...]
    n = lax.broadcasted_iota(jnp.int32, (1, NB), 1).astype(jnp.float32) + 1.0
    basis = jnp.sqrt(2.0 / CUTOFF) * jnp.sin(
        n * (jnp.pi / CUTOFF) * d) / (d + 1e-9)
    t = basis @ wr1_ref[...]
    t = t * jax.nn.sigmoid(t)
    R = t @ wr2_ref[...]
    x = d * (1.0 / CUTOFF)
    x2 = x * x
    x4 = x2 * x2
    p = 6.0
    env = (1.0 - ((p + 1.0) * (p + 2.0) / 2.0) * (x4 * x2)
           + p * (p + 2.0) * (x4 * x2 * x)
           - (p * (p + 1.0) / 2.0) * (x4 * x4))
    env = env * (x < 1.0).astype(jnp.float32)
    R2 = R * (0.5 * env)
    dx = dx_ref[...]
    dy = dy_ref[...]
    dz = dz_ref[...]
    inv_r = 1.0 / (jnp.sqrt(dx * dx + dy * dy + dz * dz) + 1e-9)
    ones = jnp.ones((BE, F), jnp.float32)
    sh_exp = jnp.concatenate(
        [ones,
         (SQRT3 * dx * inv_r) * ones,
         (SQRT3 * dy * inv_r) * ones,
         (SQRT3 * dz * inv_r) * ones], axis=1)
    h = hs_ref[...]
    h0 = h[:, :F]
    h0cat = jnp.concatenate([h0, h0, h0, h0], axis=1)
    R4 = jnp.concatenate([R2, R2, R2, R2], axis=1)
    out_ref[...] = R4 * (sh_exp * h0cat + h)


def _msg_tc(h_src, dist, dx, dy, dz, Wr1, Wr2):
    grid = E // BE
    eb = lambda w: pl.BlockSpec((BE, w), lambda i: (i, 0))
    full = lambda a, b: pl.BlockSpec((a, b), lambda i: (0, 0))
    return pl.pallas_call(
        _msg_body,
        grid=(grid,),
        in_specs=[eb(64), eb(1), eb(1), eb(1), eb(1), full(NB, F),
                  full(F, F)],
        out_specs=eb(64),
        out_shape=jax.ShapeDtypeStruct((E, 64), jnp.float32),
    )(h_src, dist, dx, dy, dz, Wr1, Wr2)


BN = 1024


def _node_body(agg_ref, hp_ref, sp_ref, wsc_ref, wlin_ref, out_ref):
    onehot = (sp_ref[...] ==
              lax.broadcasted_iota(jnp.int32, (1, NUM_ELEM), 1)
              ).astype(jnp.float32)
    Wn = jnp.dot(onehot, wsc_ref[...],
                 preferred_element_type=jnp.float32)
    agg = agg_ref[...]
    hp = hp_ref[...]
    wlin = wlin_ref[...]
    hn = []
    for c in range(SH):
        agg_c = agg[:, c * F:(c + 1) * F] * INV_NORM
        lin_c = jnp.dot(agg_c, wlin, preferred_element_type=jnp.float32)
        h_c = hp[:, c * F:(c + 1) * F]
        sc_c = jnp.zeros((BN, F), jnp.float32)
        for f in range(F):
            sc_c = sc_c + h_c[:, f:f + 1] * Wn[:, f * F:(f + 1) * F]
        hn.append(lin_c + sc_c)
    g = jax.nn.sigmoid(hn[0])
    out_ref[...] = jnp.concatenate([hn[0] * g, hn[1] * g, hn[2] * g,
                                    hn[3] * g], axis=1)


def _node_tc(agg, h_prev, spec2d, Wsc_flat, Wlin):
    grid = NPAD // BN
    nb = lambda w: pl.BlockSpec((BN, w), lambda i: (i, 0))
    full = lambda a, b: pl.BlockSpec((a, b), lambda i: (0, 0))
    return pl.pallas_call(
        _node_body,
        grid=(grid,),
        in_specs=[nb(64), nb(64), nb(1), full(NUM_ELEM, 256), full(F, F)],
        out_specs=nb(64),
        out_shape=jax.ShapeDtypeStruct((NPAD, 64), jnp.float32),
    )(agg, h_prev, spec2d, Wsc_flat, Wlin)


def _embed_body(sp_ref, wch_ref, out_ref):
    onehot = (sp_ref[...] ==
              lax.broadcasted_iota(jnp.int32, (1, NUM_ELEM), 1)
              ).astype(jnp.float32)
    x0 = jnp.dot(onehot, wch_ref[...], preferred_element_type=jnp.float32)
    out_ref[...] = jnp.concatenate(
        [x0, jnp.zeros((BN, 48), jnp.float32)], axis=1)


def _embed_tc(spec2d, W_chem):
    grid = NPAD // BN
    return pl.pallas_call(
        _embed_body,
        grid=(grid,),
        in_specs=[pl.BlockSpec((BN, 1), lambda i: (i, 0)),
                  pl.BlockSpec((NUM_ELEM, F), lambda i: (0, 0))],
        out_specs=pl.BlockSpec((BN, 64), lambda i: (i, 0)),
        out_shape=jax.ShapeDtypeStruct((NPAD, 64), jnp.float32),
    )(spec2d, W_chem)


def _readout_body(h_ref, w1_ref, w2_ref, out_ref):
    s = h_ref[:, :F]
    t = jnp.dot(s, w1_ref[...], preferred_element_type=jnp.float32)
    t = t * jax.nn.sigmoid(t)
    out_ref[...] = jnp.dot(t, w2_ref[...],
                           preferred_element_type=jnp.float32)


def _readout_tc(h, W_ro1, W_ro2):
    grid = NPAD // BN
    return pl.pallas_call(
        _readout_body,
        grid=(grid,),
        in_specs=[pl.BlockSpec((BN, 64), lambda i: (i, 0)),
                  pl.BlockSpec((F, 16), lambda i: (0, 0)),
                  pl.BlockSpec((16, 1), lambda i: (0, 0))],
        out_specs=pl.BlockSpec((BN, 1), lambda i: (i, 0)),
        out_shape=jax.ShapeDtypeStruct((NPAD, 1), jnp.float32),
    )(h, W_ro1, W_ro2)


def kernel(species, edge_idx, edge_diff, edge_dist, W_chem, Wr1_0, Wr2_0,
           Wlin_0, Wsc_0, Wr1_1, Wr2_1, Wlin_1, Wsc_1, W_ro1, W_ro2):
    src2 = jnp.pad(edge_idx[0].astype(jnp.int32),
                   (0, GPAD_ROWS * CHUNK - E)).reshape(GPAD_ROWS, CHUNK)
    dst2 = jnp.pad(edge_idx[1].astype(jnp.int32),
                   (0, SPAD_ROWS * CHUNK - E)).reshape(SPAD_ROWS, CHUNK)
    dist = edge_dist.reshape(E, 1)
    dx = edge_diff[:, 0:1]
    dy = edge_diff[:, 1:2]
    dz = edge_diff[:, 2:3]
    spec2d = jnp.pad(species.astype(jnp.int32), (0, NPAD - N)).reshape(
        NPAD, 1)
    zeros_tile = jnp.zeros((ROWS_PER_TILE, 32), jnp.float32)

    h = _embed_tc(spec2d, W_chem)
    for Wr1, Wr2, Wlin, Wsc in ((Wr1_0, Wr2_0, Wlin_0, Wsc_0),
                                (Wr1_1, Wr2_1, Wlin_1, Wsc_1)):
        h_src = _gather_sc()(h, src2)
        msg = _msg_tc(h_src, dist, dx, dy, dz, Wr1, Wr2)
        agg = _scatter_sc()(msg, dst2, zeros_tile)
        h = _node_tc(agg, h, spec2d, Wsc.reshape(NUM_ELEM, 256), Wlin)
    e = _readout_tc(h, W_ro1, W_ro2)
    return e[:N, 0]

# --- scband reference (transcript-rebuilt; emitter-appended) ---
"""Pipeline reference for scband-nequip-13331578487442 (READ-ONLY COPY).

The authoritative reference and input builder live on the scoring server;
editing this copy changes nothing except your own understanding.
"""

import jax, jax.numpy as jnp
import numpy as np

N = 50000
E = 800000
NUM_ELEM = 64
F = 16
SH = 4  # lmax=1 -> 1 + 3 spherical harmonic components
NB = 8
CUTOFF = 5.0
P = 6


def _bessel(d):
    n = jnp.arange(1, NB + 1, dtype=jnp.float32)
    x = d[:, None]
    return jnp.sqrt(2.0 / CUTOFF) * jnp.sin(n[None, :] * jnp.pi * x / CUTOFF) / (x + 1e-9)


def _poly_cutoff(d):
    x = d / CUTOFF
    p = float(P)
    f = (1.0
         - ((p + 1.0) * (p + 2.0) / 2.0) * x ** p
         + p * (p + 2.0) * x ** (p + 1.0)
         - (p * (p + 1.0) / 2.0) * x ** (p + 2.0))
    return f * (x < 1.0).astype(jnp.float32)


def _sph(diff):
    r = jnp.sqrt(jnp.sum(diff * diff, axis=1, keepdims=True))
    u = diff / (r + 1e-9)
    return jnp.concatenate([jnp.ones((diff.shape[0], 1), dtype=jnp.float32), jnp.sqrt(3.0) * u], axis=1)


def _interaction(h, species, src, dst, basis, env, sh, Wr1, Wr2, Wlin, Wsc):
    # radial network -> per-edge, per-channel weights, modulated by cutoff envelope
    R = jax.nn.silu(basis @ Wr1) @ Wr2 * env[:, None]          # [E, F]
    h_src = jnp.take(h, src, axis=0)                           # gather: [E, SH, F]
    path1 = sh[:, :, None] * h_src[:, 0, :][:, None, :]        # l=0 x Y_l -> l
    path2 = h_src                                              # l x Y_0 -> l
    msg = R[:, None, :] * (0.5 * (path1 + path2))              # [E, SH, F]
    agg = jax.ops.segment_sum(msg, dst, num_segments=N) / ((E / N) ** 0.5)
    lin = jnp.einsum('ncf,fg->ncg', agg, Wlin)
    sc = jnp.einsum('ncf,nfg->ncg', h, jnp.take(Wsc, species, axis=0))  # element-dependent self-connection
    hn = lin + sc
    scal = jax.nn.silu(hn[:, :1, :])
    vec = hn[:, 1:, :] * jax.nn.sigmoid(hn[:, :1, :])          # gate nonlinearity
    return jnp.concatenate([scal, vec], axis=1)


def setup_inputs(seed: int = 0) -> dict:
    key = jax.random.key(seed)
    ks = jax.random.split(key, 16)
    s = 0.1
    species = jax.random.randint(ks[0], (N,), 0, NUM_ELEM)
    edge_idx = jax.random.randint(ks[1], (2, E), 0, N)
    edge_diff = jax.random.normal(ks[2], (E, 3), dtype=jnp.float32)
    edge_dist = jax.random.uniform(ks[3], (E,), dtype=jnp.float32, minval=0.1, maxval=CUTOFF * 0.99)
    return {
        'species': species,
        'edge_idx': edge_idx,
        'edge_diff': edge_diff,
        'edge_dist': edge_dist,
        'W_chem': jax.random.normal(ks[4], (NUM_ELEM, F), dtype=jnp.float32) * s,
        'Wr1_0': jax.random.normal(ks[5], (NB, 16), dtype=jnp.float32) * s,
        'Wr2_0': jax.random.normal(ks[6], (16, F), dtype=jnp.float32) * s,
        'Wlin_0': jax.random.normal(ks[7], (F, F), dtype=jnp.float32) * s,
        'Wsc_0': jax.random.normal(ks[8], (NUM_ELEM, F, F), dtype=jnp.float32) * s,
        'Wr1_1': jax.random.normal(ks[9], (NB, 16), dtype=jnp.float32) * s,
        'Wr2_1': jax.random.normal(ks[10], (16, F), dtype=jnp.float32) * s,
        'Wlin_1': jax.random.normal(ks[11], (F, F), dtype=jnp.float32) * s,
        'Wsc_1': jax.random.normal(ks[12], (NUM_ELEM, F, F), dtype=jnp.float32) * s,
        'W_ro1': jax.random.normal(ks[13], (F, 16), dtype=jnp.float32) * s,
        'W_ro2': jax.random.normal(ks[14], (16, 1), dtype=jnp.float32) * s,
    }


def reference(species, edge_idx, edge_diff, edge_dist,
              W_chem, Wr1_0, Wr2_0, Wlin_0, Wsc_0,
              Wr1_1, Wr2_1, Wlin_1, Wsc_1, W_ro1, W_ro2):
    src = edge_idx[0]
    dst = edge_idx[1]
    mask = (edge_dist < CUTOFF).astype(jnp.float32)
    basis = _bessel(edge_dist)                 # RadialBasisEdgeEncoding (Bessel)
    env = _poly_cutoff(edge_dist) * mask       # PolynomialCutoff + edge mask
    sh = _sph(edge_diff)                       # SphericalHarmonicEdgeAttrs (lmax=1)
    x0 = jnp.take(W_chem, species, axis=0)     # one-hot -> AtomwiseLinear chemical embedding
    h = jnp.zeros((N, SH, F), dtype=jnp.float32).at[:, 0, :].set(x0)
    h = _interaction(h, species, src, dst, basis, env, sh, Wr1_0, Wr2_0, Wlin_0, Wsc_0)
    h = _interaction(h, species, src, dst, basis, env, sh, Wr1_1, Wr2_1, Wlin_1, Wsc_1)
    e = jax.nn.silu(h[:, 0, :] @ W_ro1) @ W_ro2  # AtomwiseNN readout on scalar channel
    return e[:, 0]

if __name__ == "__main__":
    import jax
    _d = setup_inputs()
    print(jax.jit(kernel)(*tuple(_d.values())))

</pallas_src>

<mosaic_0001>
#map = affine_map<(d0, d1) -> (0, 0)>
module attributes {stable_mosaic.version = 14 : i64} {
  func.func @_gather_body(%arg0: i32, %arg1: i32, %arg2: memref<51200x64xf32, #tpu.memory_space<hbm>>, %arg3: memref<6272x128xi32, #tpu.memory_space<hbm>>, %arg4: memref<802816x64xf32, #tpu.memory_space<hbm>>, %arg5: memref<196x128xi32, #tpu.memory_space<vmem>>, %arg6: memref<512x64xf32, #tpu.memory_space<vmem>>, %arg7: memref<!tpu.dma_semaphore, #tpu.memory_space<semaphore_mem>>) attributes {dimension_semantics = [#tpu.dimension_semantics<core_parallel>, #tpu.dimension_semantics<subcore_parallel>], iteration_bounds = array<i64: 2, 16>, scalar_prefetch = 0 : i64, scratch_operands = 3 : i64, tpu.core_type = #tpu.core_type<sc_vector_subcore>, window_params = [{transform_indices = #map}, {transform_indices = #map}, {transform_indices = #map}]} {
    %mul3A = arith.constant 2 : i32
    %mul3A_0 = arith.muli %arg1, %mul3A : i32
    %add3A = arith.addi %mul3A_0, %arg0 : i32
    %mul3A_1 = arith.constant 195 : i32
    %mul3A_2 = arith.muli %add3A, %mul3A_1 : i32
    %min3A = arith.constant 10 : i32
    %min3A_3 = arith.minsi %add3A, %min3A : i32
    %add3A_4 = arith.addi %mul3A_2, %min3A_3 : i32
    "tpu.region"() ({
      %run_scoped3A = tpu.sem_alloc : memref<!tpu.dma_semaphore, #tpu.memory_space<semaphore_mem>>
      %dma_start3A = arith.constant 0 : i32
      %dma_start3A_9 = tpu.memref_slice %arg3[%add3A_4, %dma_start3A] : memref<6272x128xi32, #tpu.memory_space<hbm>> -> memref<196x128xi32, #tpu.memory_space<hbm>>
      %dma_start3A_10 = arith.constant 0 : i32
      %dma_start3A_11 = tpu.memref_slice %arg3[%add3A_4, %dma_start3A_10] : memref<6272x128xi32, #tpu.memory_space<hbm>> -> memref<196x128xi32, #tpu.memory_space<hbm>>
      tpu.enqueue_dma source(%dma_start3A_11 : memref<196x128xi32, #tpu.memory_space<hbm>>) target(%arg5 : memref<196x128xi32, #tpu.memory_space<vmem>>) target_semaphore(%run_scoped3A : memref<!tpu.dma_semaphore, #tpu.memory_space<semaphore_mem>>)
      %dma_wait3A = arith.constant 0 : i32
      %dma_wait3A_12 = tpu.memref_slice %arg3[%add3A_4, %dma_wait3A] : memref<6272x128xi32, #tpu.memory_space<hbm>> -> memref<196x128xi32, #tpu.memory_space<hbm>>
      %dma_wait3A_13 = arith.constant 0 : i32
      %dma_wait3A_14 = tpu.memref_slice %arg3[%add3A_4, %dma_wait3A_13] : memref<6272x128xi32, #tpu.memory_space<hbm>> -> memref<196x128xi32, #tpu.memory_space<hbm>>
      tpu.wait_dma2 semaphore(%run_scoped3A : memref<!tpu.dma_semaphore, #tpu.memory_space<semaphore_mem>>) src(%dma_wait3A_14 : memref<196x128xi32, #tpu.memory_space<hbm>>) dst(%arg5 : memref<196x128xi32, #tpu.memory_space<vmem>>)
      tpu.yield
    }) : () -> ()
    %scan3A = arith.constant 0 : i32
    %scan3A_5 = arith.constant 49 : i32
    %scan3A_6 = arith.addi %scan3A, %scan3A_5 : i32
    %scan3A_7 = arith.constant 1 : i32
    scf.for %scan3A_9 = %scan3A to %scan3A_6 step %scan3A_7  : i32 {
      %mul3A_10 = arith.constant 4 : i32
      %mul3A_11 = arith.muli %scan3A_9, %mul3A_10 : i32
      %add3A_12 = arith.constant 0 : i32
      %add3A_13 = arith.addi %mul3A_11, %add3A_12 : i32
      %dma_start3A = arith.constant 0 : i32
      %dma_start3A_14 = arith.constant 0 : i32
      %dma_start3A_15 = tpu.memref_slice %arg6[%dma_start3A, %dma_start3A_14] : memref<512x64xf32, #tpu.memory_space<vmem>> -> memref<128x64xf32, #tpu.memory_space<vmem>>
      %dma_start3A_16 = arith.constant 0 : i32
      %dma_start3A_17 = tpu.memref_slice %arg5[%add3A_13, %dma_start3A_16] : memref<196x128xi32, #tpu.memory_space<vmem>> -> memref<1x128xi32, #tpu.memory_space<vmem>>
      %dma_start3A_18 = tpu.memref_squeeze %dma_start3A_17 : memref<1x128xi32, #tpu.memory_space<vmem>> -> memref<128xi32, #tpu.memory_space<vmem>>
      %dma_start3A_19 = arith.constant 0 : i32
      %dma_start3A_20 = arith.constant 0 : i32
      %dma_start3A_21 = tpu.memref_slice %arg2[%dma_start3A_19, %dma_start3A_20] : memref<51200x64xf32, #tpu.memory_space<hbm>> -> memref<51200x64xf32, #tpu.memory_space<hbm>>
      tpu.enqueue_indirect_dma source(%dma_start3A_21 : memref<51200x64xf32, #tpu.memory_space<hbm>>) target(%dma_start3A_15 : memref<128x64xf32, #tpu.memory_space<vmem>>) offsets(%dma_start3A_18 : memref<128xi32, #tpu.memory_space<vmem>>) semaphore(%arg7 : memref<!tpu.dma_semaphore, #tpu.memory_space<semaphore_mem>>)
      %add3A_22 = arith.constant 1 : i32
      %add3A_23 = arith.addi %mul3A_11, %add3A_22 : i32
      %dma_start3A_24 = arith.constant 128 : i32
      %dma_start3A_25 = arith.constant 0 : i32
      %dma_start3A_26 = tpu.memref_slice %arg6[%dma_start3A_24, %dma_start3A_25] : memref<512x64xf32, #tpu.memory_space<vmem>> -> memref<128x64xf32, #tpu.memory_space<vmem>>
      %dma_start3A_27 = arith.constant 0 : i32
      %dma_start3A_28 = tpu.memref_slice %arg5[%add3A_23, %dma_start3A_27] : memref<196x128xi32, #tpu.memory_space<vmem>> -> memref<1x128xi32, #tpu.memory_space<vmem>>
      %dma_start3A_29 = tpu.memref_squeeze %dma_start3A_28 : memref<1x128xi32, #tpu.memory_space<vmem>> -> memref<128xi32, #tpu.memory_space<vmem>>
      %dma_start3A_30 = arith.constant 0 : i32
      %dma_start3A_31 = arith.constant 0 : i32
      %dma_start3A_32 = tpu.memref_slice %arg2[%dma_start3A_30, %dma_start3A_31] : memref<51200x64xf32, #tpu.memory_space<hbm>> -> memref<51200x64xf32, #tpu.memory_space<hbm>>
      tpu.enqueue_indirect_dma source(%dma_start3A_32 : memref<51200x64xf32, #tpu.memory_space<hbm>>) target(%dma_start3A_26 : memref<128x64xf32, #tpu.memory_space<vmem>>) offsets(%dma_start3A_29 : memref<128xi32, #tpu.memory_space<vmem>>) semaphore(%arg7 : memref<!tpu.dma_semaphore, #tpu.memory_space<semaphore_mem>>)
      %add3A_33 = arith.constant 2 : i32
      %add3A_34 = arith.addi %mul3A_11, %add3A_33 : i32
      %dma_start3A_35 = arith.constant 256 : i32
      %dma_start3A_36 = arith.constant 0 : i32
      %dma_start3A_37 = tpu.memref_slice %arg6[%dma_start3A_35, %dma_start3A_36] : memref<512x64xf32, #tpu.memory_space<vmem>> -> memref<128x64xf32, #tpu.memory_space<vmem>>
      %dma_start3A_38 = arith.constant 0 : i32
      %dma_start3A_39 = tpu.memref_slice %arg5[%add3A_34, %dma_start3A_38] : memref<196x128xi32, #tpu.memory_space<vmem>> -> memref<1x128xi32, #tpu.memory_space<vmem>>
      %dma_start3A_40 = tpu.memref_squeeze %dma_start3A_39 : memref<1x128xi32, #tpu.memory_space<vmem>> -> memref<128xi32, #tpu.memory_space<vmem>>
      %dma_start3A_41 = arith.constant 0 : i32
      %dma_start3A_42 = arith.constant 0 : i32
      %dma_start3A_43 = tpu.memref_slice %arg2[%dma_start3A_41, %dma_start3A_42] : memref<51200x64xf32, #tpu.memory_space<hbm>> -> memref<51200x64xf32, #tpu.memory_space<hbm>>
      tpu.enqueue_indirect_dma source(%dma_start3A_43 : memref<51200x64xf32, #tpu.memory_space<hbm>>) target(%dma_start3A_37 : memref<128x64xf32, #tpu.memory_space<vmem>>) offsets(%dma_start3A_40 : memref<128xi32, #tpu.memory_space<vmem>>) semaphore(%arg7 : memref<!tpu.dma_semaphore, #tpu.memory_space<semaphore_mem>>)
      %add3A_44 = arith.constant 3 : i32
      %add3A_45 = arith.addi %mul3A_11, %add3A_44 : i32
      %dma_start3A_46 = arith.constant 384 : i32
      %dma_start3A_47 = arith.constant 0 : i32
      %dma_start3A_48 = tpu.memref_slice %arg6[%dma_start3A_46, %dma_start3A_47] : memref<512x64xf32, #tpu.memory_space<vmem>> -> memref<128x64xf32, #tpu.memory_space<vmem>>
      %dma_start3A_49 = arith.constant 0 : i32
      %dma_start3A_50 = tpu.memref_slice %arg5[%add3A_45, %dma_start3A_49] : memref<196x128xi32, #tpu.memory_space<vmem>> -> memref<1x128xi32, #tpu.memory_space<vmem>>
      %dma_start3A_51 = tpu.memref_squeeze %dma_start3A_50 : memref<1x128xi32, #tpu.memory_space<vmem>> -> memref<128xi32, #tpu.memory_space<vmem>>
      %dma_start3A_52 = arith.constant 0 : i32
      %dma_start3A_53 = arith.constant 0 : i32
      %dma_start3A_54 = tpu.memref_slice %arg2[%dma_start3A_52, %dma_start3A_53] : memref<51200x64xf32, #tpu.memory_space<hbm>> -> memref<51200x64xf32, #tpu.memory_space<hbm>>
      tpu.enqueue_indirect_dma source(%dma_start3A_54 : memref<51200x64xf32, #tpu.memory_space<hbm>>) target(%dma_start3A_48 : memref<128x64xf32, #tpu.memory_space<vmem>>) offsets(%dma_start3A_51 : memref<128xi32, #tpu.memory_space<vmem>>) semaphore(%arg7 : memref<!tpu.dma_semaphore, #tpu.memory_space<semaphore_mem>>)
      %dma_wait3A = arith.constant 0 : i32
      %dma_wait3A_55 = arith.constant 0 : i32
      %dma_wait3A_56 = tpu.memref_slice %arg6[%dma_wait3A, %dma_wait3A_55] : memref<512x64xf32, #tpu.memory_space<vmem>> -> memref<128x64xf32, #tpu.memory_space<vmem>>
      %dma_wait3A_57 = arith.constant 0 : i32
      %dma_wait3A_58 = tpu.memref_slice %arg5[%add3A_13, %dma_wait3A_57] : memref<196x128xi32, #tpu.memory_space<vmem>> -> memref<1x128xi32, #tpu.memory_space<vmem>>
      %dma_wait3A_59 = tpu.memref_squeeze %dma_wait3A_58 : memref<1x128xi32, #tpu.memory_space<vmem>> -> memref<128xi32, #tpu.memory_space<vmem>>
      %dma_wait3A_60 = arith.constant 0 : i32
      %dma_wait3A_61 = arith.constant 0 : i32
      %dma_wait3A_62 = tpu.memref_slice %arg2[%dma_wait3A_60, %dma_wait3A_61] : memref<51200x64xf32, #tpu.memory_space<hbm>> -> memref<51200x64xf32, #tpu.memory_space<hbm>>
      tpu.wait_indirect_dma semaphore(%arg7 : memref<!tpu.dma_semaphore, #tpu.memory_space<semaphore_mem>>) src(%dma_wait3A_62 : memref<51200x64xf32, #tpu.memory_space<hbm>>) dst(%dma_wait3A_56 : memref<128x64xf32, #tpu.memory_space<vmem>>)
      %dma_wait3A_63 = arith.constant 128 : i32
      %dma_wait3A_64 = arith.constant 0 : i32
      %dma_wait3A_65 = tpu.memref_slice %arg6[%dma_wait3A_63, %dma_wait3A_64] : memref<512x64xf32, #tpu.memory_space<vmem>> -> memref<128x64xf32, #tpu.memory_space<vmem>>
      %dma_wait3A_66 = arith.constant 0 : i32
      %dma_wait3A_67 = tpu.memref_slice %arg5[%add3A_23, %dma_wait3A_66] : memref<196x128xi32, #tpu.memory_space<vmem>> -> memref<1x128xi32, #tpu.memory_space<vmem>>
      %dma_wait3A_68 = tpu.memref_squeeze %dma_wait3A_67 : memref<1x128xi32, #tpu.memory_space<vmem>> -> memref<128xi32, #tpu.memory_space<vmem>>
      %dma_wait3A_69 = arith.constant 0 : i32
      %dma_wait3A_70 = arith.constant 0 : i32
      %dma_wait3A_71 = tpu.memref_slice %arg2[%dma_wait3A_69, %dma_wait3A_70] : memref<51200x64xf32, #tpu.memory_space<hbm>> -> memref<51200x64xf32, #tpu.memory_space<hbm>>
      tpu.wait_indirect_dma semaphore(%arg7 : memref<!tpu.dma_semaphore, #tpu.memory_space<semaphore_mem>>) src(%dma_wait3A_71 : memref<51200x64xf32, #tpu.memory_space<hbm>>) dst(%dma_wait3A_65 : memref<128x64xf32, #tpu.memory_space<vmem>>)
      %dma_wait3A_72 = arith.constant 256 : i32
      %dma_wait3A_73 = arith.constant 0 : i32
      %dma_wait3A_74 = tpu.memref_slice %arg6[%dma_wait3A_72, %dma_wait3A_73] : memref<512x64xf32, #tpu.memory_space<vmem>> -> memref<128x64xf32, #tpu.memory_space<vmem>>
      %dma_wait3A_75 = arith.constant 0 : i32
      %dma_wait3A_76 = tpu.memref_slice %arg5[%add3A_34, %dma_wait3A_75] : memref<196x128xi32, #tpu.memory_space<vmem>> -> memref<1x128xi32, #tpu.memory_space<vmem>>
      %dma_wait3A_77 = tpu.memref_squeeze %dma_wait3A_76 : memref<1x128xi32, #tpu.memory_space<vmem>> -> memref<128xi32, #tpu.memory_space<vmem>>
      %dma_wait3A_78 = arith.constant 0 : i32
      %dma_wait3A_79 = arith.constant 0 : i32
      %dma_wait3A_80 = tpu.memref_slice %arg2[%dma_wait3A_78, %dma_wait3A_79] : memref<51200x64xf32, #tpu.memory_space<hbm>> -> memref<51200x64xf32, #tpu.memory_space<hbm>>
      tpu.wait_indirect_dma semaphore(%arg7 : memref<!tpu.dma_semaphore, #tpu.memory_space<semaphore_mem>>) src(%dma_wait3A_80 : memref<51200x64xf32, #tpu.memory_space<hbm>>) dst(%dma_wait3A_74 : memref<128x64xf32, #tpu.memory_space<vmem>>)
      %dma_wait3A_81 = arith.constant 384 : i32
      %dma_wait3A_82 = arith.constant 0 : i32
      %dma_wait3A_83 = tpu.memref_slice %arg6[%dma_wait3A_81, %dma_wait3A_82] : memref<512x64xf32, #tpu.memory_space<vmem>> -> memref<128x64xf32, #tpu.memory_space<vmem>>
      %dma_wait3A_84 = arith.constant 0 : i32
      %dma_wait3A_85 = tpu.memref_slice %arg5[%add3A_45, %dma_wait3A_84] : memref<196x128xi32, #tpu.memory_space<vmem>> -> memref<1x128xi32, #tpu.memory_space<vmem>>
      %dma_wait3A_86 = tpu.memref_squeeze %dma_wait3A_85 : memref<1x128xi32, #tpu.memory_space<vmem>> -> memref<128xi32, #tpu.memory_space<vmem>>
      %dma_wait3A_87 = arith.constant 0 : i32
      %dma_wait3A_88 = arith.constant 0 : i32
      %dma_wait3A_89 = tpu.memref_slice %arg2[%dma_wait3A_87, %dma_wait3A_88] : memref<51200x64xf32, #tpu.memory_space<hbm>> -> memref<51200x64xf32, #tpu.memory_space<hbm>>
      tpu.wait_indirect_dma semaphore(%arg7 : memref<!tpu.dma_semaphore, #tpu.memory_space<semaphore_mem>>) src(%dma_wait3A_89 : memref<51200x64xf32, #tpu.memory_space<hbm>>) dst(%dma_wait3A_83 : memref<128x64xf32, #tpu.memory_space<vmem>>)
      %add3A_90 = arith.addi %add3A_4, %mul3A_11 : i32
      %mul3A_91 = arith.constant 128 : i32
      %mul3A_92 = arith.muli %add3A_90, %mul3A_91 : i32
      "tpu.region"() ({
        %run_scoped3A = tpu.sem_alloc : memref<!tpu.dma_semaphore, #tpu.memory_space<semaphore_mem>>
        %dma_start3A_93 = arith.constant 0 : i32
        %dma_start3A_94 = tpu.memref_slice %arg4[%mul3A_92, %dma_start3A_93] : memref<802816x64xf32, #tpu.memory_space<hbm>> -> memref<512x64xf32, #tpu.memory_space<hbm>>
        %dma_start3A_95 = arith.constant 0 : i32
        %dma_start3A_96 = tpu.memref_slice %arg4[%mul3A_92, %dma_start3A_95] : memref<802816x64xf32, #tpu.memory_space<hbm>> -> memref<512x64xf32, #tpu.memory_space<hbm>>
        tpu.enqueue_dma source(%arg6 : memref<512x64xf32, #tpu.memory_space<vmem>>) target(%dma_start3A_96 : memref<512x64xf32, #tpu.memory_space<hbm>>) target_semaphore(%run_scoped3A : memref<!tpu.dma_semaphore, #tpu.memory_space<semaphore_mem>>)
        %dma_wait3A_97 = arith.constant 0 : i32
        %dma_wait3A_98 = tpu.memref_slice %arg4[%mul3A_92, %dma_wait3A_97] : memref<802816x64xf32, #tpu.memory_space<hbm>> -> memref<512x64xf32, #tpu.memory_space<hbm>>
        %dma_wait3A_99 = arith.constant 0 : i32
        %dma_wait3A_100 = tpu.memref_slice %arg4[%mul3A_92, %dma_wait3A_99] : memref<802816x64xf32, #tpu.memory_space<hbm>> -> memref<512x64xf32, #tpu.memory_space<hbm>>
        tpu.wait_dma2 semaphore(%run_scoped3A : memref<!tpu.dma_semaphore, #tpu.memory_space<semaphore_mem>>) src(%arg6 : memref<512x64xf32, #tpu.memory_space<vmem>>) dst(%dma_wait3A_100 : memref<512x64xf32, #tpu.memory_space<hbm>>)
        tpu.yield
      }) : () -> ()
    }
    %scan3A_8 = arith.constant 49 : i32
    return
  }
}

#map = affine_map<(d0, d1) -> (0, 0)>
module attributes {stable_mosaic.version = 14 : i64} {
  func.func @_gather_body(%arg0: i32, %arg1: i32, %arg2: memref<51200x64xf32, #tpu.memory_space<hbm>>, %arg3: memref<6272x128xi32, #tpu.memory_space<hbm>>, %arg4: memref<802816x64xf32, #tpu.memory_space<hbm>>, %arg5: memref<196x128xi32, #tpu.memory_space<vmem>>, %arg6: memref<512x64xf32, #tpu.memory_space<vmem>>, %arg7: memref<!tpu.dma_semaphore, #tpu.memory_space<semaphore_mem>>) attributes {dimension_semantics = [#tpu.dimension_semantics<core_parallel>, #tpu.dimension_semantics<subcore_parallel>], iteration_bounds = array<i64: 2, 16>, scalar_prefetch = 0 : i64, scratch_operands = 3 : i64, tpu.core_type = #tpu.core_type<sc_vector_subcore>, window_params = [{transform_indices = #map}, {transform_indices = #map}, {transform_indices = #map}]} {
    %mul3A = arith.constant 2 : i32
    %mul3A_0 = arith.muli %arg1, %mul3A : i32
    %add3A = arith.addi %mul3A_0, %arg0 : i32
    %mul3A_1 = arith.constant 195 : i32
    %mul3A_2 = arith.muli %add3A, %mul3A_1 : i32
    %min3A = arith.constant 10 : i32
    %min3A_3 = arith.minsi %add3A, %min3A : i32
    %add3A_4 = arith.addi %mul3A_2, %min3A_3 : i32
    "tpu.region"() ({
      %run_scoped3A = tpu.sem_alloc : memref<!tpu.dma_semaphore, #tpu.memory_space<semaphore_mem>>
      %dma_start3A = arith.constant 0 : i32
      %dma_start3A_9 = tpu.memref_slice %arg3[%add3A_4, %dma_start3A] : memref<6272x128xi32, #tpu.memory_space<hbm>> -> memref<196x128xi32, #tpu.memory_space<hbm>>
      %dma_start3A_10 = arith.constant 0 : i32
      %dma_start3A_11 = tpu.memref_slice %arg3[%add3A_4, %dma_start3A_10] : memref<6272x128xi32, #tpu.memory_space<hbm>> -> memref<196x128xi32, #tpu.memory_space<hbm>>
      tpu.enqueue_dma source(%dma_start3A_11 : memref<196x128xi32, #tpu.memory_space<hbm>>) target(%arg5 : memref<196x128xi32, #tpu.memory_space<vmem>>) target_semaphore(%run_scoped3A : memref<!tpu.dma_semaphore, #tpu.memory_space<semaphore_mem>>)
      %dma_wait3A = arith.constant 0 : i32
      %dma_wait3A_12 = tpu.memref_slice %arg3[%add3A_4, %dma_wait3A] : memref<6272x128xi32, #tpu.memory_space<hbm>> -> memref<196x128xi32, #tpu.memory_space<hbm>>
      %dma_wait3A_13 = arith.constant 0 : i32
      %dma_wait3A_14 = tpu.memref_slice %arg3[%add3A_4, %dma_wait3A_13] : memref<6272x128xi32, #tpu.memory_space<hbm>> -> memref<196x128xi32, #tpu.memory_space<hbm>>
      tpu.wait_dma2 semaphore(%run_scoped3A : memref<!tpu.dma_semaphore, #tpu.memory_space<semaphore_mem>>) src(%dma_wait3A_14 : memref<196x128xi32, #tpu.memory_space<hbm>>) dst(%arg5 : memref<196x128xi32, #tpu.memory_space<vmem>>)
      tpu.yield
    }) : () -> ()
    %scan3A = arith.constant 0 : i32
    %scan3A_5 = arith.constant 49 : i32
    %scan3A_6 = arith.addi %scan3A, %scan3A_5 : i32
    %scan3A_7 = arith.constant 1 : i32
    scf.for %scan3A_9 = %scan3A to %scan3A_6 step %scan3A_7  : i32 {
      %mul3A_10 = arith.constant 4 : i32
      %mul3A_11 = arith.muli %scan3A_9, %mul3A_10 : i32
      %add3A_12 = arith.constant 0 : i32
      %add3A_13 = arith.addi %mul3A_11, %add3A_12 : i32
      %dma_start3A = arith.constant 0 : i32
      %dma_start3A_14 = arith.constant 0 : i32
      %dma_start3A_15 = tpu.memref_slice %arg6[%dma_start3A, %dma_start3A_14] : memref<512x64xf32, #tpu.memory_space<vmem>> -> memref<128x64xf32, #tpu.memory_space<vmem>>
      %dma_start3A_16 = arith.constant 0 : i32
      %dma_start3A_17 = tpu.memref_slice %arg5[%add3A_13, %dma_start3A_16] : memref<196x128xi32, #tpu.memory_space<vmem>> -> memref<1x128xi32, #tpu.memory_space<vmem>>
      %dma_start3A_18 = tpu.memref_squeeze %dma_start3A_17 : memref<1x128xi32, #tpu.memory_space<vmem>> -> memref<128xi32, #tpu.memory_space<vmem>>
      %dma_start3A_19 = arith.constant 0 : i32
      %dma_start3A_20 = arith.constant 0 : i32
      %dma_start3A_21 = tpu.memref_slice %arg2[%dma_start3A_19, %dma_start3A_20] : memref<51200x64xf32, #tpu.memory_space<hbm>> -> memref<51200x64xf32, #tpu.memory_space<hbm>>
      tpu.enqueue_indirect_dma source(%dma_start3A_21 : memref<51200x64xf32, #tpu.memory_space<hbm>>) target(%dma_start3A_15 : memref<128x64xf32, #tpu.memory_space<vmem>>) offsets(%dma_start3A_18 : memref<128xi32, #tpu.memory_space<vmem>>) semaphore(%arg7 : memref<!tpu.dma_semaphore, #tpu.memory_space<semaphore_mem>>)
      %add3A_22 = arith.constant 1 : i32
      %add3A_23 = arith.addi %mul3A_11, %add3A_22 : i32
      %dma_start3A_24 = arith.constant 128 : i32
      %dma_start3A_25 = arith.constant 0 : i32
      %dma_start3A_26 = tpu.memref_slice %arg6[%dma_start3A_24, %dma_start3A_25] : memref<512x64xf32, #tpu.memory_space<vmem>> -> memref<128x64xf32, #tpu.memory_space<vmem>>
      %dma_start3A_27 = arith.constant 0 : i32
      %dma_start3A_28 = tpu.memref_slice %arg5[%add3A_23, %dma_start3A_27] : memref<196x128xi32, #tpu.memory_space<vmem>> -> memref<1x128xi32, #tpu.memory_space<vmem>>
      %dma_start3A_29 = tpu.memref_squeeze %dma_start3A_28 : memref<1x128xi32, #tpu.memory_space<vmem>> -> memref<128xi32, #tpu.memory_space<vmem>>
      %dma_start3A_30 = arith.constant 0 : i32
      %dma_start3A_31 = arith.constant 0 : i32
      %dma_start3A_32 = tpu.memref_slice %arg2[%dma_start3A_30, %dma_start3A_31] : memref<51200x64xf32, #tpu.memory_space<hbm>> -> memref<51200x64xf32, #tpu.memory_space<hbm>>
      tpu.enqueue_indirect_dma source(%dma_start3A_32 : memref<51200x64xf32, #tpu.memory_space<hbm>>) target(%dma_start3A_26 : memref<128x64xf32, #tpu.memory_space<vmem>>) offsets(%dma_start3A_29 : memref<128xi32, #tpu.memory_space<vmem>>) semaphore(%arg7 : memref<!tpu.dma_semaphore, #tpu.memory_space<semaphore_mem>>)
      %add3A_33 = arith.constant 2 : i32
      %add3A_34 = arith.addi %mul3A_11, %add3A_33 : i32
      %dma_start3A_35 = arith.constant 256 : i32
      %dma_start3A_36 = arith.constant 0 : i32
      %dma_start3A_37 = tpu.memref_slice %arg6[%dma_start3A_35, %dma_start3A_36] : memref<512x64xf32, #tpu.memory_space<vmem>> -> memref<128x64xf32, #tpu.memory_space<vmem>>
      %dma_start3A_38 = arith.constant 0 : i32
      %dma_start3A_39 = tpu.memref_slice %arg5[%add3A_34, %dma_start3A_38] : memref<196x128xi32, #tpu.memory_space<vmem>> -> memref<1x128xi32, #tpu.memory_space<vmem>>
      %dma_start3A_40 = tpu.memref_squeeze %dma_start3A_39 : memref<1x128xi32, #tpu.memory_space<vmem>> -> memref<128xi32, #tpu.memory_space<vmem>>
      %dma_start3A_41 = arith.constant 0 : i32
      %dma_start3A_42 = arith.constant 0 : i32
      %dma_start3A_43 = tpu.memref_slice %arg2[%dma_start3A_41, %dma_start3A_42] : memref<51200x64xf32, #tpu.memory_space<hbm>> -> memref<51200x64xf32, #tpu.memory_space<hbm>>
      tpu.enqueue_indirect_dma source(%dma_start3A_43 : memref<51200x64xf32, #tpu.memory_space<hbm>>) target(%dma_start3A_37 : memref<128x64xf32, #tpu.memory_space<vmem>>) offsets(%dma_start3A_40 : memref<128xi32, #tpu.memory_space<vmem>>) semaphore(%arg7 : memref<!tpu.dma_semaphore, #tpu.memory_space<semaphore_mem>>)
      %add3A_44 = arith.constant 3 : i32
      %add3A_45 = arith.addi %mul3A_11, %add3A_44 : i32
      %dma_start3A_46 = arith.constant 384 : i32
      %dma_start3A_47 = arith.constant 0 : i32
      %dma_start3A_48 = tpu.memref_slice %arg6[%dma_start3A_46, %dma_start3A_47] : memref<512x64xf32, #tpu.memory_space<vmem>> -> memref<128x64xf32, #tpu.memory_space<vmem>>
      %dma_start3A_49 = arith.constant 0 : i32
      %dma_start3A_50 = tpu.memref_slice %arg5[%add3A_45, %dma_start3A_49] : memref<196x128xi32, #tpu.memory_space<vmem>> -> memref<1x128xi32, #tpu.memory_space<vmem>>
      %dma_start3A_51 = tpu.memref_squeeze %dma_start3A_50 : memref<1x128xi32, #tpu.memory_space<vmem>> -> memref<128xi32, #tpu.memory_space<vmem>>
      %dma_start3A_52 = arith.constant 0 : i32
      %dma_start3A_53 = arith.constant 0 : i32
      %dma_start3A_54 = tpu.memref_slice %arg2[%dma_start3A_52, %dma_start3A_53] : memref<51200x64xf32, #tpu.memory_space<hbm>> -> memref<51200x64xf32, #tpu.memory_space<hbm>>
      tpu.enqueue_indirect_dma source(%dma_start3A_54 : memref<51200x64xf32, #tpu.memory_space<hbm>>) target(%dma_start3A_48 : memref<128x64xf32, #tpu.memory_space<vmem>>) offsets(%dma_start3A_51 : memref<128xi32, #tpu.memory_space<vmem>>) semaphore(%arg7 : memref<!tpu.dma_semaphore, #tpu.memory_space<semaphore_mem>>)
      %dma_wait3A = arith.constant 0 : i32
      %dma_wait3A_55 = arith.constant 0 : i32
      %dma_wait3A_56 = tpu.memref_slice %arg6[%dma_wait3A, %dma_wait3A_55] : memref<512x64xf32, #tpu.memory_space<vmem>> -> memref<128x64xf32, #tpu.memory_space<vmem>>
      %dma_wait3A_57 = arith.constant 0 : i32
      %dma_wait3A_58 = tpu.memref_slice %arg5[%add3A_13, %dma_wait3A_57] : memref<196x128xi32, #tpu.memory_space<vmem>> -> memref<1x128xi32, #tpu.memory_space<vmem>>
      %dma_wait3A_59 = tpu.memref_squeeze %dma_wait3A_58 : memref<1x128xi32, #tpu.memory_space<vmem>> -> memref<128xi32, #tpu.memory_space<vmem>>
      %dma_wait3A_60 = arith.constant 0 : i32
      %dma_wait3A_61 = arith.constant 0 : i32
      %dma_wait3A_62 = tpu.memref_slice %arg2[%dma_wait3A_60, %dma_wait3A_61] : memref<51200x64xf32, #tpu.memory_space<hbm>> -> memref<51200x64xf32, #tpu.memory_space<hbm>>
      tpu.wait_indirect_dma semaphore(%arg7 : memref<!tpu.dma_semaphore, #tpu.memory_space<semaphore_mem>>) src(%dma_wait3A_62 : memref<51200x64xf32, #tpu.memory_space<hbm>>) dst(%dma_wait3A_56 : memref<128x64xf32, #tpu.memory_space<vmem>>)
      %dma_wait3A_63 = arith.constant 128 : i32
      %dma_wait3A_64 = arith.constant 0 : i32
      %dma_wait3A_65 = tpu.memref_slice %arg6[%dma_wait3A_63, %dma_wait3A_64] : memref<512x64xf32, #tpu.memory_space<vmem>> -> memref<128x64xf32, #tpu.memory_space<vmem>>
      %dma_wait3A_66 = arith.constant 0 : i32
      %dma_wait3A_67 = tpu.memref_slice %arg5[%add3A_23, %dma_wait3A_66] : memref<196x128xi32, #tpu.memory_space<vmem>> -> memref<1x128xi32, #tpu.memory_space<vmem>>
      %dma_wait3A_68 = tpu.memref_squeeze %dma_wait3A_67 : memref<1x128xi32, #tpu.memory_space<vmem>> -> memref<128xi32, #tpu.memory_space<vmem>>
      %dma_wait3A_69 = arith.constant 0 : i32
      %dma_wait3A_70 = arith.constant 0 : i32
      %dma_wait3A_71 = tpu.memref_slice %arg2[%dma_wait3A_69, %dma_wait3A_70] : memref<51200x64xf32, #tpu.memory_space<hbm>> -> memref<51200x64xf32, #tpu.memory_space<hbm>>
      tpu.wait_indirect_dma semaphore(%arg7 : memref<!tpu.dma_semaphore, #tpu.memory_space<semaphore_mem>>) src(%dma_wait3A_71 : memref<51200x64xf32, #tpu.memory_space<hbm>>) dst(%dma_wait3A_65 : memref<128x64xf32, #tpu.memory_space<vmem>>)
      %dma_wait3A_72 = arith.constant 256 : i32
      %dma_wait3A_73 = arith.constant 0 : i32
      %dma_wait3A_74 = tpu.memref_slice %arg6[%dma_wait3A_72, %dma_wait3A_73] : memref<512x64xf32, #tpu.memory_space<vmem>> -> memref<128x64xf32, #tpu.memory_space<vmem>>
      %dma_wait3A_75 = arith.constant 0 : i32
      %dma_wait3A_76 = tpu.memref_slice %arg5[%add3A_34, %dma_wait3A_75] : memref<196x128xi32, #tpu.memory_space<vmem>> -> memref<1x128xi32, #tpu.memory_space<vmem>>
      %dma_wait3A_77 = tpu.memref_squeeze %dma_wait3A_76 : memref<1x128xi32, #tpu.memory_space<vmem>> -> memref<128xi32, #tpu.memory_space<vmem>>
      %dma_wait3A_78 = arith.constant 0 : i32
      %dma_wait3A_79 = arith.constant 0 : i32
      %dma_wait3A_80 = tpu.memref_slice %arg2[%dma_wait3A_78, %dma_wait3A_79] : memref<51200x64xf32, #tpu.memory_space<hbm>> -> memref<51200x64xf32, #tpu.memory_space<hbm>>
      tpu.wait_indirect_dma semaphore(%arg7 : memref<!tpu.dma_semaphore, #tpu.memory_space<semaphore_mem>>) src(%dma_wait3A_80 : memref<51200x64xf32, #tpu.memory_space<hbm>>) dst(%dma_wait3A_74 : memref<128x64xf32, #tpu.memory_space<vmem>>)
      %dma_wait3A_81 = arith.constant 384 : i32
      %dma_wait3A_82 = arith.constant 0 : i32
      %dma_wait3A_83 = tpu.memref_slice %arg6[%dma_wait3A_81, %dma_wait3A_82] : memref<512x64xf32, #tpu.memory_space<vmem>> -> memref<128x64xf32, #tpu.memory_space<vmem>>
      %dma_wait3A_84 = arith.constant 0 : i32
      %dma_wait3A_85 = tpu.memref_slice %arg5[%add3A_45, %dma_wait3A_84] : memref<196x128xi32, #tpu.memory_space<vmem>> -> memref<1x128xi32, #tpu.memory_space<vmem>>
      %dma_wait3A_86 = tpu.memref_squeeze %dma_wait3A_85 : memref<1x128xi32, #tpu.memory_space<vmem>> -> memref<128xi32, #tpu.memory_space<vmem>>
      %dma_wait3A_87 = arith.constant 0 : i32
      %dma_wait3A_88 = arith.constant 0 : i32
      %dma_wait3A_89 = tpu.memref_slice %arg2[%dma_wait3A_87, %dma_wait3A_88] : memref<51200x64xf32, #tpu.memory_space<hbm>> -> memref<51200x64xf32, #tpu.memory_space<hbm>>
      tpu.wait_indirect_dma semaphore(%arg7 : memref<!tpu.dma_semaphore, #tpu.memory_space<semaphore_mem>>) src(%dma_wait3A_89 : memref<51200x64xf32, #tpu.memory_space<hbm>>) dst(%dma_wait3A_83 : memref<128x64xf32, #tpu.memory_space<vmem>>)
      %add3A_90 = arith.addi %add3A_4, %mul3A_11 : i32
      %mul3A_91 = arith.constant 128 : i32
      %mul3A_92 = arith.muli %add3A_90, %mul3A_91 : i32
      "tpu.region"() ({
        %run_scoped3A = tpu.sem_alloc : memref<!tpu.dma_semaphore, #tpu.memory_space<semaphore_mem>>
        %dma_start3A_93 = arith.constant 0 : i32
        %dma_start3A_94 = tpu.memref_slice %arg4[%mul3A_92, %dma_start3A_93] : memref<802816x64xf32, #tpu.memory_space<hbm>> -> memref<512x64xf32, #tpu.memory_space<hbm>>
        %dma_start3A_95 = arith.constant 0 : i32
        %dma_start3A_96 = tpu.memref_slice %arg4[%mul3A_92, %dma_start3A_95] : memref<802816x64xf32, #tpu.memory_space<hbm>> -> memref<512x64xf32, #tpu.memory_space<hbm>>
        tpu.enqueue_dma source(%arg6 : memref<512x64xf32, #tpu.memory_space<vmem>>) target(%dma_start3A_96 : memref<512x64xf32, #tpu.memory_space<hbm>>) target_semaphore(%run_scoped3A : memref<!tpu.dma_semaphore, #tpu.memory_space<semaphore_mem>>)
        %dma_wait3A_97 = arith.constant 0 : i32
        %dma_wait3A_98 = tpu.memref_slice %arg4[%mul3A_92, %dma_wait3A_97] : memref<802816x64xf32, #tpu.memory_space<hbm>> -> memref<512x64xf32, #tpu.memory_space<hbm>>
        %dma_wait3A_99 = arith.constant 0 : i32
        %dma_wait3A_100 = tpu.memref_slice %arg4[%mul3A_92, %dma_wait3A_99] : memref<802816x64xf32, #tpu.memory_space<hbm>> -> memref<512x64xf32, #tpu.memory_space<hbm>>
        tpu.wait_dma2 semaphore(%run_scoped3A : memref<!tpu.dma_semaphore, #tpu.memory_space<semaphore_mem>>) src(%arg6 : memref<512x64xf32, #tpu.memory_space<vmem>>) dst(%dma_wait3A_100 : memref<512x64xf32, #tpu.memory_space<hbm>>)
        tpu.yield
      }) : () -> ()
    }
    %scan3A_8 = arith.constant 49 : i32
    return
  }
}

#map = affine_map<(d0, d1) -> (0, 0)>
module attributes {stable_mosaic.version = 14 : i64} {
  func.func @_scatter_body(%arg0: i32, %arg1: i32, %arg2: memref<800000x64xf32, #tpu.memory_space<hbm>>, %arg3: memref<6256x128xi32, #tpu.memory_space<hbm>>, %arg4: memref<3200x32xf32, #tpu.memory_space<hbm>>, %arg5: memref<51200x64xf32, #tpu.memory_space<hbm>>, %arg6: memref<4x128xi32, #tpu.memory_space<vmem>>, %arg7: memref<512x32xf32, #tpu.memory_space<vmem>>, %arg8: memref<51200x32xf32, #tpu.memory_space<vmem_shared>>, %arg9: memref<!tpu.dma_semaphore, #tpu.memory_space<semaphore_mem>>) attributes {dimension_semantics = [#tpu.dimension_semantics<core_parallel>, #tpu.dimension_semantics<subcore_parallel>], iteration_bounds = array<i64: 2, 16>, scalar_prefetch = 0 : i64, scratch_operands = 4 : i64, tpu.core_type = #tpu.core_type<sc_vector_subcore>, window_params = [{transform_indices = #map}, {transform_indices = #map}, {transform_indices = #map}, {transform_indices = #map}]} {
    %mul3A = arith.constant 32 : i32
    %mul3A_0 = arith.muli %arg0, %mul3A : i32
    %mul3A_1 = arith.constant 3200 : i32
    %mul3A_2 = arith.muli %arg1, %mul3A_1 : i32
    "tpu.region"() ({
      %run_scoped3A = tpu.sem_alloc : memref<!tpu.dma_semaphore, #tpu.memory_space<semaphore_mem>>
      %dma_start3A_57 = arith.constant 0 : i32
      %dma_start3A_58 = tpu.memref_slice %arg8[%mul3A_2, %dma_start3A_57] : memref<51200x32xf32, #tpu.memory_space<vmem_shared>> -> memref<3200x32xf32, #tpu.memory_space<vmem_shared>>
      tpu.enqueue_dma source(%arg4 : memref<3200x32xf32, #tpu.memory_space<hbm>>) target(%dma_start3A_58 : memref<3200x32xf32, #tpu.memory_space<vmem_shared>>) target_semaphore(%run_scoped3A : memref<!tpu.dma_semaphore, #tpu.memory_space<semaphore_mem>>)
      %dma_wait3A_59 = arith.constant 0 : i32
      %dma_wait3A_60 = tpu.memref_slice %arg8[%mul3A_2, %dma_wait3A_59] : memref<51200x32xf32, #tpu.memory_space<vmem_shared>> -> memref<3200x32xf32, #tpu.memory_space<vmem_shared>>
      tpu.wait_dma2 semaphore(%run_scoped3A : memref<!tpu.dma_semaphore, #tpu.memory_space<semaphore_mem>>) src(%arg4 : memref<3200x32xf32, #tpu.memory_space<hbm>>) dst(%dma_wait3A_60 : memref<3200x32xf32, #tpu.memory_space<vmem_shared>>)
      tpu.yield
    }) : () -> ()
    %barrier3A = arith.constant 0 : index
    tpu.barrier barrier_id(%barrier3A)
    %mul3A_3 = arith.constant 390 : i32
    %mul3A_4 = arith.muli %arg1, %mul3A_3 : i32
    %min3A = arith.constant 10 : i32
    %min3A_5 = arith.minsi %arg1, %min3A : i32
    %add3A = arith.addi %mul3A_4, %min3A_5 : i32
    %scan3A = arith.constant 0 : i32
    %scan3A_6 = arith.constant 97 : i32
    %scan3A_7 = arith.addi %scan3A, %scan3A_6 : i32
    %scan3A_8 = arith.constant 1 : i32
    scf.for %scan3A_57 = %scan3A to %scan3A_7 step %scan3A_8  : i32 {
      %mul3A_58 = arith.constant 4 : i32
      %mul3A_59 = arith.muli %scan3A_57, %mul3A_58 : i32
      %add3A_60 = arith.addi %add3A, %mul3A_59 : i32
      "tpu.region"() ({
        %run_scoped3A = tpu.sem_alloc : memref<!tpu.dma_semaphore, #tpu.memory_space<semaphore_mem>>
        %dma_start3A_144 = arith.constant 0 : i32
        %dma_start3A_145 = tpu.memref_slice %arg3[%add3A_60, %dma_start3A_144] : memref<6256x128xi32, #tpu.memory_space<hbm>> -> memref<4x128xi32, #tpu.memory_space<hbm>>
        %dma_start3A_146 = arith.constant 0 : i32
        %dma_start3A_147 = tpu.memref_slice %arg3[%add3A_60, %dma_start3A_146] : memref<6256x128xi32, #tpu.memory_space<hbm>> -> memref<4x128xi32, #tpu.memory_space<hbm>>
        tpu.enqueue_dma source(%dma_start3A_147 : memref<4x128xi32, #tpu.memory_space<hbm>>) target(%arg6 : memref<4x128xi32, #tpu.memory_space<vmem>>) target_semaphore(%run_scoped3A : memref<!tpu.dma_semaphore, #tpu.memory_space<semaphore_mem>>)
        %dma_wait3A_148 = arith.constant 0 : i32
        %dma_wait3A_149 = tpu.memref_slice %arg3[%add3A_60, %dma_wait3A_148] : memref<6256x128xi32, #tpu.memory_space<hbm>> -> memref<4x128xi32, #tpu.memory_space<hbm>>
        %dma_wait3A_150 = arith.constant 0 : i32
        %dma_wait3A_151 = tpu.memref_slice %arg3[%add3A_60, %dma_wait3A_150] : memref<6256x128xi32, #tpu.memory_space<hbm>> -> memref<4x128xi32, #tpu.memory_space<hbm>>
        tpu.wait_dma2 semaphore(%run_scoped3A : memref<!tpu.dma_semaphore, #tpu.memory_space<semaphore_mem>>) src(%dma_wait3A_151 : memref<4x128xi32, #tpu.memory_space<hbm>>) dst(%arg6 : memref<4x128xi32, #tpu.memory_space<vmem>>)
        tpu.yield
      }) : () -> ()
      %add3A_61 = arith.addi %add3A, %mul3A_59 : i32
      %mul3A_62 = arith.constant 128 : i32
      %mul3A_63 = arith.muli %add3A_61, %mul3A_62 : i32
      "tpu.region"() ({
        %run_scoped3A = tpu.sem_alloc : memref<!tpu.dma_semaphore, #tpu.memory_space<semaphore_mem>>
        %dma_start3A_144 = tpu.memref_slice %arg2[%mul3A_63, %mul3A_0] : memref<800000x64xf32, #tpu.memory_space<hbm>> -> memref<512x32xf32, #tpu.memory_space<hbm>>
        %dma_start3A_145 = tpu.memref_slice %arg2[%mul3A_63, %mul3A_0] : memref<800000x64xf32, #tpu.memory_space<hbm>> -> memref<512x32xf32, #tpu.memory_space<hbm>>
        tpu.enqueue_dma source(%dma_start3A_145 : memref<512x32xf32, #tpu.memory_space<hbm>>) target(%arg7 : memref<512x32xf32, #tpu.memory_space<vmem>>) target_semaphore(%run_scoped3A : memref<!tpu.dma_semaphore, #tpu.memory_space<semaphore_mem>>)
        %dma_wait3A_146 = tpu.memref_slice %arg2[%mul3A_63, %mul3A_0] : memref<800000x64xf32, #tpu.memory_space<hbm>> -> memref<512x32xf32, #tpu.memory_space<hbm>>
        %dma_wait3A_147 = tpu.memref_slice %arg2[%mul3A_63, %mul3A_0] : memref<800000x64xf32, #tpu.memory_space<hbm>> -> memref<512x32xf32, #tpu.memory_space<hbm>>
        tpu.wait_dma2 semaphore(%run_scoped3A : memref<!tpu.dma_semaphore, #tpu.memory_space<semaphore_mem>>) src(%dma_wait3A_147 : memref<512x32xf32, #tpu.memory_space<hbm>>) dst(%arg7 : memref<512x32xf32, #tpu.memory_space<vmem>>)
        tpu.yield
      }) : () -> ()
      %dma_start3A_64 = arith.constant 0 : i32
      %dma_start3A_65 = arith.constant 0 : i32
      %dma_start3A_66 = arith.constant 0 : i32
      %dma_start3A_67 = tpu.memref_slice %arg7[%dma_start3A_65, %dma_start3A_66] : memref<512x32xf32, #tpu.memory_space<vmem>> -> memref<128x32xf32, #tpu.memory_space<vmem>>
      %dma_start3A_68 = arith.constant 0 : i32
      %dma_start3A_69 = tpu.memref_slice %arg6[%dma_start3A_64, %dma_start3A_68] : memref<4x128xi32, #tpu.memory_space<vmem>> -> memref<1x128xi32, #tpu.memory_space<vmem>>
      %dma_start3A_70 = tpu.memref_squeeze %dma_start3A_69 : memref<1x128xi32, #tpu.memory_space<vmem>> -> memref<128xi32, #tpu.memory_space<vmem>>
      %dma_start3A_71 = arith.constant 0 : i32
      %dma_start3A_72 = arith.constant 0 : i32
      %dma_start3A_73 = tpu.memref_slice %arg8[%dma_start3A_71, %dma_start3A_72] : memref<51200x32xf32, #tpu.memory_space<vmem_shared>> -> memref<51200x32xf32, #tpu.memory_space<vmem_shared>>
      tpu.enqueue_indirect_dma source(%dma_start3A_67 : memref<128x32xf32, #tpu.memory_space<vmem>>) target(%dma_start3A_73 : memref<51200x32xf32, #tpu.memory_space<vmem_shared>>) offsets(%dma_start3A_70 : memref<128xi32, #tpu.memory_space<vmem>>) semaphore(%arg9 : memref<!tpu.dma_semaphore, #tpu.memory_space<semaphore_mem>>) {add = true}
      %dma_start3A_74 = arith.constant 1 : i32
      %dma_start3A_75 = arith.constant 128 : i32
      %dma_start3A_76 = arith.constant 0 : i32
      %dma_start3A_77 = tpu.memref_slice %arg7[%dma_start3A_75, %dma_start3A_76] : memref<512x32xf32, #tpu.memory_space<vmem>> -> memref<128x32xf32, #tpu.memory_space<vmem>>
      %dma_start3A_78 = arith.constant 0 : i32
      %dma_start3A_79 = tpu.memref_slice %arg6[%dma_start3A_74, %dma_start3A_78] : memref<4x128xi32, #tpu.memory_space<vmem>> -> memref<1x128xi32, #tpu.memory_space<vmem>>
      %dma_start3A_80 = tpu.memref_squeeze %dma_start3A_79 : memref<1x128xi32, #tpu.memory_space<vmem>> -> memref<128xi32, #tpu.memory_space<vmem>>
      %dma_start3A_81 = arith.constant 0 : i32
      %dma_start3A_82 = arith.constant 0 : i32
      %dma_start3A_83 = tpu.memref_slice %arg8[%dma_start3A_81, %dma_start3A_82] : memref<51200x32xf32, #tpu.memory_space<vmem_shared>> -> memref<51200x32xf32, #tpu.memory_space<vmem_shared>>
      tpu.enqueue_indirect_dma source(%dma_start3A_77 : memref<128x32xf32, #tpu.memory_space<vmem>>) target(%dma_start3A_83 : memref<51200x32xf32, #tpu.memory_space<vmem_shared>>) offsets(%dma_start3A_80 : memref<128xi32, #tpu.memory_space<vmem>>) semaphore(%arg9 : memref<!tpu.dma_semaphore, #tpu.memory_space<semaphore_mem>>) {add = true}
      %dma_start3A_84 = arith.constant 2 : i32
      %dma_start3A_85 = arith.constant 256 : i32
      %dma_start3A_86 = arith.constant 0 : i32
      %dma_start3A_87 = tpu.memref_slice %arg7[%dma_start3A_85, %dma_start3A_86] : memref<512x32xf32, #tpu.memory_space<vmem>> -> memref<128x32xf32, #tpu.memory_space<vmem>>
      %dma_start3A_88 = arith.constant 0 : i32
      %dma_start3A_89 = tpu.memref_slice %arg6[%dma_start3A_84, %dma_start3A_88] : memref<4x128xi32, #tpu.memory_space<vmem>> -> memref<1x128xi32, #tpu.memory_space<vmem>>
      %dma_start3A_90 = tpu.memref_squeeze %dma_start3A_89 : memref<1x128xi32, #tpu.memory_space<vmem>> -> memref<128xi32, #tpu.memory_space<vmem>>
      %dma_start3A_91 = arith.constant 0 : i32
      %dma_start3A_92 = arith.constant 0 : i32
      %dma_start3A_93 = tpu.memref_slice %arg8[%dma_start3A_91, %dma_start3A_92] : memref<51200x32xf32, #tpu.memory_space<vmem_shared>> -> memref<51200x32xf32, #tpu.memory_space<vmem_shared>>
      tpu.enqueue_indirect_dma source(%dma_start3A_87 : memref<128x32xf32, #tpu.memory_space<vmem>>) target(%dma_start3A_93 : memref<51200x32xf32, #tpu.memory_space<vmem_shared>>) offsets(%dma_start3A_90 : memref<128xi32, #tpu.memory_space<vmem>>) semaphore(%arg9 : memref<!tpu.dma_semaphore, #tpu.memory_space<semaphore_mem>>) {add = true}
      %dma_start3A_94 = arith.constant 3 : i32
      %dma_start3A_95 = arith.constant 384 : i32
      %dma_start3A_96 = arith.constant 0 : i32
      %dma_start3A_97 = tpu.memref_slice %arg7[%dma_start3A_95, %dma_start3A_96] : memref<512x32xf32, #tpu.memory_space<vmem>> -> memref<128x32xf32, #tpu.memory_space<vmem>>
      %dma_start3A_98 = arith.constant 0 : i32
      %dma_start3A_99 = tpu.memref_slice %arg6[%dma_start3A_94, %dma_start3A_98] : memref<4x128xi32, #tpu.memory_space<vmem>> -> memref<1x128xi32, #tpu.memory_space<vmem>>
      %dma_start3A_100 = tpu.memref_squeeze %dma_start3A_99 : memref<1x128xi32, #tpu.memory_space<vmem>> -> memref<128xi32, #tpu.memory_space<vmem>>
      %dma_start3A_101 = arith.constant 0 : i32
      %dma_start3A_102 = arith.constant 0 : i32
      %dma_start3A_103 = tpu.memref_slice %arg8[%dma_start3A_101, %dma_start3A_102] : memref<51200x32xf32, #tpu.memory_space<vmem_shared>> -> memref<51200x32xf32, #tpu.memory_space<vmem_shared>>
      tpu.enqueue_indirect_dma source(%dma_start3A_97 : memref<128x32xf32, #tpu.memory_space<vmem>>) target(%dma_start3A_103 : memref<51200x32xf32, #tpu.memory_space<vmem_shared>>) offsets(%dma_start3A_100 : memref<128xi32, #tpu.memory_space<vmem>>) semaphore(%arg9 : memref<!tpu.dma_semaphore, #tpu.memory_space<semaphore_mem>>) {add = true}
      %dma_wait3A_104 = arith.constant 0 : i32
      %dma_wait3A_105 = arith.constant 0 : i32
      %dma_wait3A_106 = arith.constant 0 : i32
      %dma_wait3A_107 = tpu.memref_slice %arg7[%dma_wait3A_105, %dma_wait3A_106] : memref<512x32xf32, #tpu.memory_space<vmem>> -> memref<128x32xf32, #tpu.memory_space<vmem>>
      %dma_wait3A_108 = arith.constant 0 : i32
      %dma_wait3A_109 = tpu.memref_slice %arg6[%dma_wait3A_104, %dma_wait3A_108] : memref<4x128xi32, #tpu.memory_space<vmem>> -> memref<1x128xi32, #tpu.memory_space<vmem>>
      %dma_wait3A_110 = tpu.memref_squeeze %dma_wait3A_109 : memref<1x128xi32, #tpu.memory_space<vmem>> -> memref<128xi32, #tpu.memory_space<vmem>>
      %dma_wait3A_111 = arith.constant 0 : i32
      %dma_wait3A_112 = arith.constant 0 : i32
      %dma_wait3A_113 = tpu.memref_slice %arg8[%dma_wait3A_111, %dma_wait3A_112] : memref<51200x32xf32, #tpu.memory_space<vmem_shared>> -> memref<51200x32xf32, #tpu.memory_space<vmem_shared>>
      tpu.wait_indirect_dma semaphore(%arg9 : memref<!tpu.dma_semaphore, #tpu.memory_space<semaphore_mem>>) src(%dma_wait3A_107 : memref<128x32xf32, #tpu.memory_space<vmem>>) dst(%dma_wait3A_113 : memref<51200x32xf32, #tpu.memory_space<vmem_shared>>)
      %dma_wait3A_114 = arith.constant 1 : i32
      %dma_wait3A_115 = arith.constant 128 : i32
      %dma_wait3A_116 = arith.constant 0 : i32
      %dma_wait3A_117 = tpu.memref_slice %arg7[%dma_wait3A_115, %dma_wait3A_116] : memref<512x32xf32, #tpu.memory_space<vmem>> -> memref<128x32xf32, #tpu.memory_space<vmem>>
      %dma_wait3A_118 = arith.constant 0 : i32
      %dma_wait3A_119 = tpu.memref_slice %arg6[%dma_wait3A_114, %dma_wait3A_118] : memref<4x128xi32, #tpu.memory_space<vmem>> -> memref<1x128xi32, #tpu.memory_space<vmem>>
      %dma_wait3A_120 = tpu.memref_squeeze %dma_wait3A_119 : memref<1x128xi32, #tpu.memory_space<vmem>> -> memref<128xi32, #tpu.memory_space<vmem>>
      %dma_wait3A_121 = arith.constant 0 : i32
      %dma_wait3A_122 = arith.constant 0 : i32
      %dma_wait3A_123 = tpu.memref_slice %arg8[%dma_wait3A_121, %dma_wait3A_122] : memref<51200x32xf32, #tpu.memory_space<vmem_shared>> -> memref<51200x32xf32, #tpu.memory_space<vmem_shared>>
      tpu.wait_indirect_dma semaphore(%arg9 : memref<!tpu.dma_semaphore, #tpu.memory_space<semaphore_mem>>) src(%dma_wait3A_117 : memref<128x32xf32, #tpu.memory_space<vmem>>) dst(%dma_wait3A_123 : memref<51200x32xf32, #tpu.memory_space<vmem_shared>>)
      %dma_wait3A_124 = arith.constant 2 : i32
      %dma_wait3A_125 = arith.constant 256 : i32
      %dma_wait3A_126 = arith.constant 0 : i32
      %dma_wait3A_127 = tpu.memref_slice %arg7[%dma_wait3A_125, %dma_wait3A_126] : memref<512x32xf32, #tpu.memory_space<vmem>> -> memref<128x32xf32, #tpu.memory_space<vmem>>
      %dma_wait3A_128 = arith.constant 0 : i32
      %dma_wait3A_129 = tpu.memref_slice %arg6[%dma_wait3A_124, %dma_wait3A_128] : memref<4x128xi32, #tpu.memory_space<vmem>> -> memref<1x128xi32, #tpu.memory_space<vmem>>
      %dma_wait3A_130 = tpu.memref_squeeze %dma_wait3A_129 : memref<1x128xi32, #tpu.memory_space<vmem>> -> memref<128xi32, #tpu.memory_space<vmem>>
      %dma_wait3A_131 = arith.constant 0 : i32
      %dma_wait3A_132 = arith.constant 0 : i32
      %dma_wait3A_133 = tpu.memref_slice %arg8[%dma_wait3A_131, %dma_wait3A_132] : memref<51200x32xf32, #tpu.memory_space<vmem_shared>> -> memref<51200x32xf32, #tpu.memory_space<vmem_shared>>
      tpu.wait_indirect_dma semaphore(%arg9 : memref<!tpu.dma_semaphore, #tpu.memory_space<semaphore_mem>>) src(%dma_wait3A_127 : memref<128x32xf32, #tpu.memory_space<vmem>>) dst(%dma_wait3A_133 : memref<51200x32xf32, #tpu.memory_space<vmem_shared>>)
      %dma_wait3A_134 = arith.constant 3 : i32
      %dma_wait3A_135 = arith.constant 384 : i32
      %dma_wait3A_136 = arith.constant 0 : i32
      %dma_wait3A_137 = tpu.memref_slice %arg7[%dma_wait3A_135, %dma_wait3A_136] : memref<512x32xf32, #tpu.memory_space<vmem>> -> memref<128x32xf32, #tpu.memory_space<vmem>>
      %dma_wait3A_138 = arith.constant 0 : i32
      %dma_wait3A_139 = tpu.memref_slice %arg6[%dma_wait3A_134, %dma_wait3A_138] : memref<4x128xi32, #tpu.memory_space<vmem>> -> memref<1x128xi32, #tpu.memory_space<vmem>>
      %dma_wait3A_140 = tpu.memref_squeeze %dma_wait3A_139 : memref<1x128xi32, #tpu.memory_space<vmem>> -> memref<128xi32, #tpu.memory_space<vmem>>
      %dma_wait3A_141 = arith.constant 0 : i32
      %dma_wait3A_142 = arith.constant 0 : i32
      %dma_wait3A_143 = tpu.memref_slice %arg8[%dma_wait3A_141, %dma_wait3A_142] : memref<51200x32xf32, #tpu.memory_space<vmem_shared>> -> memref<51200x32xf32, #tpu.memory_space<vmem_shared>>
      tpu.wait_indirect_dma semaphore(%arg9 : memref<!tpu.dma_semaphore, #tpu.memory_space<semaphore_mem>>) src(%dma_wait3A_137 : memref<128x32xf32, #tpu.memory_space<vmem>>) dst(%dma_wait3A_143 : memref<51200x32xf32, #tpu.memory_space<vmem_shared>>)
    }
    %scan3A_9 = arith.constant 97 : i32
    %add3A_10 = arith.constant 388 : i32
    %add3A_11 = arith.addi %add3A, %add3A_10 : i32
    "tpu.region"() ({
      %run_scoped3A = tpu.sem_alloc : memref<!tpu.dma_semaphore, #tpu.memory_space<semaphore_mem>>
      %dma_start3A_57 = arith.constant 0 : i32
      %dma_start3A_58 = arith.constant 0 : i32
      %dma_start3A_59 = tpu.memref_slice %arg6[%dma_start3A_57, %dma_start3A_58] : memref<4x128xi32, #tpu.memory_space<vmem>> -> memref<2x128xi32, #tpu.memory_space<vmem>>
      %dma_start3A_60 = arith.constant 0 : i32
      %dma_start3A_61 = tpu.memref_slice %arg3[%add3A_11, %dma_start3A_60] : memref<6256x128xi32, #tpu.memory_space<hbm>> -> memref<2x128xi32, #tpu.memory_space<hbm>>
      %dma_start3A_62 = arith.constant 0 : i32
      %dma_start3A_63 = arith.constant 0 : i32
      %dma_start3A_64 = tpu.memref_slice %arg6[%dma_start3A_62, %dma_start3A_63] : memref<4x128xi32, #tpu.memory_space<vmem>> -> memref<2x128xi32, #tpu.memory_space<vmem>>
      %dma_start3A_65 = arith.constant 0 : i32
      %dma_start3A_66 = tpu.memref_slice %arg3[%add3A_11, %dma_start3A_65] : memref<6256x128xi32, #tpu.memory_space<hbm>> -> memref<2x128xi32, #tpu.memory_space<hbm>>
      tpu.enqueue_dma source(%dma_start3A_66 : memref<2x128xi32, #tpu.memory_space<hbm>>) target(%dma_start3A_64 : memref<2x128xi32, #tpu.memory_space<vmem>>) target_semaphore(%run_scoped3A : memref<!tpu.dma_semaphore, #tpu.memory_space<semaphore_mem>>)
      %dma_wait3A_67 = arith.constant 0 : i32
      %dma_wait3A_68 = arith.constant 0 : i32
      %dma_wait3A_69 = tpu.memref_slice %arg6[%dma_wait3A_67, %dma_wait3A_68] : memref<4x128xi32, #tpu.memory_space<vmem>> -> memref<2x128xi32, #tpu.memory_space<vmem>>
      %dma_wait3A_70 = arith.constant 0 : i32
      %dma_wait3A_71 = tpu.memref_slice %arg3[%add3A_11, %dma_wait3A_70] : memref<6256x128xi32, #tpu.memory_space<hbm>> -> memref<2x128xi32, #tpu.memory_space<hbm>>
      %dma_wait3A_72 = arith.constant 0 : i32
      %dma_wait3A_73 = arith.constant 0 : i32
      %dma_wait3A_74 = tpu.memref_slice %arg6[%dma_wait3A_72, %dma_wait3A_73] : memref<4x128xi32, #tpu.memory_space<vmem>> -> memref<2x128xi32, #tpu.memory_space<vmem>>
      %dma_wait3A_75 = arith.constant 0 : i32
      %dma_wait3A_76 = tpu.memref_slice %arg3[%add3A_11, %dma_wait3A_75] : memref<6256x128xi32, #tpu.memory_space<hbm>> -> memref<2x128xi32, #tpu.memory_space<hbm>>
      tpu.wait_dma2 semaphore(%run_scoped3A : memref<!tpu.dma_semaphore, #tpu.memory_space<semaphore_mem>>) src(%dma_wait3A_76 : memref<2x128xi32, #tpu.memory_space<hbm>>) dst(%dma_wait3A_74 : memref<2x128xi32, #tpu.memory_space<vmem>>)
      tpu.yield
    }) : () -> ()
    %add3A_12 = arith.constant 388 : i32
    %add3A_13 = arith.addi %add3A, %add3A_12 : i32
    %mul3A_14 = arith.constant 128 : i32
    %mul3A_15 = arith.muli %add3A_13, %mul3A_14 : i32
    "tpu.region"() ({
      %run_scoped3A = tpu.sem_alloc : memref<!tpu.dma_semaphore, #tpu.memory_space<semaphore_mem>>
      %dma_start3A_57 = arith.constant 0 : i32
      %dma_start3A_58 = arith.constant 0 : i32
      %dma_start3A_59 = tpu.memref_slice %arg7[%dma_start3A_57, %dma_start3A_58] : memref<512x32xf32, #tpu.memory_space<vmem>> -> memref<256x32xf32, #tpu.memory_space<vmem>>
      %dma_start3A_60 = tpu.memref_slice %arg2[%mul3A_15, %mul3A_0] : memref<800000x64xf32, #tpu.memory_space<hbm>> -> memref<256x32xf32, #tpu.memory_space<hbm>>
      %dma_start3A_61 = arith.constant 0 : i32
      %dma_start3A_62 = arith.constant 0 : i32
      %dma_start3A_63 = tpu.memref_slice %arg7[%dma_start3A_61, %dma_start3A_62] : memref<512x32xf32, #tpu.memory_space<vmem>> -> memref<256x32xf32, #tpu.memory_space<vmem>>
      %dma_start3A_64 = tpu.memref_slice %arg2[%mul3A_15, %mul3A_0] : memref<800000x64xf32, #tpu.memory_space<hbm>> -> memref<256x32xf32, #tpu.memory_space<hbm>>
      tpu.enqueue_dma source(%dma_start3A_64 : memref<256x32xf32, #tpu.memory_space<hbm>>) target(%dma_start3A_63 : memref<256x32xf32, #tpu.memory_space<vmem>>) target_semaphore(%run_scoped3A : memref<!tpu.dma_semaphore, #tpu.memory_space<semaphore_mem>>)
      %dma_wait3A_65 = arith.constant 0 : i32
      %dma_wait3A_66 = arith.constant 0 : i32
      %dma_wait3A_67 = tpu.memref_slice %arg7[%dma_wait3A_65, %dma_wait3A_66] : memref<512x32xf32, #tpu.memory_space<vmem>> -> memref<256x32xf32, #tpu.memory_space<vmem>>
      %dma_wait3A_68 = tpu.memref_slice %arg2[%mul3A_15, %mul3A_0] : memref<800000x64xf32, #tpu.memory_space<hbm>> -> memref<256x32xf32, #tpu.memory_space<hbm>>
      %dma_wait3A_69 = arith.constant 0 : i32
      %dma_wait3A_70 = arith.constant 0 : i32
      %dma_wait3A_71 = tpu.memref_slice %arg7[%dma_wait3A_69, %dma_wait3A_70] : memref<512x32xf32, #tpu.memory_space<vmem>> -> memref<256x32xf32, #tpu.memory_space<vmem>>
      %dma_wait3A_72 = tpu.memref_slice %arg2[%mul3A_15, %mul3A_0] : memref<800000x64xf32, #tpu.memory_space<hbm>> -> memref<256x32xf32, #tpu.memory_space<hbm>>
      tpu.wait_dma2 semaphore(%run_scoped3A : memref<!tpu.dma_semaphore, #tpu.memory_space<semaphore_mem>>) src(%dma_wait3A_72 : memref<256x32xf32, #tpu.memory_space<hbm>>) dst(%dma_wait3A_71 : memref<256x32xf32, #tpu.memory_space<vmem>>)
      tpu.yield
    }) : () -> ()
    %dma_start3A = arith.constant 0 : i32
    %dma_start3A_16 = arith.constant 0 : i32
    %dma_start3A_17 = arith.constant 0 : i32
    %dma_start3A_18 = tpu.memref_slice %arg7[%dma_start3A_16, %dma_start3A_17] : memref<512x32xf32, #tpu.memory_space<vmem>> -> memref<128x32xf32, #tpu.memory_space<vmem>>
    %dma_start3A_19 = arith.constant 0 : i32
    %dma_start3A_20 = tpu.memref_slice %arg6[%dma_start3A, %dma_start3A_19] : memref<4x128xi32, #tpu.memory_space<vmem>> -> memref<1x128xi32, #tpu.memory_space<vmem>>
    %dma_start3A_21 = tpu.memref_squeeze %dma_start3A_20 : memref<1x128xi32, #tpu.memory_space<vmem>> -> memref<128xi32, #tpu.memory_space<vmem>>
    %dma_start3A_22 = arith.constant 0 : i32
    %dma_start3A_23 = arith.constant 0 : i32
    %dma_start3A_24 = tpu.memref_slice %arg8[%dma_start3A_22, %dma_start3A_23] : memref<51200x32xf32, #tpu.memory_space<vmem_shared>> -> memref<51200x32xf32, #tpu.memory_space<vmem_shared>>
    tpu.enqueue_indirect_dma source(%dma_start3A_18 : memref<128x32xf32, #tpu.memory_space<vmem>>) target(%dma_start3A_24 : memref<51200x32xf32, #tpu.memory_space<vmem_shared>>) offsets(%dma_start3A_21 : memref<128xi32, #tpu.memory_space<vmem>>) semaphore(%arg9 : memref<!tpu.dma_semaphore, #tpu.memory_space<semaphore_mem>>) {add = true}
    %dma_start3A_25 = arith.constant 1 : i32
    %dma_start3A_26 = arith.constant 128 : i32
    %dma_start3A_27 = arith.constant 0 : i32
    %dma_start3A_28 = tpu.memref_slice %arg7[%dma_start3A_26, %dma_start3A_27] : memref<512x32xf32, #tpu.memory_space<vmem>> -> memref<128x32xf32, #tpu.memory_space<vmem>>
    %dma_start3A_29 = arith.constant 0 : i32
    %dma_start3A_30 = tpu.memref_slice %arg6[%dma_start3A_25, %dma_start3A_29] : memref<4x128xi32, #tpu.memory_space<vmem>> -> memref<1x128xi32, #tpu.memory_space<vmem>>
    %dma_start3A_31 = tpu.memref_squeeze %dma_start3A_30 : memref<1x128xi32, #tpu.memory_space<vmem>> -> memref<128xi32, #tpu.memory_space<vmem>>
    %dma_start3A_32 = arith.constant 0 : i32
    %dma_start3A_33 = arith.constant 0 : i32
    %dma_start3A_34 = tpu.memref_slice %arg8[%dma_start3A_32, %dma_start3A_33] : memref<51200x32xf32, #tpu.memory_space<vmem_shared>> -> memref<51200x32xf32, #tpu.memory_space<vmem_shared>>
    tpu.enqueue_indirect_dma source(%dma_start3A_28 : memref<128x32xf32, #tpu.memory_space<vmem>>) target(%dma_start3A_34 : memref<51200x32xf32, #tpu.memory_space<vmem_shared>>) offsets(%dma_start3A_31 : memref<128xi32, #tpu.memory_space<vmem>>) semaphore(%arg9 : memref<!tpu.dma_semaphore, #tpu.memory_space<semaphore_mem>>) {add = true}
    %dma_wait3A = arith.constant 0 : i32
    %dma_wait3A_35 = arith.constant 0 : i32
    %dma_wait3A_36 = arith.constant 0 : i32
    %dma_wait3A_37 = tpu.memref_slice %arg7[%dma_wait3A_35, %dma_wait3A_36] : memref<512x32xf32, #tpu.memory_space<vmem>> -> memref<128x32xf32, #tpu.memory_space<vmem>>
    %dma_wait3A_38 = arith.constant 0 : i32
    %dma_wait3A_39 = tpu.memref_slice %arg6[%dma_wait3A, %dma_wait3A_38] : memref<4x128xi32, #tpu.memory_space<vmem>> -> memref<1x128xi32, #tpu.memory_space<vmem>>
    %dma_wait3A_40 = tpu.memref_squeeze %dma_wait3A_39 : memref<1x128xi32, #tpu.memory_space<vmem>> -> memref<128xi32, #tpu.memory_space<vmem>>
    %dma_wait3A_41 = arith.constant 0 : i32
    %dma_wait3A_42 = arith.constant 0 : i32
    %dma_wait3A_43 = tpu.memref_slice %arg8[%dma_wait3A_41, %dma_wait3A_42] : memref<51200x32xf32, #tpu.memory_space<vmem_shared>> -> memref<51200x32xf32, #tpu.memory_space<vmem_shared>>
    tpu.wait_indirect_dma semaphore(%arg9 : memref<!tpu.dma_semaphore, #tpu.memory_space<semaphore_mem>>) src(%dma_wait3A_37 : memref<128x32xf32, #tpu.memory_space<vmem>>) dst(%dma_wait3A_43 : memref<51200x32xf32, #tpu.memory_space<vmem_shared>>)
    %dma_wait3A_44 = arith.constant 1 : i32
    %dma_wait3A_45 = arith.constant 128 : i32
    %dma_wait3A_46 = arith.constant 0 : i32
    %dma_wait3A_47 = tpu.memref_slice %arg7[%dma_wait3A_45, %dma_wait3A_46] : memref<512x32xf32, #tpu.memory_space<vmem>> -> memref<128x32xf32, #tpu.memory_space<vmem>>
    %dma_wait3A_48 = arith.constant 0 : i32
    %dma_wait3A_49 = tpu.memref_slice %arg6[%dma_wait3A_44, %dma_wait3A_48] : memref<4x128xi32, #tpu.memory_space<vmem>> -> memref<1x128xi32, #tpu.memory_space<vmem>>
    %dma_wait3A_50 = tpu.memref_squeeze %dma_wait3A_49 : memref<1x128xi32, #tpu.memory_space<vmem>> -> memref<128xi32, #tpu.memory_space<vmem>>
    %dma_wait3A_51 = arith.constant 0 : i32
    %dma_wait3A_52 = arith.constant 0 : i32
    %dma_wait3A_53 = tpu.memref_slice %arg8[%dma_wait3A_51, %dma_wait3A_52] : memref<51200x32xf32, #tpu.memory_space<vmem_shared>> -> memref<51200x32xf32, #tpu.memory_space<vmem_shared>>
    tpu.wait_indirect_dma semaphore(%arg9 : memref<!tpu.dma_semaphore, #tpu.memory_space<semaphore_mem>>) src(%dma_wait3A_47 : memref<128x32xf32, #tpu.memory_space<vmem>>) dst(%dma_wait3A_53 : memref<51200x32xf32, #tpu.memory_space<vmem_shared>>)
    %lt3A = arith.constant 10 : i32
    %lt3A_54 = arith.cmpi slt, %arg1, %lt3A : i32
    %convert_element_type3A = arith.extui %lt3A_54 : i1 to i32
    %cond3A = arith.constant 0 : i32
    %cond3A_55 = arith.cmpi ne, %convert_element_type3A, %cond3A : i32
    scf.if %cond3A_55 {
      %add3A_57 = arith.constant 390 : i32
      %add3A_58 = arith.addi %add3A, %add3A_57 : i32
      "tpu.region"() ({
        %run_scoped3A = tpu.sem_alloc : memref<!tpu.dma_semaphore, #tpu.memory_space<semaphore_mem>>
        %dma_start3A_83 = arith.constant 0 : i32
        %dma_start3A_84 = arith.constant 0 : i32
        %dma_start3A_85 = tpu.memref_slice %arg6[%dma_start3A_83, %dma_start3A_84] : memref<4x128xi32, #tpu.memory_space<vmem>> -> memref<1x128xi32, #tpu.memory_space<vmem>>
        %dma_start3A_86 = arith.constant 0 : i32
        %dma_start3A_87 = tpu.memref_slice %arg3[%add3A_58, %dma_start3A_86] : memref<6256x128xi32, #tpu.memory_space<hbm>> -> memref<1x128xi32, #tpu.memory_space<hbm>>
        %dma_start3A_88 = arith.constant 0 : i32
        %dma_start3A_89 = arith.constant 0 : i32
        %dma_start3A_90 = tpu.memref_slice %arg6[%dma_start3A_88, %dma_start3A_89] : memref<4x128xi32, #tpu.memory_space<vmem>> -> memref<1x128xi32, #tpu.memory_space<vmem>>
        %dma_start3A_91 = arith.constant 0 : i32
        %dma_start3A_92 = tpu.memref_slice %arg3[%add3A_58, %dma_start3A_91] : memref<6256x128xi32, #tpu.memory_space<hbm>> -> memref<1x128xi32, #tpu.memory_space<hbm>>
        tpu.enqueue_dma source(%dma_start3A_92 : memref<1x128xi32, #tpu.memory_space<hbm>>) target(%dma_start3A_90 : memref<1x128xi32, #tpu.memory_space<vmem>>) target_semaphore(%run_scoped3A : memref<!tpu.dma_semaphore, #tpu.memory_space<semaphore_mem>>)
        %dma_wait3A_93 = arith.constant 0 : i32
        %dma_wait3A_94 = arith.constant 0 : i32
        %dma_wait3A_95 = tpu.memref_slice %arg6[%dma_wait3A_93, %dma_wait3A_94] : memref<4x128xi32, #tpu.memory_space<vmem>> -> memref<1x128xi32, #tpu.memory_space<vmem>>
        %dma_wait3A_96 = arith.constant 0 : i32
        %dma_wait3A_97 = tpu.memref_slice %arg3[%add3A_58, %dma_wait3A_96] : memref<6256x128xi32, #tpu.memory_space<hbm>> -> memref<1x128xi32, #tpu.memory_space<hbm>>
        %dma_wait3A_98 = arith.constant 0 : i32
        %dma_wait3A_99 = arith.constant 0 : i32
        %dma_wait3A_100 = tpu.memref_slice %arg6[%dma_wait3A_98, %dma_wait3A_99] : memref<4x128xi32, #tpu.memory_space<vmem>> -> memref<1x128xi32, #tpu.memory_space<vmem>>
        %dma_wait3A_101 = arith.constant 0 : i32
        %dma_wait3A_102 = tpu.memref_slice %arg3[%add3A_58, %dma_wait3A_101] : memref<6256x128xi32, #tpu.memory_space<hbm>> -> memref<1x128xi32, #tpu.memory_space<hbm>>
        tpu.wait_dma2 semaphore(%run_scoped3A : memref<!tpu.dma_semaphore, #tpu.memory_space<semaphore_mem>>) src(%dma_wait3A_102 : memref<1x128xi32, #tpu.memory_space<hbm>>) dst(%dma_wait3A_100 : memref<1x128xi32, #tpu.memory_space<vmem>>)
        tpu.yield
      }) : () -> ()
      %add3A_59 = arith.constant 390 : i32
      %add3A_60 = arith.addi %add3A, %add3A_59 : i32
      %mul3A_61 = arith.constant 128 : i32
      %mul3A_62 = arith.muli %add3A_60, %mul3A_61 : i32
      "tpu.region"() ({
        %run_scoped3A = tpu.sem_alloc : memref<!tpu.dma_semaphore, #tpu.memory_space<semaphore_mem>>
        %dma_start3A_83 = arith.constant 0 : i32
        %dma_start3A_84 = arith.constant 0 : i32
        %dma_start3A_85 = tpu.memref_slice %arg7[%dma_start3A_83, %dma_start3A_84] : memref<512x32xf32, #tpu.memory_space<vmem>> -> memref<128x32xf32, #tpu.memory_space<vmem>>
        %dma_start3A_86 = tpu.memref_slice %arg2[%mul3A_62, %mul3A_0] : memref<800000x64xf32, #tpu.memory_space<hbm>> -> memref<128x32xf32, #tpu.memory_space<hbm>>
        %dma_start3A_87 = arith.constant 0 : i32
        %dma_start3A_88 = arith.constant 0 : i32
        %dma_start3A_89 = tpu.memref_slice %arg7[%dma_start3A_87, %dma_start3A_88] : memref<512x32xf32, #tpu.memory_space<vmem>> -> memref<128x32xf32, #tpu.memory_space<vmem>>
        %dma_start3A_90 = tpu.memref_slice %arg2[%mul3A_62, %mul3A_0] : memref<800000x64xf32, #tpu.memory_space<hbm>> -> memref<128x32xf32, #tpu.memory_space<hbm>>
        tpu.enqueue_dma source(%dma_start3A_90 : memref<128x32xf32, #tpu.memory_space<hbm>>) target(%dma_start3A_89 : memref<128x32xf32, #tpu.memory_space<vmem>>) target_semaphore(%run_scoped3A : memref<!tpu.dma_semaphore, #tpu.memory_space<semaphore_mem>>)
        %dma_wait3A_91 = arith.constant 0 : i32
        %dma_wait3A_92 = arith.constant 0 : i32
        %dma_wait3A_93 = tpu.memref_slice %arg7[%dma_wait3A_91, %dma_wait3A_92] : memref<512x32xf32, #tpu.memory_space<vmem>> -> memref<128x32xf32, #tpu.memory_space<vmem>>
        %dma_wait3A_94 = tpu.memref_slice %arg2[%mul3A_62, %mul3A_0] : memref<800000x64xf32, #tpu.memory_space<hbm>> -> memref<128x32xf32, #tpu.memory_space<hbm>>
        %dma_wait3A_95 = arith.constant 0 : i32
        %dma_wait3A_96 = arith.constant 0 : i32
        %dma_wait3A_97 = tpu.memref_slice %arg7[%dma_wait3A_95, %dma_wait3A_96] : memref<512x32xf32, #tpu.memory_space<vmem>> -> memref<128x32xf32, #tpu.memory_space<vmem>>
        %dma_wait3A_98 = tpu.memref_slice %arg2[%mul3A_62, %mul3A_0] : memref<800000x64xf32, #tpu.memory_space<hbm>> -> memref<128x32xf32, #tpu.memory_space<hbm>>
        tpu.wait_dma2 semaphore(%run_scoped3A : memref<!tpu.dma_semaphore, #tpu.memory_space<semaphore_mem>>) src(%dma_wait3A_98 : memref<128x32xf32, #tpu.memory_space<hbm>>) dst(%dma_wait3A_97 : memref<128x32xf32, #tpu.memory_space<vmem>>)
        tpu.yield
      }) : () -> ()
      %dma_start3A_63 = arith.constant 0 : i32
      %dma_start3A_64 = arith.constant 0 : i32
      %dma_start3A_65 = arith.constant 0 : i32
      %dma_start3A_66 = tpu.memref_slice %arg7[%dma_start3A_64, %dma_start3A_65] : memref<512x32xf32, #tpu.memory_space<vmem>> -> memref<128x32xf32, #tpu.memory_space<vmem>>
      %dma_start3A_67 = arith.constant 0 : i32
      %dma_start3A_68 = tpu.memref_slice %arg6[%dma_start3A_63, %dma_start3A_67] : memref<4x128xi32, #tpu.memory_space<vmem>> -> memref<1x128xi32, #tpu.memory_space<vmem>>
      %dma_start3A_69 = tpu.memref_squeeze %dma_start3A_68 : memref<1x128xi32, #tpu.memory_space<vmem>> -> memref<128xi32, #tpu.memory_space<vmem>>
      %dma_start3A_70 = arith.constant 0 : i32
      %dma_start3A_71 = arith.constant 0 : i32
      %dma_start3A_72 = tpu.memref_slice %arg8[%dma_start3A_70, %dma_start3A_71] : memref<51200x32xf32, #tpu.memory_space<vmem_shared>> -> memref<51200x32xf32, #tpu.memory_space<vmem_shared>>
      tpu.enqueue_indirect_dma source(%dma_start3A_66 : memref<128x32xf32, #tpu.memory_space<vmem>>) target(%dma_start3A_72 : memref<51200x32xf32, #tpu.memory_space<vmem_shared>>) offsets(%dma_start3A_69 : memref<128xi32, #tpu.memory_space<vmem>>) semaphore(%arg9 : memref<!tpu.dma_semaphore, #tpu.memory_space<semaphore_mem>>) {add = true}
      %dma_wait3A_73 = arith.constant 0 : i32
      %dma_wait3A_74 = arith.constant 0 : i32
      %dma_wait3A_75 = arith.constant 0 : i32
      %dma_wait3A_76 = tpu.memref_slice %arg7[%dma_wait3A_74, %dma_wait3A_75] : memref<512x32xf32, #tpu.memory_space<vmem>> -> memref<128x32xf32, #tpu.memory_space<vmem>>
      %dma_wait3A_77 = arith.constant 0 : i32
      %dma_wait3A_78 = tpu.memref_slice %arg6[%dma_wait3A_73, %dma_wait3A_77] : memref<4x128xi32, #tpu.memory_space<vmem>> -> memref<1x128xi32, #tpu.memory_space<vmem>>
      %dma_wait3A_79 = tpu.memref_squeeze %dma_wait3A_78 : memref<1x128xi32, #tpu.memory_space<vmem>> -> memref<128xi32, #tpu.memory_space<vmem>>
      %dma_wait3A_80 = arith.constant 0 : i32
      %dma_wait3A_81 = arith.constant 0 : i32
      %dma_wait3A_82 = tpu.memref_slice %arg8[%dma_wait3A_80, %dma_wait3A_81] : memref<51200x32xf32, #tpu.memory_space<vmem_shared>> -> memref<51200x32xf32, #tpu.memory_space<vmem_shared>>
      tpu.wait_indirect_dma semaphore(%arg9 : memref<!tpu.dma_semaphore, #tpu.memory_space<semaphore_mem>>) src(%dma_wait3A_76 : memref<128x32xf32, #tpu.memory_space<vmem>>) dst(%dma_wait3A_82 : memref<51200x32xf32, #tpu.memory_space<vmem_shared>>)
    } else {
    }
    %barrier3A_56 = arith.constant 0 : index
    tpu.barrier barrier_id(%barrier3A_56)
    "tpu.region"() ({
      %run_scoped3A = tpu.sem_alloc : memref<!tpu.dma_semaphore, #tpu.memory_space<semaphore_mem>>
      %dma_start3A_57 = tpu.memref_slice %arg5[%mul3A_2, %mul3A_0] : memref<51200x64xf32, #tpu.memory_space<hbm>> -> memref<3200x32xf32, #tpu.memory_space<hbm>>
      %dma_start3A_58 = arith.constant 0 : i32
      %dma_start3A_59 = tpu.memref_slice %arg8[%mul3A_2, %dma_start3A_58] : memref<51200x32xf32, #tpu.memory_space<vmem_shared>> -> memref<3200x32xf32, #tpu.memory_space<vmem_shared>>
      tpu.enqueue_dma source(%dma_start3A_59 : memref<3200x32xf32, #tpu.memory_space<vmem_shared>>) target(%dma_start3A_57 : memref<3200x32xf32, #tpu.memory_space<hbm>>) target_semaphore(%run_scoped3A : memref<!tpu.dma_semaphore, #tpu.memory_space<semaphore_mem>>)
      %dma_wait3A_60 = tpu.memref_slice %arg5[%mul3A_2, %mul3A_0] : memref<51200x64xf32, #tpu.memory_space<hbm>> -> memref<3200x32xf32, #tpu.memory_space<hbm>>
      %dma_wait3A_61 = arith.constant 0 : i32
      %dma_wait3A_62 = tpu.memref_slice %arg8[%mul3A_2, %dma_wait3A_61] : memref<51200x32xf32, #tpu.memory_space<vmem_shared>> -> memref<3200x32xf32, #tpu.memory_space<vmem_shared>>
      tpu.wait_dma2 semaphore(%run_scoped3A : memref<!tpu.dma_semaphore, #tpu.memory_space<semaphore_mem>>) src(%dma_wait3A_62 : memref<3200x32xf32, #tpu.memory_space<vmem_shared>>) dst(%dma_wait3A_60 : memref<3200x32xf32, #tpu.memory_space<hbm>>)
      tpu.yield
    }) : () -> ()
    return
  }
}

#map = affine_map<(d0, d1) -> (0, 0)>
module attributes {stable_mosaic.version = 14 : i64} {
  func.func @_scatter_body(%arg0: i32, %arg1: i32, %arg2: memref<800000x64xf32, #tpu.memory_space<hbm>>, %arg3: memref<6256x128xi32, #tpu.memory_space<hbm>>, %arg4: memref<3200x32xf32, #tpu.memory_space<hbm>>, %arg5: memref<51200x64xf32, #tpu.memory_space<hbm>>, %arg6: memref<4x128xi32, #tpu.memory_space<vmem>>, %arg7: memref<512x32xf32, #tpu.memory_space<vmem>>, %arg8: memref<51200x32xf32, #tpu.memory_space<vmem_shared>>, %arg9: memref<!tpu.dma_semaphore, #tpu.memory_space<semaphore_mem>>) attributes {dimension_semantics = [#tpu.dimension_semantics<core_parallel>, #tpu.dimension_semantics<subcore_parallel>], iteration_bounds = array<i64: 2, 16>, scalar_prefetch = 0 : i64, scratch_operands = 4 : i64, tpu.core_type = #tpu.core_type<sc_vector_subcore>, window_params = [{transform_indices = #map}, {transform_indices = #map}, {transform_indices = #map}, {transform_indices = #map}]} {
    %mul3A = arith.constant 32 : i32
    %mul3A_0 = arith.muli %arg0, %mul3A : i32
    %mul3A_1 = arith.constant 3200 : i32
    %mul3A_2 = arith.muli %arg1, %mul3A_1 : i32
    "tpu.region"() ({
      %run_scoped3A = tpu.sem_alloc : memref<!tpu.dma_semaphore, #tpu.memory_space<semaphore_mem>>
      %dma_start3A_57 = arith.constant 0 : i32
      %dma_start3A_58 = tpu.memref_slice %arg8[%mul3A_2, %dma_start3A_57] : memref<51200x32xf32, #tpu.memory_space<vmem_shared>> -> memref<3200x32xf32, #tpu.memory_space<vmem_shared>>
      tpu.enqueue_dma source(%arg4 : memref<3200x32xf32, #tpu.memory_space<hbm>>) target(%dma_start3A_58 : memref<3200x32xf32, #tpu.memory_space<vmem_shared>>) target_semaphore(%run_scoped3A : memref<!tpu.dma_semaphore, #tpu.memory_space<semaphore_mem>>)
      %dma_wait3A_59 = arith.constant 0 : i32
      %dma_wait3A_60 = tpu.memref_slice %arg8[%mul3A_2, %dma_wait3A_59] : memref<51200x32xf32, #tpu.memory_space<vmem_shared>> -> memref<3200x32xf32, #tpu.memory_space<vmem_shared>>
      tpu.wait_dma2 semaphore(%run_scoped3A : memref<!tpu.dma_semaphore, #tpu.memory_space<semaphore_mem>>) src(%arg4 : memref<3200x32xf32, #tpu.memory_space<hbm>>) dst(%dma_wait3A_60 : memref<3200x32xf32, #tpu.memory_space<vmem_shared>>)
      tpu.yield
    }) : () -> ()
    %barrier3A = arith.constant 0 : index
    tpu.barrier barrier_id(%barrier3A)
    %mul3A_3 = arith.constant 390 : i32
    %mul3A_4 = arith.muli %arg1, %mul3A_3 : i32
    %min3A = arith.constant 10 : i32
    %min3A_5 = arith.minsi %arg1, %min3A : i32
    %add3A = arith.addi %mul3A_4, %min3A_5 : i32
    %scan3A = arith.constant 0 : i32
    %scan3A_6 = arith.constant 97 : i32
    %scan3A_7 = arith.addi %scan3A, %scan3A_6 : i32
    %scan3A_8 = arith.constant 1 : i32
    scf.for %scan3A_57 = %scan3A to %scan3A_7 step %scan3A_8  : i32 {
      %mul3A_58 = arith.constant 4 : i32
      %mul3A_59 = arith.muli %scan3A_57, %mul3A_58 : i32
      %add3A_60 = arith.addi %add3A, %mul3A_59 : i32
      "tpu.region"() ({
        %run_scoped3A = tpu.sem_alloc : memref<!tpu.dma_semaphore, #tpu.memory_space<semaphore_mem>>
        %dma_start3A_144 = arith.constant 0 : i32
        %dma_start3A_145 = tpu.memref_slice %arg3[%add3A_60, %dma_start3A_144] : memref<6256x128xi32, #tpu.memory_space<hbm>> -> memref<4x128xi32, #tpu.memory_space<hbm>>
        %dma_start3A_146 = arith.constant 0 : i32
        %dma_start3A_147 = tpu.memref_slice %arg3[%add3A_60, %dma_start3A_146] : memref<6256x128xi32, #tpu.memory_space<hbm>> -> memref<4x128xi32, #tpu.memory_space<hbm>>
        tpu.enqueue_dma source(%dma_start3A_147 : memref<4x128xi32, #tpu.memory_space<hbm>>) target(%arg6 : memref<4x128xi32, #tpu.memory_space<vmem>>) target_semaphore(%run_scoped3A : memref<!tpu.dma_semaphore, #tpu.memory_space<semaphore_mem>>)
        %dma_wait3A_148 = arith.constant 0 : i32
        %dma_wait3A_149 = tpu.memref_slice %arg3[%add3A_60, %dma_wait3A_148] : memref<6256x128xi32, #tpu.memory_space<hbm>> -> memref<4x128xi32, #tpu.memory_space<hbm>>
        %dma_wait3A_150 = arith.constant 0 : i32
        %dma_wait3A_151 = tpu.memref_slice %arg3[%add3A_60, %dma_wait3A_150] : memref<6256x128xi32, #tpu.memory_space<hbm>> -> memref<4x128xi32, #tpu.memory_space<hbm>>
        tpu.wait_dma2 semaphore(%run_scoped3A : memref<!tpu.dma_semaphore, #tpu.memory_space<semaphore_mem>>) src(%dma_wait3A_151 : memref<4x128xi32, #tpu.memory_space<hbm>>) dst(%arg6 : memref<4x128xi32, #tpu.memory_space<vmem>>)
        tpu.yield
      }) : () -> ()
      %add3A_61 = arith.addi %add3A, %mul3A_59 : i32
      %mul3A_62 = arith.constant 128 : i32
      %mul3A_63 = arith.muli %add3A_61, %mul3A_62 : i32
      "tpu.region"() ({
        %run_scoped3A = tpu.sem_alloc : memref<!tpu.dma_semaphore, #tpu.memory_space<semaphore_mem>>
        %dma_start3A_144 = tpu.memref_slice %arg2[%mul3A_63, %mul3A_0] : memref<800000x64xf32, #tpu.memory_space<hbm>> -> memref<512x32xf32, #tpu.memory_space<hbm>>
        %dma_start3A_145 = tpu.memref_slice %arg2[%mul3A_63, %mul3A_0] : memref<800000x64xf32, #tpu.memory_space<hbm>> -> memref<512x32xf32, #tpu.memory_space<hbm>>
        tpu.enqueue_dma source(%dma_start3A_145 : memref<512x32xf32, #tpu.memory_space<hbm>>) target(%arg7 : memref<512x32xf32, #tpu.memory_space<vmem>>) target_semaphore(%run_scoped3A : memref<!tpu.dma_semaphore, #tpu.memory_space<semaphore_mem>>)
        %dma_wait3A_146 = tpu.memref_slice %arg2[%mul3A_63, %mul3A_0] : memref<800000x64xf32, #tpu.memory_space<hbm>> -> memref<512x32xf32, #tpu.memory_space<hbm>>
        %dma_wait3A_147 = tpu.memref_slice %arg2[%mul3A_63, %mul3A_0] : memref<800000x64xf32, #tpu.memory_space<hbm>> -> memref<512x32xf32, #tpu.memory_space<hbm>>
        tpu.wait_dma2 semaphore(%run_scoped3A : memref<!tpu.dma_semaphore, #tpu.memory_space<semaphore_mem>>) src(%dma_wait3A_147 : memref<512x32xf32, #tpu.memory_space<hbm>>) dst(%arg7 : memref<512x32xf32, #tpu.memory_space<vmem>>)
        tpu.yield
      }) : () -> ()
      %dma_start3A_64 = arith.constant 0 : i32
      %dma_start3A_65 = arith.constant 0 : i32
      %dma_start3A_66 = arith.constant 0 : i32
      %dma_start3A_67 = tpu.memref_slice %arg7[%dma_start3A_65, %dma_start3A_66] : memref<512x32xf32, #tpu.memory_space<vmem>> -> memref<128x32xf32, #tpu.memory_space<vmem>>
      %dma_start3A_68 = arith.constant 0 : i32
      %dma_start3A_69 = tpu.memref_slice %arg6[%dma_start3A_64, %dma_start3A_68] : memref<4x128xi32, #tpu.memory_space<vmem>> -> memref<1x128xi32, #tpu.memory_space<vmem>>
      %dma_start3A_70 = tpu.memref_squeeze %dma_start3A_69 : memref<1x128xi32, #tpu.memory_space<vmem>> -> memref<128xi32, #tpu.memory_space<vmem>>
      %dma_start3A_71 = arith.constant 0 : i32
      %dma_start3A_72 = arith.constant 0 : i32
      %dma_start3A_73 = tpu.memref_slice %arg8[%dma_start3A_71, %dma_start3A_72] : memref<51200x32xf32, #tpu.memory_space<vmem_shared>> -> memref<51200x32xf32, #tpu.memory_space<vmem_shared>>
      tpu.enqueue_indirect_dma source(%dma_start3A_67 : memref<128x32xf32, #tpu.memory_space<vmem>>) target(%dma_start3A_73 : memref<51200x32xf32, #tpu.memory_space<vmem_shared>>) offsets(%dma_start3A_70 : memref<128xi32, #tpu.memory_space<vmem>>) semaphore(%arg9 : memref<!tpu.dma_semaphore, #tpu.memory_space<semaphore_mem>>) {add = true}
      %dma_start3A_74 = arith.constant 1 : i32
      %dma_start3A_75 = arith.constant 128 : i32
      %dma_start3A_76 = arith.constant 0 : i32
      %dma_start3A_77 = tpu.memref_slice %arg7[%dma_start3A_75, %dma_start3A_76] : memref<512x32xf32, #tpu.memory_space<vmem>> -> memref<128x32xf32, #tpu.memory_space<vmem>>
      %dma_start3A_78 = arith.constant 0 : i32
      %dma_start3A_79 = tpu.memref_slice %arg6[%dma_start3A_74, %dma_start3A_78] : memref<4x128xi32, #tpu.memory_space<vmem>> -> memref<1x128xi32, #tpu.memory_space<vmem>>
      %dma_start3A_80 = tpu.memref_squeeze %dma_start3A_79 : memref<1x128xi32, #tpu.memory_space<vmem>> -> memref<128xi32, #tpu.memory_space<vmem>>
      %dma_start3A_81 = arith.constant 0 : i32
      %dma_start3A_82 = arith.constant 0 : i32
      %dma_start3A_83 = tpu.memref_slice %arg8[%dma_start3A_81, %dma_start3A_82] : memref<51200x32xf32, #tpu.memory_space<vmem_shared>> -> memref<51200x32xf32, #tpu.memory_space<vmem_shared>>
      tpu.enqueue_indirect_dma source(%dma_start3A_77 : memref<128x32xf32, #tpu.memory_space<vmem>>) target(%dma_start3A_83 : memref<51200x32xf32, #tpu.memory_space<vmem_shared>>) offsets(%dma_start3A_80 : memref<128xi32, #tpu.memory_space<vmem>>) semaphore(%arg9 : memref<!tpu.dma_semaphore, #tpu.memory_space<semaphore_mem>>) {add = true}
      %dma_start3A_84 = arith.constant 2 : i32
      %dma_start3A_85 = arith.constant 256 : i32
      %dma_start3A_86 = arith.constant 0 : i32
      %dma_start3A_87 = tpu.memref_slice %arg7[%dma_start3A_85, %dma_start3A_86] : memref<512x32xf32, #tpu.memory_space<vmem>> -> memref<128x32xf32, #tpu.memory_space<vmem>>
      %dma_start3A_88 = arith.constant 0 : i32
      %dma_start3A_89 = tpu.memref_slice %arg6[%dma_start3A_84, %dma_start3A_88] : memref<4x128xi32, #tpu.memory_space<vmem>> -> memref<1x128xi32, #tpu.memory_space<vmem>>
      %dma_start3A_90 = tpu.memref_squeeze %dma_start3A_89 : memref<1x128xi32, #tpu.memory_space<vmem>> -> memref<128xi32, #tpu.memory_space<vmem>>
      %dma_start3A_91 = arith.constant 0 : i32
      %dma_start3A_92 = arith.constant 0 : i32
      %dma_start3A_93 = tpu.memref_slice %arg8[%dma_start3A_91, %dma_start3A_92] : memref<51200x32xf32, #tpu.memory_space<vmem_shared>> -> memref<51200x32xf32, #tpu.memory_space<vmem_shared>>
      tpu.enqueue_indirect_dma source(%dma_start3A_87 : memref<128x32xf32, #tpu.memory_space<vmem>>) target(%dma_start3A_93 : memref<51200x32xf32, #tpu.memory_space<vmem_shared>>) offsets(%dma_start3A_90 : memref<128xi32, #tpu.memory_space<vmem>>) semaphore(%arg9 : memref<!tpu.dma_semaphore, #tpu.memory_space<semaphore_mem>>) {add = true}
      %dma_start3A_94 = arith.constant 3 : i32
      %dma_start3A_95 = arith.constant 384 : i32
      %dma_start3A_96 = arith.constant 0 : i32
      %dma_start3A_97 = tpu.memref_slice %arg7[%dma_start3A_95, %dma_start3A_96] : memref<512x32xf32, #tpu.memory_space<vmem>> -> memref<128x32xf32, #tpu.memory_space<vmem>>
      %dma_start3A_98 = arith.constant 0 : i32
      %dma_start3A_99 = tpu.memref_slice %arg6[%dma_start3A_94, %dma_start3A_98] : memref<4x128xi32, #tpu.memory_space<vmem>> -> memref<1x128xi32, #tpu.memory_space<vmem>>
      %dma_start3A_100 = tpu.memref_squeeze %dma_start3A_99 : memref<1x128xi32, #tpu.memory_space<vmem>> -> memref<128xi32, #tpu.memory_space<vmem>>
      %dma_start3A_101 = arith.constant 0 : i32
      %dma_start3A_102 = arith.constant 0 : i32
      %dma_start3A_103 = tpu.memref_slice %arg8[%dma_start3A_101, %dma_start3A_102] : memref<51200x32xf32, #tpu.memory_space<vmem_shared>> -> memref<51200x32xf32, #tpu.memory_space<vmem_shared>>
      tpu.enqueue_indirect_dma source(%dma_start3A_97 : memref<128x32xf32, #tpu.memory_space<vmem>>) target(%dma_start3A_103 : memref<51200x32xf32, #tpu.memory_space<vmem_shared>>) offsets(%dma_start3A_100 : memref<128xi32, #tpu.memory_space<vmem>>) semaphore(%arg9 : memref<!tpu.dma_semaphore, #tpu.memory_space<semaphore_mem>>) {add = true}
      %dma_wait3A_104 = arith.constant 0 : i32
      %dma_wait3A_105 = arith.constant 0 : i32
      %dma_wait3A_106 = arith.constant 0 : i32
      %dma_wait3A_107 = tpu.memref_slice %arg7[%dma_wait3A_105, %dma_wait3A_106] : memref<512x32xf32, #tpu.memory_space<vmem>> -> memref<128x32xf32, #tpu.memory_space<vmem>>
      %dma_wait3A_108 = arith.constant 0 : i32
      %dma_wait3A_109 = tpu.memref_slice %arg6[%dma_wait3A_104, %dma_wait3A_108] : memref<4x128xi32, #tpu.memory_space<vmem>> -> memref<1x128xi32, #tpu.memory_space<vmem>>
      %dma_wait3A_110 = tpu.memref_squeeze %dma_wait3A_109 : memref<1x128xi32, #tpu.memory_space<vmem>> -> memref<128xi32, #tpu.memory_space<vmem>>
      %dma_wait3A_111 = arith.constant 0 : i32
      %dma_wait3A_112 = arith.constant 0 : i32
      %dma_wait3A_113 = tpu.memref_slice %arg8[%dma_wait3A_111, %dma_wait3A_112] : memref<51200x32xf32, #tpu.memory_space<vmem_shared>> -> memref<51200x32xf32, #tpu.memory_space<vmem_shared>>
      tpu.wait_indirect_dma semaphore(%arg9 : memref<!tpu.dma_semaphore, #tpu.memory_space<semaphore_mem>>) src(%dma_wait3A_107 : memref<128x32xf32, #tpu.memory_space<vmem>>) dst(%dma_wait3A_113 : memref<51200x32xf32, #tpu.memory_space<vmem_shared>>)
      %dma_wait3A_114 = arith.constant 1 : i32
      %dma_wait3A_115 = arith.constant 128 : i32
      %dma_wait3A_116 = arith.constant 0 : i32
      %dma_wait3A_117 = tpu.memref_slice %arg7[%dma_wait3A_115, %dma_wait3A_116] : memref<512x32xf32, #tpu.memory_space<vmem>> -> memref<128x32xf32, #tpu.memory_space<vmem>>
      %dma_wait3A_118 = arith.constant 0 : i32
      %dma_wait3A_119 = tpu.memref_slice %arg6[%dma_wait3A_114, %dma_wait3A_118] : memref<4x128xi32, #tpu.memory_space<vmem>> -> memref<1x128xi32, #tpu.memory_space<vmem>>
      %dma_wait3A_120 = tpu.memref_squeeze %dma_wait3A_119 : memref<1x128xi32, #tpu.memory_space<vmem>> -> memref<128xi32, #tpu.memory_space<vmem>>
      %dma_wait3A_121 = arith.constant 0 : i32
      %dma_wait3A_122 = arith.constant 0 : i32
      %dma_wait3A_123 = tpu.memref_slice %arg8[%dma_wait3A_121, %dma_wait3A_122] : memref<51200x32xf32, #tpu.memory_space<vmem_shared>> -> memref<51200x32xf32, #tpu.memory_space<vmem_shared>>
      tpu.wait_indirect_dma semaphore(%arg9 : memref<!tpu.dma_semaphore, #tpu.memory_space<semaphore_mem>>) src(%dma_wait3A_117 : memref<128x32xf32, #tpu.memory_space<vmem>>) dst(%dma_wait3A_123 : memref<51200x32xf32, #tpu.memory_space<vmem_shared>>)
      %dma_wait3A_124 = arith.constant 2 : i32
      %dma_wait3A_125 = arith.constant 256 : i32
      %dma_wait3A_126 = arith.constant 0 : i32
      %dma_wait3A_127 = tpu.memref_slice %arg7[%dma_wait3A_125, %dma_wait3A_126] : memref<512x32xf32, #tpu.memory_space<vmem>> -> memref<128x32xf32, #tpu.memory_space<vmem>>
      %dma_wait3A_128 = arith.constant 0 : i32
      %dma_wait3A_129 = tpu.memref_slice %arg6[%dma_wait3A_124, %dma_wait3A_128] : memref<4x128xi32, #tpu.memory_space<vmem>> -> memref<1x128xi32, #tpu.memory_space<vmem>>
      %dma_wait3A_130 = tpu.memref_squeeze %dma_wait3A_129 : memref<1x128xi32, #tpu.memory_space<vmem>> -> memref<128xi32, #tpu.memory_space<vmem>>
      %dma_wait3A_131 = arith.constant 0 : i32
      %dma_wait3A_132 = arith.constant 0 : i32
      %dma_wait3A_133 = tpu.memref_slice %arg8[%dma_wait3A_131, %dma_wait3A_132] : memref<51200x32xf32, #tpu.memory_space<vmem_shared>> -> memref<51200x32xf32, #tpu.memory_space<vmem_shared>>
      tpu.wait_indirect_dma semaphore(%arg9 : memref<!tpu.dma_semaphore, #tpu.memory_space<semaphore_mem>>) src(%dma_wait3A_127 : memref<128x32xf32, #tpu.memory_space<vmem>>) dst(%dma_wait3A_133 : memref<51200x32xf32, #tpu.memory_space<vmem_shared>>)
      %dma_wait3A_134 = arith.constant 3 : i32
      %dma_wait3A_135 = arith.constant 384 : i32
      %dma_wait3A_136 = arith.constant 0 : i32
      %dma_wait3A_137 = tpu.memref_slice %arg7[%dma_wait3A_135, %dma_wait3A_136] : memref<512x32xf32, #tpu.memory_space<vmem>> -> memref<128x32xf32, #tpu.memory_space<vmem>>
      %dma_wait3A_138 = arith.constant 0 : i32
      %dma_wait3A_139 = tpu.memref_slice %arg6[%dma_wait3A_134, %dma_wait3A_138] : memref<4x128xi32, #tpu.memory_space<vmem>> -> memref<1x128xi32, #tpu.memory_space<vmem>>
      %dma_wait3A_140 = tpu.memref_squeeze %dma_wait3A_139 : memref<1x128xi32, #tpu.memory_space<vmem>> -> memref<128xi32, #tpu.memory_space<vmem>>
      %dma_wait3A_141 = arith.constant 0 : i32
      %dma_wait3A_142 = arith.constant 0 : i32
      %dma_wait3A_143 = tpu.memref_slice %arg8[%dma_wait3A_141, %dma_wait3A_142] : memref<51200x32xf32, #tpu.memory_space<vmem_shared>> -> memref<51200x32xf32, #tpu.memory_space<vmem_shared>>
      tpu.wait_indirect_dma semaphore(%arg9 : memref<!tpu.dma_semaphore, #tpu.memory_space<semaphore_mem>>) src(%dma_wait3A_137 : memref<128x32xf32, #tpu.memory_space<vmem>>) dst(%dma_wait3A_143 : memref<51200x32xf32, #tpu.memory_space<vmem_shared>>)
    }
    %scan3A_9 = arith.constant 97 : i32
    %add3A_10 = arith.constant 388 : i32
    %add3A_11 = arith.addi %add3A, %add3A_10 : i32
    "tpu.region"() ({
      %run_scoped3A = tpu.sem_alloc : memref<!tpu.dma_semaphore, #tpu.memory_space<semaphore_mem>>
      %dma_start3A_57 = arith.constant 0 : i32
      %dma_start3A_58 = arith.constant 0 : i32
      %dma_start3A_59 = tpu.memref_slice %arg6[%dma_start3A_57, %dma_start3A_58] : memref<4x128xi32, #tpu.memory_space<vmem>> -> memref<2x128xi32, #tpu.memory_space<vmem>>
      %dma_start3A_60 = arith.constant 0 : i32
      %dma_start3A_61 = tpu.memref_slice %arg3[%add3A_11, %dma_start3A_60] : memref<6256x128xi32, #tpu.memory_space<hbm>> -> memref<2x128xi32, #tpu.memory_space<hbm>>
      %dma_start3A_62 = arith.constant 0 : i32
      %dma_start3A_63 = arith.constant 0 : i32
      %dma_start3A_64 = tpu.memref_slice %arg6[%dma_start3A_62, %dma_start3A_63] : memref<4x128xi32, #tpu.memory_space<vmem>> -> memref<2x128xi32, #tpu.memory_space<vmem>>
      %dma_start3A_65 = arith.constant 0 : i32
      %dma_start3A_66 = tpu.memref_slice %arg3[%add3A_11, %dma_start3A_65] : memref<6256x128xi32, #tpu.memory_space<hbm>> -> memref<2x128xi32, #tpu.memory_space<hbm>>
      tpu.enqueue_dma source(%dma_start3A_66 : memref<2x128xi32, #tpu.memory_space<hbm>>) target(%dma_start3A_64 : memref<2x128xi32, #tpu.memory_space<vmem>>) target_semaphore(%run_scoped3A : memref<!tpu.dma_semaphore, #tpu.memory_space<semaphore_mem>>)
      %dma_wait3A_67 = arith.constant 0 : i32
      %dma_wait3A_68 = arith.constant 0 : i32
      %dma_wait3A_69 = tpu.memref_slice %arg6[%dma_wait3A_67, %dma_wait3A_68] : memref<4x128xi32, #tpu.memory_space<vmem>> -> memref<2x128xi32, #tpu.memory_space<vmem>>
      %dma_wait3A_70 = arith.constant 0 : i32
      %dma_wait3A_71 = tpu.memref_slice %arg3[%add3A_11, %dma_wait3A_70] : memref<6256x128xi32, #tpu.memory_space<hbm>> -> memref<2x128xi32, #tpu.memory_space<hbm>>
      %dma_wait3A_72 = arith.constant 0 : i32
      %dma_wait3A_73 = arith.constant 0 : i32
      %dma_wait3A_74 = tpu.memref_slice %arg6[%dma_wait3A_72, %dma_wait3A_73] : memref<4x128xi32, #tpu.memory_space<vmem>> -> memref<2x128xi32, #tpu.memory_space<vmem>>
      %dma_wait3A_75 = arith.constant 0 : i32
      %dma_wait3A_76 = tpu.memref_slice %arg3[%add3A_11, %dma_wait3A_75] : memref<6256x128xi32, #tpu.memory_space<hbm>> -> memref<2x128xi32, #tpu.memory_space<hbm>>
      tpu.wait_dma2 semaphore(%run_scoped3A : memref<!tpu.dma_semaphore, #tpu.memory_space<semaphore_mem>>) src(%dma_wait3A_76 : memref<2x128xi32, #tpu.memory_space<hbm>>) dst(%dma_wait3A_74 : memref<2x128xi32, #tpu.memory_space<vmem>>)
      tpu.yield
    }) : () -> ()
    %add3A_12 = arith.constant 388 : i32
    %add3A_13 = arith.addi %add3A, %add3A_12 : i32
    %mul3A_14 = arith.constant 128 : i32
    %mul3A_15 = arith.muli %add3A_13, %mul3A_14 : i32
    "tpu.region"() ({
      %run_scoped3A = tpu.sem_alloc : memref<!tpu.dma_semaphore, #tpu.memory_space<semaphore_mem>>
      %dma_start3A_57 = arith.constant 0 : i32
      %dma_start3A_58 = arith.constant 0 : i32
      %dma_start3A_59 = tpu.memref_slice %arg7[%dma_start3A_57, %dma_start3A_58] : memref<512x32xf32, #tpu.memory_space<vmem>> -> memref<256x32xf32, #tpu.memory_space<vmem>>
      %dma_start3A_60 = tpu.memref_slice %arg2[%mul3A_15, %mul3A_0] : memref<800000x64xf32, #tpu.memory_space<hbm>> -> memref<256x32xf32, #tpu.memory_space<hbm>>
      %dma_start3A_61 = arith.constant 0 : i32
      %dma_start3A_62 = arith.constant 0 : i32
      %dma_start3A_63 = tpu.memref_slice %arg7[%dma_start3A_61, %dma_start3A_62] : memref<512x32xf32, #tpu.memory_space<vmem>> -> memref<256x32xf32, #tpu.memory_space<vmem>>
      %dma_start3A_64 = tpu.memref_slice %arg2[%mul3A_15, %mul3A_0] : memref<800000x64xf32, #tpu.memory_space<hbm>> -> memref<256x32xf32, #tpu.memory_space<hbm>>
      tpu.enqueue_dma source(%dma_start3A_64 : memref<256x32xf32, #tpu.memory_space<hbm>>) target(%dma_start3A_63 : memref<256x32xf32, #tpu.memory_space<vmem>>) target_semaphore(%run_scoped3A : memref<!tpu.dma_semaphore, #tpu.memory_space<semaphore_mem>>)
      %dma_wait3A_65 = arith.constant 0 : i32
      %dma_wait3A_66 = arith.constant 0 : i32
      %dma_wait3A_67 = tpu.memref_slice %arg7[%dma_wait3A_65, %dma_wait3A_66] : memref<512x32xf32, #tpu.memory_space<vmem>> -> memref<256x32xf32, #tpu.memory_space<vmem>>
      %dma_wait3A_68 = tpu.memref_slice %arg2[%mul3A_15, %mul3A_0] : memref<800000x64xf32, #tpu.memory_space<hbm>> -> memref<256x32xf32, #tpu.memory_space<hbm>>
      %dma_wait3A_69 = arith.constant 0 : i32
      %dma_wait3A_70 = arith.constant 0 : i32
      %dma_wait3A_71 = tpu.memref_slice %arg7[%dma_wait3A_69, %dma_wait3A_70] : memref<512x32xf32, #tpu.memory_space<vmem>> -> memref<256x32xf32, #tpu.memory_space<vmem>>
      %dma_wait3A_72 = tpu.memref_slice %arg2[%mul3A_15, %mul3A_0] : memref<800000x64xf32, #tpu.memory_space<hbm>> -> memref<256x32xf32, #tpu.memory_space<hbm>>
      tpu.wait_dma2 semaphore(%run_scoped3A : memref<!tpu.dma_semaphore, #tpu.memory_space<semaphore_mem>>) src(%dma_wait3A_72 : memref<256x32xf32, #tpu.memory_space<hbm>>) dst(%dma_wait3A_71 : memref<256x32xf32, #tpu.memory_space<vmem>>)
      tpu.yield
    }) : () -> ()
    %dma_start3A = arith.constant 0 : i32
    %dma_start3A_16 = arith.constant 0 : i32
    %dma_start3A_17 = arith.constant 0 : i32
    %dma_start3A_18 = tpu.memref_slice %arg7[%dma_start3A_16, %dma_start3A_17] : memref<512x32xf32, #tpu.memory_space<vmem>> -> memref<128x32xf32, #tpu.memory_space<vmem>>
    %dma_start3A_19 = arith.constant 0 : i32
    %dma_start3A_20 = tpu.memref_slice %arg6[%dma_start3A, %dma_start3A_19] : memref<4x128xi32, #tpu.memory_space<vmem>> -> memref<1x128xi32, #tpu.memory_space<vmem>>
    %dma_start3A_21 = tpu.memref_squeeze %dma_start3A_20 : memref<1x128xi32, #tpu.memory_space<vmem>> -> memref<128xi32, #tpu.memory_space<vmem>>
    %dma_start3A_22 = arith.constant 0 : i32
    %dma_start3A_23 = arith.constant 0 : i32
    %dma_start3A_24 = tpu.memref_slice %arg8[%dma_start3A_22, %dma_start3A_23] : memref<51200x32xf32, #tpu.memory_space<vmem_shared>> -> memref<51200x32xf32, #tpu.memory_space<vmem_shared>>
    tpu.enqueue_indirect_dma source(%dma_start3A_18 : memref<128x32xf32, #tpu.memory_space<vmem>>) target(%dma_start3A_24 : memref<51200x32xf32, #tpu.memory_space<vmem_shared>>) offsets(%dma_start3A_21 : memref<128xi32, #tpu.memory_space<vmem>>) semaphore(%arg9 : memref<!tpu.dma_semaphore, #tpu.memory_space<semaphore_mem>>) {add = true}
    %dma_start3A_25 = arith.constant 1 : i32
    %dma_start3A_26 = arith.constant 128 : i32
    %dma_start3A_27 = arith.constant 0 : i32
    %dma_start3A_28 = tpu.memref_slice %arg7[%dma_start3A_26, %dma_start3A_27] : memref<512x32xf32, #tpu.memory_space<vmem>> -> memref<128x32xf32, #tpu.memory_space<vmem>>
    %dma_start3A_29 = arith.constant 0 : i32
    %dma_start3A_30 = tpu.memref_slice %arg6[%dma_start3A_25, %dma_start3A_29] : memref<4x128xi32, #tpu.memory_space<vmem>> -> memref<1x128xi32, #tpu.memory_space<vmem>>
    %dma_start3A_31 = tpu.memref_squeeze %dma_start3A_30 : memref<1x128xi32, #tpu.memory_space<vmem>> -> memref<128xi32, #tpu.memory_space<vmem>>
    %dma_start3A_32 = arith.constant 0 : i32
    %dma_start3A_33 = arith.constant 0 : i32
    %dma_start3A_34 = tpu.memref_slice %arg8[%dma_start3A_32, %dma_start3A_33] : memref<51200x32xf32, #tpu.memory_space<vmem_shared>> -> memref<51200x32xf32, #tpu.memory_space<vmem_shared>>
    tpu.enqueue_indirect_dma source(%dma_start3A_28 : memref<128x32xf32, #tpu.memory_space<vmem>>) target(%dma_start3A_34 : memref<51200x32xf32, #tpu.memory_space<vmem_shared>>) offsets(%dma_start3A_31 : memref<128xi32, #tpu.memory_space<vmem>>) semaphore(%arg9 : memref<!tpu.dma_semaphore, #tpu.memory_space<semaphore_mem>>) {add = true}
    %dma_wait3A = arith.constant 0 : i32
    %dma_wait3A_35 = arith.constant 0 : i32
    %dma_wait3A_36 = arith.constant 0 : i32
    %dma_wait3A_37 = tpu.memref_slice %arg7[%dma_wait3A_35, %dma_wait3A_36] : memref<512x32xf32, #tpu.memory_space<vmem>> -> memref<128x32xf32, #tpu.memory_space<vmem>>
    %dma_wait3A_38 = arith.constant 0 : i32
    %dma_wait3A_39 = tpu.memref_slice %arg6[%dma_wait3A, %dma_wait3A_38] : memref<4x128xi32, #tpu.memory_space<vmem>> -> memref<1x128xi32, #tpu.memory_space<vmem>>
    %dma_wait3A_40 = tpu.memref_squeeze %dma_wait3A_39 : memref<1x128xi32, #tpu.memory_space<vmem>> -> memref<128xi32, #tpu.memory_space<vmem>>
    %dma_wait3A_41 = arith.constant 0 : i32
    %dma_wait3A_42 = arith.constant 0 : i32
    %dma_wait3A_43 = tpu.memref_slice %arg8[%dma_wait3A_41, %dma_wait3A_42] : memref<51200x32xf32, #tpu.memory_space<vmem_shared>> -> memref<51200x32xf32, #tpu.memory_space<vmem_shared>>
    tpu.wait_indirect_dma semaphore(%arg9 : memref<!tpu.dma_semaphore, #tpu.memory_space<semaphore_mem>>) src(%dma_wait3A_37 : memref<128x32xf32, #tpu.memory_space<vmem>>) dst(%dma_wait3A_43 : memref<51200x32xf32, #tpu.memory_space<vmem_shared>>)
    %dma_wait3A_44 = arith.constant 1 : i32
    %dma_wait3A_45 = arith.constant 128 : i32
    %dma_wait3A_46 = arith.constant 0 : i32
    %dma_wait3A_47 = tpu.memref_slice %arg7[%dma_wait3A_45, %dma_wait3A_46] : memref<512x32xf32, #tpu.memory_space<vmem>> -> memref<128x32xf32, #tpu.memory_space<vmem>>
    %dma_wait3A_48 = arith.constant 0 : i32
    %dma_wait3A_49 = tpu.memref_slice %arg6[%dma_wait3A_44, %dma_wait3A_48] : memref<4x128xi32, #tpu.memory_space<vmem>> -> memref<1x128xi32, #tpu.memory_space<vmem>>
    %dma_wait3A_50 = tpu.memref_squeeze %dma_wait3A_49 : memref<1x128xi32, #tpu.memory_space<vmem>> -> memref<128xi32, #tpu.memory_space<vmem>>
    %dma_wait3A_51 = arith.constant 0 : i32
    %dma_wait3A_52 = arith.constant 0 : i32
    %dma_wait3A_53 = tpu.memref_slice %arg8[%dma_wait3A_51, %dma_wait3A_52] : memref<51200x32xf32, #tpu.memory_space<vmem_shared>> -> memref<51200x32xf32, #tpu.memory_space<vmem_shared>>
    tpu.wait_indirect_dma semaphore(%arg9 : memref<!tpu.dma_semaphore, #tpu.memory_space<semaphore_mem>>) src(%dma_wait3A_47 : memref<128x32xf32, #tpu.memory_space<vmem>>) dst(%dma_wait3A_53 : memref<51200x32xf32, #tpu.memory_space<vmem_shared>>)
    %lt3A = arith.constant 10 : i32
    %lt3A_54 = arith.cmpi slt, %arg1, %lt3A : i32
    %convert_element_type3A = arith.extui %lt3A_54 : i1 to i32
    %cond3A = arith.constant 0 : i32
    %cond3A_55 = arith.cmpi ne, %convert_element_type3A, %cond3A : i32
    scf.if %cond3A_55 {
      %add3A_57 = arith.constant 390 : i32
      %add3A_58 = arith.addi %add3A, %add3A_57 : i32
      "tpu.region"() ({
        %run_scoped3A = tpu.sem_alloc : memref<!tpu.dma_semaphore, #tpu.memory_space<semaphore_mem>>
        %dma_start3A_83 = arith.constant 0 : i32
        %dma_start3A_84 = arith.constant 0 : i32
        %dma_start3A_85 = tpu.memref_slice %arg6[%dma_start3A_83, %dma_start3A_84] : memref<4x128xi32, #tpu.memory_space<vmem>> -> memref<1x128xi32, #tpu.memory_space<vmem>>
        %dma_start3A_86 = arith.constant 0 : i32
        %dma_start3A_87 = tpu.memref_slice %arg3[%add3A_58, %dma_start3A_86] : memref<6256x128xi32, #tpu.memory_space<hbm>> -> memref<1x128xi32, #tpu.memory_space<hbm>>
        %dma_start3A_88 = arith.constant 0 : i32
        %dma_start3A_89 = arith.constant 0 : i32
        %dma_start3A_90 = tpu.memref_slice %arg6[%dma_start3A_88, %dma_start3A_89] : memref<4x128xi32, #tpu.memory_space<vmem>> -> memref<1x128xi32, #tpu.memory_space<vmem>>
        %dma_start3A_91 = arith.constant 0 : i32
        %dma_start3A_92 = tpu.memref_slice %arg3[%add3A_58, %dma_start3A_91] : memref<6256x128xi32, #tpu.memory_space<hbm>> -> memref<1x128xi32, #tpu.memory_space<hbm>>
        tpu.enqueue_dma source(%dma_start3A_92 : memref<1x128xi32, #tpu.memory_space<hbm>>) target(%dma_start3A_90 : memref<1x128xi32, #tpu.memory_space<vmem>>) target_semaphore(%run_scoped3A : memref<!tpu.dma_semaphore, #tpu.memory_space<semaphore_mem>>)
        %dma_wait3A_93 = arith.constant 0 : i32
        %dma_wait3A_94 = arith.constant 0 : i32
        %dma_wait3A_95 = tpu.memref_slice %arg6[%dma_wait3A_93, %dma_wait3A_94] : memref<4x128xi32, #tpu.memory_space<vmem>> -> memref<1x128xi32, #tpu.memory_space<vmem>>
        %dma_wait3A_96 = arith.constant 0 : i32
        %dma_wait3A_97 = tpu.memref_slice %arg3[%add3A_58, %dma_wait3A_96] : memref<6256x128xi32, #tpu.memory_space<hbm>> -> memref<1x128xi32, #tpu.memory_space<hbm>>
        %dma_wait3A_98 = arith.constant 0 : i32
        %dma_wait3A_99 = arith.constant 0 : i32
        %dma_wait3A_100 = tpu.memref_slice %arg6[%dma_wait3A_98, %dma_wait3A_99] : memref<4x128xi32, #tpu.memory_space<vmem>> -> memref<1x128xi32, #tpu.memory_space<vmem>>
        %dma_wait3A_101 = arith.constant 0 : i32
        %dma_wait3A_102 = tpu.memref_slice %arg3[%add3A_58, %dma_wait3A_101] : memref<6256x128xi32, #tpu.memory_space<hbm>> -> memref<1x128xi32, #tpu.memory_space<hbm>>
        tpu.wait_dma2 semaphore(%run_scoped3A : memref<!tpu.dma_semaphore, #tpu.memory_space<semaphore_mem>>) src(%dma_wait3A_102 : memref<1x128xi32, #tpu.memory_space<hbm>>) dst(%dma_wait3A_100 : memref<1x128xi32, #tpu.memory_space<vmem>>)
        tpu.yield
      }) : () -> ()
      %add3A_59 = arith.constant 390 : i32
      %add3A_60 = arith.addi %add3A, %add3A_59 : i32
      %mul3A_61 = arith.constant 128 : i32
      %mul3A_62 = arith.muli %add3A_60, %mul3A_61 : i32
      "tpu.region"() ({
        %run_scoped3A = tpu.sem_alloc : memref<!tpu.dma_semaphore, #tpu.memory_space<semaphore_mem>>
        %dma_start3A_83 = arith.constant 0 : i32
        %dma_start3A_84 = arith.constant 0 : i32
        %dma_start3A_85 = tpu.memref_slice %arg7[%dma_start3A_83, %dma_start3A_84] : memref<512x32xf32, #tpu.memory_space<vmem>> -> memref<128x32xf32, #tpu.memory_space<vmem>>
        %dma_start3A_86 = tpu.memref_slice %arg2[%mul3A_62, %mul3A_0] : memref<800000x64xf32, #tpu.memory_space<hbm>> -> memref<128x32xf32, #tpu.memory_space<hbm>>
        %dma_start3A_87 = arith.constant 0 : i32
        %dma_start3A_88 = arith.constant 0 : i32
        %dma_start3A_89 = tpu.memref_slice %arg7[%dma_start3A_87, %dma_start3A_88] : memref<512x32xf32, #tpu.memory_space<vmem>> -> memref<128x32xf32, #tpu.memory_space<vmem>>
        %dma_start3A_90 = tpu.memref_slice %arg2[%mul3A_62, %mul3A_0] : memref<800000x64xf32, #tpu.memory_space<hbm>> -> memref<128x32xf32, #tpu.memory_space<hbm>>
        tpu.enqueue_dma source(%dma_start3A_90 : memref<128x32xf32, #tpu.memory_space<hbm>>) target(%dma_start3A_89 : memref<128x32xf32, #tpu.memory_space<vmem>>) target_semaphore(%run_scoped3A : memref<!tpu.dma_semaphore, #tpu.memory_space<semaphore_mem>>)
        %dma_wait3A_91 = arith.constant 0 : i32
        %dma_wait3A_92 = arith.constant 0 : i32
        %dma_wait3A_93 = tpu.memref_slice %arg7[%dma_wait3A_91, %dma_wait3A_92] : memref<512x32xf32, #tpu.memory_space<vmem>> -> memref<128x32xf32, #tpu.memory_space<vmem>>
        %dma_wait3A_94 = tpu.memref_slice %arg2[%mul3A_62, %mul3A_0] : memref<800000x64xf32, #tpu.memory_space<hbm>> -> memref<128x32xf32, #tpu.memory_space<hbm>>
        %dma_wait3A_95 = arith.constant 0 : i32
        %dma_wait3A_96 = arith.constant 0 : i32
        %dma_wait3A_97 = tpu.memref_slice %arg7[%dma_wait3A_95, %dma_wait3A_96] : memref<512x32xf32, #tpu.memory_space<vmem>> -> memref<128x32xf32, #tpu.memory_space<vmem>>
        %dma_wait3A_98 = tpu.memref_slice %arg2[%mul3A_62, %mul3A_0] : memref<800000x64xf32, #tpu.memory_space<hbm>> -> memref<128x32xf32, #tpu.memory_space<hbm>>
        tpu.wait_dma2 semaphore(%run_scoped3A : memref<!tpu.dma_semaphore, #tpu.memory_space<semaphore_mem>>) src(%dma_wait3A_98 : memref<128x32xf32, #tpu.memory_space<hbm>>) dst(%dma_wait3A_97 : memref<128x32xf32, #tpu.memory_space<vmem>>)
        tpu.yield
      }) : () -> ()
      %dma_start3A_63 = arith.constant 0 : i32
      %dma_start3A_64 = arith.constant 0 : i32
      %dma_start3A_65 = arith.constant 0 : i32
      %dma_start3A_66 = tpu.memref_slice %arg7[%dma_start3A_64, %dma_start3A_65] : memref<512x32xf32, #tpu.memory_space<vmem>> -> memref<128x32xf32, #tpu.memory_space<vmem>>
      %dma_start3A_67 = arith.constant 0 : i32
      %dma_start3A_68 = tpu.memref_slice %arg6[%dma_start3A_63, %dma_start3A_67] : memref<4x128xi32, #tpu.memory_space<vmem>> -> memref<1x128xi32, #tpu.memory_space<vmem>>
      %dma_start3A_69 = tpu.memref_squeeze %dma_start3A_68 : memref<1x128xi32, #tpu.memory_space<vmem>> -> memref<128xi32, #tpu.memory_space<vmem>>
      %dma_start3A_70 = arith.constant 0 : i32
      %dma_start3A_71 = arith.constant 0 : i32
      %dma_start3A_72 = tpu.memref_slice %arg8[%dma_start3A_70, %dma_start3A_71] : memref<51200x32xf32, #tpu.memory_space<vmem_shared>> -> memref<51200x32xf32, #tpu.memory_space<vmem_shared>>
      tpu.enqueue_indirect_dma source(%dma_start3A_66 : memref<128x32xf32, #tpu.memory_space<vmem>>) target(%dma_start3A_72 : memref<51200x32xf32, #tpu.memory_space<vmem_shared>>) offsets(%dma_start3A_69 : memref<128xi32, #tpu.memory_space<vmem>>) semaphore(%arg9 : memref<!tpu.dma_semaphore, #tpu.memory_space<semaphore_mem>>) {add = true}
      %dma_wait3A_73 = arith.constant 0 : i32
      %dma_wait3A_74 = arith.constant 0 : i32
      %dma_wait3A_75 = arith.constant 0 : i32
      %dma_wait3A_76 = tpu.memref_slice %arg7[%dma_wait3A_74, %dma_wait3A_75] : memref<512x32xf32, #tpu.memory_space<vmem>> -> memref<128x32xf32, #tpu.memory_space<vmem>>
      %dma_wait3A_77 = arith.constant 0 : i32
      %dma_wait3A_78 = tpu.memref_slice %arg6[%dma_wait3A_73, %dma_wait3A_77] : memref<4x128xi32, #tpu.memory_space<vmem>> -> memref<1x128xi32, #tpu.memory_space<vmem>>
      %dma_wait3A_79 = tpu.memref_squeeze %dma_wait3A_78 : memref<1x128xi32, #tpu.memory_space<vmem>> -> memref<128xi32, #tpu.memory_space<vmem>>
      %dma_wait3A_80 = arith.constant 0 : i32
      %dma_wait3A_81 = arith.constant 0 : i32
      %dma_wait3A_82 = tpu.memref_slice %arg8[%dma_wait3A_80, %dma_wait3A_81] : memref<51200x32xf32, #tpu.memory_space<vmem_shared>> -> memref<51200x32xf32, #tpu.memory_space<vmem_shared>>
      tpu.wait_indirect_dma semaphore(%arg9 : memref<!tpu.dma_semaphore, #tpu.memory_space<semaphore_mem>>) src(%dma_wait3A_76 : memref<128x32xf32, #tpu.memory_space<vmem>>) dst(%dma_wait3A_82 : memref<51200x32xf32, #tpu.memory_space<vmem_shared>>)
    } else {
    }
    %barrier3A_56 = arith.constant 0 : index
    tpu.barrier barrier_id(%barrier3A_56)
    "tpu.region"() ({
      %run_scoped3A = tpu.sem_alloc : memref<!tpu.dma_semaphore, #tpu.memory_space<semaphore_mem>>
      %dma_start3A_57 = tpu.memref_slice %arg5[%mul3A_2, %mul3A_0] : memref<51200x64xf32, #tpu.memory_space<hbm>> -> memref<3200x32xf32, #tpu.memory_space<hbm>>
      %dma_start3A_58 = arith.constant 0 : i32
      %dma_start3A_59 = tpu.memref_slice %arg8[%mul3A_2, %dma_start3A_58] : memref<51200x32xf32, #tpu.memory_space<vmem_shared>> -> memref<3200x32xf32, #tpu.memory_space<vmem_shared>>
      tpu.enqueue_dma source(%dma_start3A_59 : memref<3200x32xf32, #tpu.memory_space<vmem_shared>>) target(%dma_start3A_57 : memref<3200x32xf32, #tpu.memory_space<hbm>>) target_semaphore(%run_scoped3A : memref<!tpu.dma_semaphore, #tpu.memory_space<semaphore_mem>>)
      %dma_wait3A_60 = tpu.memref_slice %arg5[%mul3A_2, %mul3A_0] : memref<51200x64xf32, #tpu.memory_space<hbm>> -> memref<3200x32xf32, #tpu.memory_space<hbm>>
      %dma_wait3A_61 = arith.constant 0 : i32
      %dma_wait3A_62 = tpu.memref_slice %arg8[%mul3A_2, %dma_wait3A_61] : memref<51200x32xf32, #tpu.memory_space<vmem_shared>> -> memref<3200x32xf32, #tpu.memory_space<vmem_shared>>
      tpu.wait_dma2 semaphore(%run_scoped3A : memref<!tpu.dma_semaphore, #tpu.memory_space<semaphore_mem>>) src(%dma_wait3A_62 : memref<3200x32xf32, #tpu.memory_space<vmem_shared>>) dst(%dma_wait3A_60 : memref<3200x32xf32, #tpu.memory_space<hbm>>)
      tpu.yield
    }) : () -> ()
    return
  }
}

module attributes {stable_mosaic.version = 14 : i64} {
  func.func @_embed_body(%arg0: i32, %arg1: memref<1024x1xi32, #tpu.memory_space<vmem>>, %arg2: memref<64x16xf32, #tpu.memory_space<vmem>>, %arg3: memref<1024x64xf32, #tpu.memory_space<vmem>>) attributes {dimension_semantics = [#tpu.dimension_semantics<arbitrary>], iteration_bounds = array<i64: 50>, scalar_prefetch = 0 : i64, scratch_operands = 0 : i64, tpu.core_type = #tpu.core_type<tc>, window_params = [{transform_indices = @transform_0, window_bounds = array<i64: 1024, 1>}, {pipeline_mode = #tpu.pipeline_mode<synchronous>, transform_indices = @transform_1, window_bounds = array<i64: 64, 16>}, {transform_indices = @transform_2, window_bounds = array<i64: 1024, 64>}]} {
    %get3A = arith.constant 0 : index
    %get3A_0 = arith.constant 0 : index
    %get3A_1 = vector.load %arg1[%get3A, %get3A_0] : memref<1024x1xi32, #tpu.memory_space<vmem>>, vector<1024x1xi32>
    %iota3A = tpu.iota {dimensions = array<i32: 1>} : vector<1x64xi32>
    %eq3A = vector.broadcast %get3A_1 : vector<1024x1xi32> to vector<1024x64xi32>
    %eq3A_2 = vector.broadcast %iota3A : vector<1x64xi32> to vector<1024x64xi32>
    %eq3A_3 = arith.cmpi eq, %eq3A, %eq3A_2 : vector<1024x64xi32>
    %convert_element_type3A = arith.extui %eq3A_3 : vector<1024x64xi1> to vector<1024x64xi32>
    %convert_element_type3A_4 = arith.sitofp %convert_element_type3A : vector<1024x64xi32> to vector<1024x64xf32>
    %get3A_5 = arith.constant 0 : index
    %get3A_6 = arith.constant 0 : index
    %get3A_7 = vector.load %arg2[%get3A_5, %get3A_6] : memref<64x16xf32, #tpu.memory_space<vmem>>, vector<64x16xf32>
    %dot_general3A = arith.constant dense<0.000000e+00> : vector<1024x16xf32>
    %dot_general3A_8 = tpu.matmul %convert_element_type3A_4, %get3A_7, %dot_general3A {dimension_numbers = #tpu.dot_dimension_numbers<[1], [0], [0], [1], [0, 0, 1, 1], [], []>, transpose_lhs_hint = false} : vector<1024x64xf32>, vector<64x16xf32>, vector<1024x16xf32> -> vector<1024x16xf32>
    %broadcast_in_dim3A = arith.constant 0.000000e+00 : f32
    %broadcast_in_dim3A_9 = vector.broadcast %broadcast_in_dim3A : f32 to vector<1024x48xf32>
    %concatenate3A = tpu.concatenate %dot_general3A_8, %broadcast_in_dim3A_9 in 1 : vector<1024x16xf32>, vector<1024x48xf32> -> vector<1024x64xf32>
    %swap3A = arith.constant 0 : index
    %swap3A_10 = arith.constant 0 : index
    %swap3A_11 = vector.load %arg3[%swap3A, %swap3A_10] : memref<1024x64xf32, #tpu.memory_space<vmem>>, vector<1024x64xf32>
    tpu.vector_store %arg3[%swap3A, %swap3A_10], %concatenate3A {strides = array<i32>} : memref<1024x64xf32, #tpu.memory_space<vmem>>, vector<1024x64xf32>,
    return
  }
  func.func @transform_0(%arg0: i32) -> (i32, i32) {
    %c0_i32 = arith.constant 0 : i32
    %c0_i32_0 = arith.constant 0 : i32
    return %arg0, %c0_i32 : i32, i32
  }
  func.func @transform_1(%arg0: i32) -> (i32, i32) {
    %c0_i32 = arith.constant 0 : i32
    %c0_i32_0 = arith.constant 0 : i32
    %c0_i32_1 = arith.constant 0 : i32
    return %c0_i32, %c0_i32_0 : i32, i32
  }
  func.func @transform_2(%arg0: i32) -> (i32, i32) {
    %c0_i32 = arith.constant 0 : i32
    %c0_i32_0 = arith.constant 0 : i32
    return %arg0, %c0_i32 : i32, i32
  }
}

module attributes {stable_mosaic.version = 14 : i64} {
  func.func @_msg_body(%arg0: i32, %arg1: memref<1000x64xf32, #tpu.memory_space<vmem>>, %arg2: memref<1000x1xf32, #tpu.memory_space<vmem>>, %arg3: memref<1000x1xf32, #tpu.memory_space<vmem>>, %arg4: memref<1000x1xf32, #tpu.memory_space<vmem>>, %arg5: memref<1000x1xf32, #tpu.memory_space<vmem>>, %arg6: memref<8x16xf32, #tpu.memory_space<vmem>>, %arg7: memref<16x16xf32, #tpu.memory_space<vmem>>, %arg8: memref<1000x64xf32, #tpu.memory_space<vmem>>) attributes {dimension_semantics = [#tpu.dimension_semantics<arbitrary>], iteration_bounds = array<i64: 800>, scalar_prefetch = 0 : i64, scratch_operands = 0 : i64, tpu.core_type = #tpu.core_type<tc>, window_params = [{transform_indices = @transform_0, window_bounds = array<i64: 1000, 64>}, {transform_indices = @transform_1, window_bounds = array<i64: 1000, 1>}, {transform_indices = @transform_2, window_bounds = array<i64: 1000, 1>}, {transform_indices = @transform_3, window_bounds = array<i64: 1000, 1>}, {transform_indices = @transform_4, window_bounds = array<i64: 1000, 1>}, {pipeline_mode = #tpu.pipeline_mode<synchronous>, transform_indices = @transform_5, window_bounds = array<i64: 8, 16>}, {pipeline_mode = #tpu.pipeline_mode<synchronous>, transform_indices = @transform_6, window_bounds = array<i64: 16, 16>}, {transform_indices = @transform_7, window_bounds = array<i64: 1000, 64>}]} {
    %get3A = arith.constant 0 : index
    %get3A_0 = arith.constant 0 : index
    %get3A_1 = vector.load %arg2[%get3A, %get3A_0] : memref<1000x1xf32, #tpu.memory_space<vmem>>, vector<1000x1xf32>
    %iota3A = tpu.iota {dimensions = array<i32: 1>} : vector<1x8xi32>
    %convert_element_type3A = arith.sitofp %iota3A : vector<1x8xi32> to vector<1x8xf32>
    %add3A = arith.constant 1.000000e+00 : f32
    %add3A_2 = vector.broadcast %add3A : f32 to vector<1x8xf32>
    %add3A_3 = arith.addf %convert_element_type3A, %add3A_2 : vector<1x8xf32>
    %sqrt3A = arith.constant 4.000000e-01 : f32
    %sqrt3A_4 = math.sqrt %sqrt3A : f32
    %mul3A = arith.constant 0.628318548 : f32
    %mul3A_5 = vector.broadcast %mul3A : f32 to vector<1x8xf32>
    %mul3A_6 = arith.mulf %add3A_3, %mul3A_5 : vector<1x8xf32>
    %mul3A_7 = vector.broadcast %mul3A_6 : vector<1x8xf32> to vector<1000x8xf32>
    %mul3A_8 = vector.broadcast %get3A_1 : vector<1000x1xf32> to vector<1000x8xf32>
    %mul3A_9 = arith.mulf %mul3A_7, %mul3A_8 : vector<1000x8xf32>
    %sin3A = math.sin %mul3A_9 : vector<1000x8xf32>
    %mul3A_10 = vector.broadcast %sqrt3A_4 : f32 to vector<1000x8xf32>
    %mul3A_11 = arith.mulf %mul3A_10, %sin3A : vector<1000x8xf32>
    %add3A_12 = arith.constant 9.99999971E-10 : f32
    %add3A_13 = vector.broadcast %add3A_12 : f32 to vector<1000x1xf32>
    %add3A_14 = arith.addf %get3A_1, %add3A_13 : vector<1000x1xf32>
    %div3A = vector.broadcast %add3A_14 : vector<1000x1xf32> to vector<1000x8xf32>
    %div3A_15 = arith.divf %mul3A_11, %div3A : vector<1000x8xf32>
    %get3A_16 = arith.constant 0 : index
    %get3A_17 = arith.constant 0 : index
    %get3A_18 = vector.load %arg6[%get3A_16, %get3A_17] : memref<8x16xf32, #tpu.memory_space<vmem>>, vector<8x16xf32>
    %dot_general3A = arith.constant dense<0.000000e+00> : vector<1000x16xf32>
    %dot_general3A_19 = tpu.matmul %div3A_15, %get3A_18, %dot_general3A {dimension_numbers = #tpu.dot_dimension_numbers<[1], [0], [0], [1], [0, 0, 1, 1], [], []>, transpose_lhs_hint = false} : vector<1000x8xf32>, vector<8x16xf32>, vector<1000x16xf32> -> vector<1000x16xf32>
    %logistic3A = arith.negf %dot_general3A_19 : vector<1000x16xf32>
    %logistic3A_20 = math.exp %logistic3A : vector<1000x16xf32>
    %logistic3A_21 = arith.constant 1.000000e+00 : f32
    %logistic3A_22 = vector.broadcast %logistic3A_21 : f32 to vector<1000x16xf32>
    %logistic3A_23 = arith.addf %logistic3A_22, %logistic3A_20 : vector<1000x16xf32>
    %logistic3A_24 = arith.divf %logistic3A_22, %logistic3A_23 : vector<1000x16xf32>
    %mul3A_25 = arith.mulf %dot_general3A_19, %logistic3A_24 : vector<1000x16xf32>
    %get3A_26 = arith.constant 0 : index
    %get3A_27 = arith.constant 0 : index
    %get3A_28 = vector.load %arg7[%get3A_26, %get3A_27] : memref<16x16xf32, #tpu.memory_space<vmem>>, vector<16x16xf32>
    %dot_general3A_29 = arith.constant dense<0.000000e+00> : vector<1000x16xf32>
    %dot_general3A_30 = tpu.matmul %mul3A_25, %get3A_28, %dot_general3A_29 {dimension_numbers = #tpu.dot_dimension_numbers<[1], [0], [0], [1], [0, 0, 1, 1], [], []>, transpose_lhs_hint = false} : vector<1000x16xf32>, vector<16x16xf32>, vector<1000x16xf32> -> vector<1000x16xf32>
    %mul3A_31 = arith.constant 2.000000e-01 : f32
    %mul3A_32 = vector.broadcast %mul3A_31 : f32 to vector<1000x1xf32>
    %mul3A_33 = arith.mulf %get3A_1, %mul3A_32 : vector<1000x1xf32>
    %mul3A_34 = arith.mulf %mul3A_33, %mul3A_33 : vector<1000x1xf32>
    %mul3A_35 = arith.mulf %mul3A_34, %mul3A_34 : vector<1000x1xf32>
    %mul3A_36 = arith.mulf %mul3A_35, %mul3A_34 : vector<1000x1xf32>
    %mul3A_37 = arith.constant 2.800000e+01 : f32
    %mul3A_38 = vector.broadcast %mul3A_37 : f32 to vector<1000x1xf32>
    %mul3A_39 = arith.mulf %mul3A_38, %mul3A_36 : vector<1000x1xf32>
    %sub3A = arith.constant 1.000000e+00 : f32
    %sub3A_40 = vector.broadcast %sub3A : f32 to vector<1000x1xf32>
    %sub3A_41 = arith.subf %sub3A_40, %mul3A_39 : vector<1000x1xf32>
    %mul3A_42 = arith.mulf %mul3A_35, %mul3A_34 : vector<1000x1xf32>
    %mul3A_43 = arith.mulf %mul3A_42, %mul3A_33 : vector<1000x1xf32>
    %mul3A_44 = arith.constant 4.800000e+01 : f32
    %mul3A_45 = vector.broadcast %mul3A_44 : f32 to vector<1000x1xf32>
    %mul3A_46 = arith.mulf %mul3A_45, %mul3A_43 : vector<1000x1xf32>
    %add3A_47 = arith.addf %sub3A_41, %mul3A_46 : vector<1000x1xf32>
    %mul3A_48 = arith.mulf %mul3A_35, %mul3A_35 : vector<1000x1xf32>
    %mul3A_49 = arith.constant 2.100000e+01 : f32
    %mul3A_50 = vector.broadcast %mul3A_49 : f32 to vector<1000x1xf32>
    %mul3A_51 = arith.mulf %mul3A_50, %mul3A_48 : vector<1000x1xf32>
    %sub3A_52 = arith.subf %add3A_47, %mul3A_51 : vector<1000x1xf32>
    %lt3A = arith.constant 1.000000e+00 : f32
    %lt3A_53 = vector.broadcast %lt3A : f32 to vector<1000x1xf32>
    %lt3A_54 = arith.cmpf olt, %mul3A_33, %lt3A_53 : vector<1000x1xf32>
    %convert_element_type3A_55 = arith.extui %lt3A_54 : vector<1000x1xi1> to vector<1000x1xi32>
    %convert_element_type3A_56 = arith.sitofp %convert_element_type3A_55 : vector<1000x1xi32> to vector<1000x1xf32>
    %mul3A_57 = arith.mulf %sub3A_52, %convert_element_type3A_56 : vector<1000x1xf32>
    %mul3A_58 = arith.constant 5.000000e-01 : f32
    %mul3A_59 = vector.broadcast %mul3A_58 : f32 to vector<1000x1xf32>
    %mul3A_60 = arith.mulf %mul3A_59, %mul3A_57 : vector<1000x1xf32>
    %mul3A_61 = vector.broadcast %mul3A_60 : vector<1000x1xf32> to vector<1000x16xf32>
    %mul3A_62 = arith.mulf %dot_general3A_30, %mul3A_61 : vector<1000x16xf32>
    %get3A_63 = arith.constant 0 : index
    %get3A_64 = arith.constant 0 : index
    %get3A_65 = vector.load %arg3[%get3A_63, %get3A_64] : memref<1000x1xf32, #tpu.memory_space<vmem>>, vector<1000x1xf32>
    %get3A_66 = arith.constant 0 : index
    %get3A_67 = arith.constant 0 : index
    %get3A_68 = vector.load %arg4[%get3A_66, %get3A_67] : memref<1000x1xf32, #tpu.memory_space<vmem>>, vector<1000x1xf32>
    %get3A_69 = arith.constant 0 : index
    %get3A_70 = arith.constant 0 : index
    %get3A_71 = vector.load %arg5[%get3A_69, %get3A_70] : memref<1000x1xf32, #tpu.memory_space<vmem>>, vector<1000x1xf32>
    %mul3A_72 = arith.mulf %get3A_65, %get3A_65 : vector<1000x1xf32>
    %mul3A_73 = arith.mulf %get3A_68, %get3A_68 : vector<1000x1xf32>
    %add3A_74 = arith.addf %mul3A_72, %mul3A_73 : vector<1000x1xf32>
    %mul3A_75 = arith.mulf %get3A_71, %get3A_71 : vector<1000x1xf32>
    %add3A_76 = arith.addf %add3A_74, %mul3A_75 : vector<1000x1xf32>
    %sqrt3A_77 = math.sqrt %add3A_76 : vector<1000x1xf32>
    %add3A_78 = arith.constant 9.99999971E-10 : f32
    %add3A_79 = vector.broadcast %add3A_78 : f32 to vector<1000x1xf32>
    %add3A_80 = arith.addf %sqrt3A_77, %add3A_79 : vector<1000x1xf32>
    %div3A_81 = arith.constant 1.000000e+00 : f32
    %div3A_82 = vector.broadcast %div3A_81 : f32 to vector<1000x1xf32>
    %div3A_83 = arith.divf %div3A_82, %add3A_80 : vector<1000x1xf32>
    %broadcast_in_dim3A = arith.constant 1.000000e+00 : f32
    %broadcast_in_dim3A_84 = vector.broadcast %broadcast_in_dim3A : f32 to vector<1000x16xf32>
    %mul3A_85 = arith.constant 1.73205078 : f32
    %mul3A_86 = vector.broadcast %mul3A_85 : f32 to vector<1000x1xf32>
    %mul3A_87 = arith.mulf %mul3A_86, %get3A_65 : vector<1000x1xf32>
    %mul3A_88 = arith.mulf %mul3A_87, %div3A_83 : vector<1000x1xf32>
    %mul3A_89 = vector.broadcast %mul3A_88 : vector<1000x1xf32> to vector<1000x16xf32>
    %mul3A_90 = arith.mulf %mul3A_89, %broadcast_in_dim3A_84 : vector<1000x16xf32>
    %mul3A_91 = arith.constant 1.73205078 : f32
    %mul3A_92 = vector.broadcast %mul3A_91 : f32 to vector<1000x1xf32>
    %mul3A_93 = arith.mulf %mul3A_92, %get3A_68 : vector<1000x1xf32>
    %mul3A_94 = arith.mulf %mul3A_93, %div3A_83 : vector<1000x1xf32>
    %mul3A_95 = vector.broadcast %mul3A_94 : vector<1000x1xf32> to vector<1000x16xf32>
    %mul3A_96 = arith.mulf %mul3A_95, %broadcast_in_dim3A_84 : vector<1000x16xf32>
    %mul3A_97 = arith.constant 1.73205078 : f32
    %mul3A_98 = vector.broadcast %mul3A_97 : f32 to vector<1000x1xf32>
    %mul3A_99 = arith.mulf %mul3A_98, %get3A_71 : vector<1000x1xf32>
    %mul3A_100 = arith.mulf %mul3A_99, %div3A_83 : vector<1000x1xf32>
    %mul3A_101 = vector.broadcast %mul3A_100 : vector<1000x1xf32> to vector<1000x16xf32>
    %mul3A_102 = arith.mulf %mul3A_101, %broadcast_in_dim3A_84 : vector<1000x16xf32>
    %concatenate3A = tpu.concatenate %broadcast_in_dim3A_84, %mul3A_90, %mul3A_96, %mul3A_102 in 1 : vector<1000x16xf32>, vector<1000x16xf32>, vector<1000x16xf32>, vector<1000x16xf32> -> vector<1000x64xf32>
    %get3A_103 = arith.constant 0 : index
    %get3A_104 = arith.constant 0 : index
    %get3A_105 = vector.load %arg1[%get3A_103, %get3A_104] : memref<1000x64xf32, #tpu.memory_space<vmem>>, vector<1000x64xf32>
    %slice3A = vector.extract_strided_slice %get3A_105 {offsets = [0, 0], sizes = [1000, 16], strides = [1, 1]} : vector<1000x64xf32> to vector<1000x16xf32>
    %concatenate3A_106 = tpu.concatenate %slice3A, %slice3A, %slice3A, %slice3A in 1 : vector<1000x16xf32>, vector<1000x16xf32>, vector<1000x16xf32>, vector<1000x16xf32> -> vector<1000x64xf32>
    %concatenate3A_107 = tpu.concatenate %mul3A_62, %mul3A_62, %mul3A_62, %mul3A_62 in 1 : vector<1000x16xf32>, vector<1000x16xf32>, vector<1000x16xf32>, vector<1000x16xf32> -> vector<1000x64xf32>
    %mul3A_108 = arith.mulf %concatenate3A, %concatenate3A_106 : vector<1000x64xf32>
    %add3A_109 = arith.addf %mul3A_108, %get3A_105 : vector<1000x64xf32>
    %mul3A_110 = arith.mulf %concatenate3A_107, %add3A_109 : vector<1000x64xf32>
    %swap3A = arith.constant 0 : index
    %swap3A_111 = arith.constant 0 : index
    %swap3A_112 = vector.load %arg8[%swap3A, %swap3A_111] : memref<1000x64xf32, #tpu.memory_space<vmem>>, vector<1000x64xf32>
    tpu.vector_store %arg8[%swap3A, %swap3A_111], %mul3A_110 {strides = array<i32>} : memref<1000x64xf32, #tpu.memory_space<vmem>>, vector<1000x64xf32>,
    return
  }
  func.func @transform_0(%arg0: i32) -> (i32, i32) {
    %c0_i32 = arith.constant 0 : i32
    %c0_i32_0 = arith.constant 0 : i32
    return %arg0, %c0_i32 : i32, i32
  }
  func.func @transform_1(%arg0: i32) -> (i32, i32) {
    %c0_i32 = arith.constant 0 : i32
    %c0_i32_0 = arith.constant 0 : i32
    return %arg0, %c0_i32 : i32, i32
  }
  func.func @transform_2(%arg0: i32) -> (i32, i32) {
    %c0_i32 = arith.constant 0 : i32
    %c0_i32_0 = arith.constant 0 : i32
    return %arg0, %c0_i32 : i32, i32
  }
  func.func @transform_3(%arg0: i32) -> (i32, i32) {
    %c0_i32 = arith.constant 0 : i32
    %c0_i32_0 = arith.constant 0 : i32
    return %arg0, %c0_i32 : i32, i32
  }
  func.func @transform_4(%arg0: i32) -> (i32, i32) {
    %c0_i32 = arith.constant 0 : i32
    %c0_i32_0 = arith.constant 0 : i32
    return %arg0, %c0_i32 : i32, i32
  }
  func.func @transform_5(%arg0: i32) -> (i32, i32) {
    %c0_i32 = arith.constant 0 : i32
    %c0_i32_0 = arith.constant 0 : i32
    %c0_i32_1 = arith.constant 0 : i32
    return %c0_i32, %c0_i32_0 : i32, i32
  }
  func.func @transform_6(%arg0: i32) -> (i32, i32) {
    %c0_i32 = arith.constant 0 : i32
    %c0_i32_0 = arith.constant 0 : i32
    %c0_i32_1 = arith.constant 0 : i32
    return %c0_i32, %c0_i32_0 : i32, i32
  }
  func.func @transform_7(%arg0: i32) -> (i32, i32) {
    %c0_i32 = arith.constant 0 : i32
    %c0_i32_0 = arith.constant 0 : i32
    return %arg0, %c0_i32 : i32, i32
  }
}

module attributes {stable_mosaic.version = 14 : i64} {
  func.func @_node_body(%arg0: i32, %arg1: memref<1024x64xf32, #tpu.memory_space<vmem>>, %arg2: memref<1024x64xf32, #tpu.memory_space<vmem>>, %arg3: memref<1024x1xi32, #tpu.memory_space<vmem>>, %arg4: memref<64x256xf32, #tpu.memory_space<vmem>>, %arg5: memref<16x16xf32, #tpu.memory_space<vmem>>, %arg6: memref<1024x64xf32, #tpu.memory_space<vmem>>) attributes {dimension_semantics = [#tpu.dimension_semantics<arbitrary>], iteration_bounds = array<i64: 50>, scalar_prefetch = 0 : i64, scratch_operands = 0 : i64, tpu.core_type = #tpu.core_type<tc>, window_params = [{transform_indices = @transform_0, window_bounds = array<i64: 1024, 64>}, {transform_indices = @transform_1, window_bounds = array<i64: 1024, 64>}, {transform_indices = @transform_2, window_bounds = array<i64: 1024, 1>}, {pipeline_mode = #tpu.pipeline_mode<synchronous>, transform_indices = @transform_3, window_bounds = array<i64: 64, 256>}, {pipeline_mode = #tpu.pipeline_mode<synchronous>, transform_indices = @transform_4, window_bounds = array<i64: 16, 16>}, {transform_indices = @transform_5, window_bounds = array<i64: 1024, 64>}]} {
    %get3A = arith.constant 0 : index
    %get3A_0 = arith.constant 0 : index
    %get3A_1 = vector.load %arg3[%get3A, %get3A_0] : memref<1024x1xi32, #tpu.memory_space<vmem>>, vector<1024x1xi32>
    %iota3A = tpu.iota {dimensions = array<i32: 1>} : vector<1x64xi32>
    %eq3A = vector.broadcast %get3A_1 : vector<1024x1xi32> to vector<1024x64xi32>
    %eq3A_2 = vector.broadcast %iota3A : vector<1x64xi32> to vector<1024x64xi32>
    %eq3A_3 = arith.cmpi eq, %eq3A, %eq3A_2 : vector<1024x64xi32>
    %convert_element_type3A = arith.extui %eq3A_3 : vector<1024x64xi1> to vector<1024x64xi32>
    %convert_element_type3A_4 = arith.sitofp %convert_element_type3A : vector<1024x64xi32> to vector<1024x64xf32>
    %get3A_5 = arith.constant 0 : index
    %get3A_6 = arith.constant 0 : index
    %get3A_7 = vector.load %arg4[%get3A_5, %get3A_6] : memref<64x256xf32, #tpu.memory_space<vmem>>, vector<64x256xf32>
    %dot_general3A = arith.constant dense<0.000000e+00> : vector<1024x256xf32>
    %dot_general3A_8 = tpu.matmul %convert_element_type3A_4, %get3A_7, %dot_general3A {dimension_numbers = #tpu.dot_dimension_numbers<[1], [0], [0], [1], [0, 0, 1, 1], [], []>, transpose_lhs_hint = false} : vector<1024x64xf32>, vector<64x256xf32>, vector<1024x256xf32> -> vector<1024x256xf32>
    %get3A_9 = arith.constant 0 : index
    %get3A_10 = arith.constant 0 : index
    %get3A_11 = vector.load %arg1[%get3A_9, %get3A_10] : memref<1024x64xf32, #tpu.memory_space<vmem>>, vector<1024x64xf32>
    %get3A_12 = arith.constant 0 : index
    %get3A_13 = arith.constant 0 : index
    %get3A_14 = vector.load %arg2[%get3A_12, %get3A_13] : memref<1024x64xf32, #tpu.memory_space<vmem>>, vector<1024x64xf32>
    %get3A_15 = arith.constant 0 : index
    %get3A_16 = arith.constant 0 : index
    %get3A_17 = vector.load %arg5[%get3A_15, %get3A_16] : memref<16x16xf32, #tpu.memory_space<vmem>>, vector<16x16xf32>
    %slice3A = vector.extract_strided_slice %get3A_11 {offsets = [0, 0], sizes = [1024, 16], strides = [1, 1]} : vector<1024x64xf32> to vector<1024x16xf32>
    %mul3A = arith.constant 2.500000e-01 : f32
    %mul3A_18 = vector.broadcast %mul3A : f32 to vector<1024x16xf32>
    %mul3A_19 = arith.mulf %slice3A, %mul3A_18 : vector<1024x16xf32>
    %dot_general3A_20 = arith.constant dense<0.000000e+00> : vector<1024x16xf32>
    %dot_general3A_21 = tpu.matmul %mul3A_19, %get3A_17, %dot_general3A_20 {dimension_numbers = #tpu.dot_dimension_numbers<[1], [0], [0], [1], [0, 0, 1, 1], [], []>, transpose_lhs_hint = false} : vector<1024x16xf32>, vector<16x16xf32>, vector<1024x16xf32> -> vector<1024x16xf32>
    %slice3A_22 = vector.extract_strided_slice %get3A_14 {offsets = [0, 0], sizes = [1024, 16], strides = [1, 1]} : vector<1024x64xf32> to vector<1024x16xf32>
    %broadcast_in_dim3A = arith.constant 0.000000e+00 : f32
    %broadcast_in_dim3A_23 = vector.broadcast %broadcast_in_dim3A : f32 to vector<1024x16xf32>
    %slice3A_24 = vector.extract_strided_slice %slice3A_22 {offsets = [0, 0], sizes = [1024, 1], strides = [1, 1]} : vector<1024x16xf32> to vector<1024x1xf32>
    %slice3A_25 = vector.extract_strided_slice %dot_general3A_8 {offsets = [0, 0], sizes = [1024, 16], strides = [1, 1]} : vector<1024x256xf32> to vector<1024x16xf32>
    %mul3A_26 = vector.broadcast %slice3A_24 : vector<1024x1xf32> to vector<1024x16xf32>
    %mul3A_27 = arith.mulf %mul3A_26, %slice3A_25 : vector<1024x16xf32>
    %add3A = arith.addf %broadcast_in_dim3A_23, %mul3A_27 : vector<1024x16xf32>
    %slice3A_28 = vector.extract_strided_slice %slice3A_22 {offsets = [0, 1], sizes = [1024, 1], strides = [1, 1]} : vector<1024x16xf32> to vector<1024x1xf32>
    %slice3A_29 = vector.extract_strided_slice %dot_general3A_8 {offsets = [0, 16], sizes = [1024, 16], strides = [1, 1]} : vector<1024x256xf32> to vector<1024x16xf32>
    %mul3A_30 = vector.broadcast %slice3A_28 : vector<1024x1xf32> to vector<1024x16xf32>
    %mul3A_31 = arith.mulf %mul3A_30, %slice3A_29 : vector<1024x16xf32>
    %add3A_32 = arith.addf %add3A, %mul3A_31 : vector<1024x16xf32>
    %slice3A_33 = vector.extract_strided_slice %slice3A_22 {offsets = [0, 2], sizes = [1024, 1], strides = [1, 1]} : vector<1024x16xf32> to vector<1024x1xf32>
    %slice3A_34 = vector.extract_strided_slice %dot_general3A_8 {offsets = [0, 32], sizes = [1024, 16], strides = [1, 1]} : vector<1024x256xf32> to vector<1024x16xf32>
    %mul3A_35 = vector.broadcast %slice3A_33 : vector<1024x1xf32> to vector<1024x16xf32>
    %mul3A_36 = arith.mulf %mul3A_35, %slice3A_34 : vector<1024x16xf32>
    %add3A_37 = arith.addf %add3A_32, %mul3A_36 : vector<1024x16xf32>
    %slice3A_38 = vector.extract_strided_slice %slice3A_22 {offsets = [0, 3], sizes = [1024, 1], strides = [1, 1]} : vector<1024x16xf32> to vector<1024x1xf32>
    %slice3A_39 = vector.extract_strided_slice %dot_general3A_8 {offsets = [0, 48], sizes = [1024, 16], strides = [1, 1]} : vector<1024x256xf32> to vector<1024x16xf32>
    %mul3A_40 = vector.broadcast %slice3A_38 : vector<1024x1xf32> to vector<1024x16xf32>
    %mul3A_41 = arith.mulf %mul3A_40, %slice3A_39 : vector<1024x16xf32>
    %add3A_42 = arith.addf %add3A_37, %mul3A_41 : vector<1024x16xf32>
    %slice3A_43 = vector.extract_strided_slice %slice3A_22 {offsets = [0, 4], sizes = [1024, 1], strides = [1, 1]} : vector<1024x16xf32> to vector<1024x1xf32>
    %slice3A_44 = vector.extract_strided_slice %dot_general3A_8 {offsets = [0, 64], sizes = [1024, 16], strides = [1, 1]} : vector<1024x256xf32> to vector<1024x16xf32>
    %mul3A_45 = vector.broadcast %slice3A_43 : vector<1024x1xf32> to vector<1024x16xf32>
    %mul3A_46 = arith.mulf %mul3A_45, %slice3A_44 : vector<1024x16xf32>
    %add3A_47 = arith.addf %add3A_42, %mul3A_46 : vector<1024x16xf32>
    %slice3A_48 = vector.extract_strided_slice %slice3A_22 {offsets = [0, 5], sizes = [1024, 1], strides = [1, 1]} : vector<1024x16xf32> to vector<1024x1xf32>
    %slice3A_49 = vector.extract_strided_slice %dot_general3A_8 {offsets = [0, 80], sizes = [1024, 16], strides = [1, 1]} : vector<1024x256xf32> to vector<1024x16xf32>
    %mul3A_50 = vector.broadcast %slice3A_48 : vector<1024x1xf32> to vector<1024x16xf32>
    %mul3A_51 = arith.mulf %mul3A_50, %slice3A_49 : vector<1024x16xf32>
    %add3A_52 = arith.addf %add3A_47, %mul3A_51 : vector<1024x16xf32>
    %slice3A_53 = vector.extract_strided_slice %slice3A_22 {offsets = [0, 6], sizes = [1024, 1], strides = [1, 1]} : vector<1024x16xf32> to vector<1024x1xf32>
    %slice3A_54 = vector.extract_strided_slice %dot_general3A_8 {offsets = [0, 96], sizes = [1024, 16], strides = [1, 1]} : vector<1024x256xf32> to vector<1024x16xf32>
    %mul3A_55 = vector.broadcast %slice3A_53 : vector<1024x1xf32> to vector<1024x16xf32>
    %mul3A_56 = arith.mulf %mul3A_55, %slice3A_54 : vector<1024x16xf32>
    %add3A_57 = arith.addf %add3A_52, %mul3A_56 : vector<1024x16xf32>
    %slice3A_58 = vector.extract_strided_slice %slice3A_22 {offsets = [0, 7], sizes = [1024, 1], strides = [1, 1]} : vector<1024x16xf32> to vector<1024x1xf32>
    %slice3A_59 = vector.extract_strided_slice %dot_general3A_8 {offsets = [0, 112], sizes = [1024, 16], strides = [1, 1]} : vector<1024x256xf32> to vector<1024x16xf32>
    %mul3A_60 = vector.broadcast %slice3A_58 : vector<1024x1xf32> to vector<1024x16xf32>
    %mul3A_61 = arith.mulf %mul3A_60, %slice3A_59 : vector<1024x16xf32>
    %add3A_62 = arith.addf %add3A_57, %mul3A_61 : vector<1024x16xf32>
    %slice3A_63 = vector.extract_strided_slice %slice3A_22 {offsets = [0, 8], sizes = [1024, 1], strides = [1, 1]} : vector<1024x16xf32> to vector<1024x1xf32>
    %slice3A_64 = vector.extract_strided_slice %dot_general3A_8 {offsets = [0, 128], sizes = [1024, 16], strides = [1, 1]} : vector<1024x256xf32> to vector<1024x16xf32>
    %mul3A_65 = vector.broadcast %slice3A_63 : vector<1024x1xf32> to vector<1024x16xf32>
    %mul3A_66 = arith.mulf %mul3A_65, %slice3A_64 : vector<1024x16xf32>
    %add3A_67 = arith.addf %add3A_62, %mul3A_66 : vector<1024x16xf32>
    %slice3A_68 = vector.extract_strided_slice %slice3A_22 {offsets = [0, 9], sizes = [1024, 1], strides = [1, 1]} : vector<1024x16xf32> to vector<1024x1xf32>
    %slice3A_69 = vector.extract_strided_slice %dot_general3A_8 {offsets = [0, 144], sizes = [1024, 16], strides = [1, 1]} : vector<1024x256xf32> to vector<1024x16xf32>
    %mul3A_70 = vector.broadcast %slice3A_68 : vector<1024x1xf32> to vector<1024x16xf32>
    %mul3A_71 = arith.mulf %mul3A_70, %slice3A_69 : vector<1024x16xf32>
    %add3A_72 = arith.addf %add3A_67, %mul3A_71 : vector<1024x16xf32>
    %slice3A_73 = vector.extract_strided_slice %slice3A_22 {offsets = [0, 10], sizes = [1024, 1], strides = [1, 1]} : vector<1024x16xf32> to vector<1024x1xf32>
    %slice3A_74 = vector.extract_strided_slice %dot_general3A_8 {offsets = [0, 160], sizes = [1024, 16], strides = [1, 1]} : vector<1024x256xf32> to vector<1024x16xf32>
    %mul3A_75 = vector.broadcast %slice3A_73 : vector<1024x1xf32> to vector<1024x16xf32>
    %mul3A_76 = arith.mulf %mul3A_75, %slice3A_74 : vector<1024x16xf32>
    %add3A_77 = arith.addf %add3A_72, %mul3A_76 : vector<1024x16xf32>
    %slice3A_78 = vector.extract_strided_slice %slice3A_22 {offsets = [0, 11], sizes = [1024, 1], strides = [1, 1]} : vector<1024x16xf32> to vector<1024x1xf32>
    %slice3A_79 = vector.extract_strided_slice %dot_general3A_8 {offsets = [0, 176], sizes = [1024, 16], strides = [1, 1]} : vector<1024x256xf32> to vector<1024x16xf32>
    %mul3A_80 = vector.broadcast %slice3A_78 : vector<1024x1xf32> to vector<1024x16xf32>
    %mul3A_81 = arith.mulf %mul3A_80, %slice3A_79 : vector<1024x16xf32>
    %add3A_82 = arith.addf %add3A_77, %mul3A_81 : vector<1024x16xf32>
    %slice3A_83 = vector.extract_strided_slice %slice3A_22 {offsets = [0, 12], sizes = [1024, 1], strides = [1, 1]} : vector<1024x16xf32> to vector<1024x1xf32>
    %slice3A_84 = vector.extract_strided_slice %dot_general3A_8 {offsets = [0, 192], sizes = [1024, 16], strides = [1, 1]} : vector<1024x256xf32> to vector<1024x16xf32>
    %mul3A_85 = vector.broadcast %slice3A_83 : vector<1024x1xf32> to vector<1024x16xf32>
    %mul3A_86 = arith.mulf %mul3A_85, %slice3A_84 : vector<1024x16xf32>
    %add3A_87 = arith.addf %add3A_82, %mul3A_86 : vector<1024x16xf32>
    %slice3A_88 = vector.extract_strided_slice %slice3A_22 {offsets = [0, 13], sizes = [1024, 1], strides = [1, 1]} : vector<1024x16xf32> to vector<1024x1xf32>
    %slice3A_89 = vector.extract_strided_slice %dot_general3A_8 {offsets = [0, 208], sizes = [1024, 16], strides = [1, 1]} : vector<1024x256xf32> to vector<1024x16xf32>
    %mul3A_90 = vector.broadcast %slice3A_88 : vector<1024x1xf32> to vector<1024x16xf32>
    %mul3A_91 = arith.mulf %mul3A_90, %slice3A_89 : vector<1024x16xf32>
    %add3A_92 = arith.addf %add3A_87, %mul3A_91 : vector<1024x16xf32>
    %slice3A_93 = vector.extract_strided_slice %slice3A_22 {offsets = [0, 14], sizes = [1024, 1], strides = [1, 1]} : vector<1024x16xf32> to vector<1024x1xf32>
    %slice3A_94 = vector.extract_strided_slice %dot_general3A_8 {offsets = [0, 224], sizes = [1024, 16], strides = [1, 1]} : vector<1024x256xf32> to vector<1024x16xf32>
    %mul3A_95 = vector.broadcast %slice3A_93 : vector<1024x1xf32> to vector<1024x16xf32>
    %mul3A_96 = arith.mulf %mul3A_95, %slice3A_94 : vector<1024x16xf32>
    %add3A_97 = arith.addf %add3A_92, %mul3A_96 : vector<1024x16xf32>
    %slice3A_98 = vector.extract_strided_slice %slice3A_22 {offsets = [0, 15], sizes = [1024, 1], strides = [1, 1]} : vector<1024x16xf32> to vector<1024x1xf32>
    %slice3A_99 = vector.extract_strided_slice %dot_general3A_8 {offsets = [0, 240], sizes = [1024, 16], strides = [1, 1]} : vector<1024x256xf32> to vector<1024x16xf32>
    %mul3A_100 = vector.broadcast %slice3A_98 : vector<1024x1xf32> to vector<1024x16xf32>
    %mul3A_101 = arith.mulf %mul3A_100, %slice3A_99 : vector<1024x16xf32>
    %add3A_102 = arith.addf %add3A_97, %mul3A_101 : vector<1024x16xf32>
    %add3A_103 = arith.addf %dot_general3A_21, %add3A_102 : vector<1024x16xf32>
    %slice3A_104 = vector.extract_strided_slice %get3A_11 {offsets = [0, 16], sizes = [1024, 16], strides = [1, 1]} : vector<1024x64xf32> to vector<1024x16xf32>
    %mul3A_105 = arith.constant 2.500000e-01 : f32
    %mul3A_106 = vector.broadcast %mul3A_105 : f32 to vector<1024x16xf32>
    %mul3A_107 = arith.mulf %slice3A_104, %mul3A_106 : vector<1024x16xf32>
    %dot_general3A_108 = arith.constant dense<0.000000e+00> : vector<1024x16xf32>
    %dot_general3A_109 = tpu.matmul %mul3A_107, %get3A_17, %dot_general3A_108 {dimension_numbers = #tpu.dot_dimension_numbers<[1], [0], [0], [1], [0, 0, 1, 1], [], []>, transpose_lhs_hint = false} : vector<1024x16xf32>, vector<16x16xf32>, vector<1024x16xf32> -> vector<1024x16xf32>
    %slice3A_110 = vector.extract_strided_slice %get3A_14 {offsets = [0, 16], sizes = [1024, 16], strides = [1, 1]} : vector<1024x64xf32> to vector<1024x16xf32>
    %broadcast_in_dim3A_111 = arith.constant 0.000000e+00 : f32
    %broadcast_in_dim3A_112 = vector.broadcast %broadcast_in_dim3A_111 : f32 to vector<1024x16xf32>
    %slice3A_113 = vector.extract_strided_slice %slice3A_110 {offsets = [0, 0], sizes = [1024, 1], strides = [1, 1]} : vector<1024x16xf32> to vector<1024x1xf32>
    %slice3A_114 = vector.extract_strided_slice %dot_general3A_8 {offsets = [0, 0], sizes = [1024, 16], strides = [1, 1]} : vector<1024x256xf32> to vector<1024x16xf32>
    %mul3A_115 = vector.broadcast %slice3A_113 : vector<1024x1xf32> to vector<1024x16xf32>
    %mul3A_116 = arith.mulf %mul3A_115, %slice3A_114 : vector<1024x16xf32>
    %add3A_117 = arith.addf %broadcast_in_dim3A_112, %mul3A_116 : vector<1024x16xf32>
    %slice3A_118 = vector.extract_strided_slice %slice3A_110 {offsets = [0, 1], sizes = [1024, 1], strides = [1, 1]} : vector<1024x16xf32> to vector<1024x1xf32>
    %slice3A_119 = vector.extract_strided_slice %dot_general3A_8 {offsets = [0, 16], sizes = [1024, 16], strides = [1, 1]} : vector<1024x256xf32> to vector<1024x16xf32>
    %mul3A_120 = vector.broadcast %slice3A_118 : vector<1024x1xf32> to vector<1024x16xf32>
    %mul3A_121 = arith.mulf %mul3A_120, %slice3A_119 : vector<1024x16xf32>
    %add3A_122 = arith.addf %add3A_117, %mul3A_121 : vector<1024x16xf32>
    %slice3A_123 = vector.extract_strided_slice %slice3A_110 {offsets = [0, 2], sizes = [1024, 1], strides = [1, 1]} : vector<1024x16xf32> to vector<1024x1xf32>
    %slice3A_124 = vector.extract_strided_slice %dot_general3A_8 {offsets = [0, 32], sizes = [1024, 16], strides = [1, 1]} : vector<1024x256xf32> to vector<1024x16xf32>
    %mul3A_125 = vector.broadcast %slice3A_123 : vector<1024x1xf32> to vector<1024x16xf32>
    %mul3A_126 = arith.mulf %mul3A_125, %slice3A_124 : vector<1024x16xf32>
    %add3A_127 = arith.addf %add3A_122, %mul3A_126 : vector<1024x16xf32>
    %slice3A_128 = vector.extract_strided_slice %slice3A_110 {offsets = [0, 3], sizes = [1024, 1], strides = [1, 1]} : vector<1024x16xf32> to vector<1024x1xf32>
    %slice3A_129 = vector.extract_strided_slice %dot_general3A_8 {offsets = [0, 48], sizes = [1024, 16], strides = [1, 1]} : vector<1024x256xf32> to vector<1024x16xf32>
    %mul3A_130 = vector.broadcast %slice3A_128 : vector<1024x1xf32> to vector<1024x16xf32>
    %mul3A_131 = arith.mulf %mul3A_130, %slice3A_129 : vector<1024x16xf32>
    %add3A_132 = arith.addf %add3A_127, %mul3A_131 : vector<1024x16xf32>
    %slice3A_133 = vector.extract_strided_slice %slice3A_110 {offsets = [0, 4], sizes = [1024, 1], strides = [1, 1]} : vector<1024x16xf32> to vector<1024x1xf32>
    %slice3A_134 = vector.extract_strided_slice %dot_general3A_8 {offsets = [0, 64], sizes = [1024, 16], strides = [1, 1]} : vector<1024x256xf32> to vector<1024x16xf32>
    %mul3A_135 = vector.broadcast %slice3A_133 : vector<1024x1xf32> to vector<1024x16xf32>
    %mul3A_136 = arith.mulf %mul3A_135, %slice3A_134 : vector<1024x16xf32>
    %add3A_137 = arith.addf %add3A_132, %mul3A_136 : vector<1024x16xf32>
    %slice3A_138 = vector.extract_strided_slice %slice3A_110 {offsets = [0, 5], sizes = [1024, 1], strides = [1, 1]} : vector<1024x16xf32> to vector<1024x1xf32>
    %slice3A_139 = vector.extract_strided_slice %dot_general3A_8 {offsets = [0, 80], sizes = [1024, 16], strides = [1, 1]} : vector<1024x256xf32> to vector<1024x16xf32>
    %mul3A_140 = vector.broadcast %slice3A_138 : vector<1024x1xf32> to vector<1024x16xf32>
    %mul3A_141 = arith.mulf %mul3A_140, %slice3A_139 : vector<1024x16xf32>
    %add3A_142 = arith.addf %add3A_137, %mul3A_141 : vector<1024x16xf32>
    %slice3A_143 = vector.extract_strided_slice %slice3A_110 {offsets = [0, 6], sizes = [1024, 1], strides = [1, 1]} : vector<1024x16xf32> to vector<1024x1xf32>
    %slice3A_144 = vector.extract_strided_slice %dot_general3A_8 {offsets = [0, 96], sizes = [1024, 16], strides = [1, 1]} : vector<1024x256xf32> to vector<1024x16xf32>
    %mul3A_145 = vector.broadcast %slice3A_143 : vector<1024x1xf32> to vector<1024x16xf32>
    %mul3A_146 = arith.mulf %mul3A_145, %slice3A_144 : vector<1024x16xf32>
    %add3A_147 = arith.addf %add3A_142, %mul3A_146 : vector<1024x16xf32>
    %slice3A_148 = vector.extract_strided_slice %slice3A_110 {offsets = [0, 7], sizes = [1024, 1], strides = [1, 1]} : vector<1024x16xf32> to vector<1024x1xf32>
    %slice3A_149 = vector.extract_strided_slice %dot_general3A_8 {offsets = [0, 112], sizes = [1024, 16], strides = [1, 1]} : vector<1024x256xf32> to vector<1024x16xf32>
    %mul3A_150 = vector.broadcast %slice3A_148 : vector<1024x1xf32> to vector<1024x16xf32>
    %mul3A_151 = arith.mulf %mul3A_150, %slice3A_149 : vector<1024x16xf32>
    %add3A_152 = arith.addf %add3A_147, %mul3A_151 : vector<1024x16xf32>
    %slice3A_153 = vector.extract_strided_slice %slice3A_110 {offsets = [0, 8], sizes = [1024, 1], strides = [1, 1]} : vector<1024x16xf32> to vector<1024x1xf32>
    %slice3A_154 = vector.extract_strided_slice %dot_general3A_8 {offsets = [0, 128], sizes = [1024, 16], strides = [1, 1]} : vector<1024x256xf32> to vector<1024x16xf32>
    %mul3A_155 = vector.broadcast %slice3A_153 : vector<1024x1xf32> to vector<1024x16xf32>
    %mul3A_156 = arith.mulf %mul3A_155, %slice3A_154 : vector<1024x16xf32>
    %add3A_157 = arith.addf %add3A_152, %mul3A_156 : vector<1024x16xf32>
    %slice3A_158 = vector.extract_strided_slice %slice3A_110 {offsets = [0, 9], sizes = [1024, 1], strides = [1, 1]} : vector<1024x16xf32> to vector<1024x1xf32>
    %slice3A_159 = vector.extract_strided_slice %dot_general3A_8 {offsets = [0, 144], sizes = [1024, 16], strides = [1, 1]} : vector<1024x256xf32> to vector<1024x16xf32>
    %mul3A_160 = vector.broadcast %slice3A_158 : vector<1024x1xf32> to vector<1024x16xf32>
    %mul3A_161 = arith.mulf %mul3A_160, %slice3A_159 : vector<1024x16xf32>
    %add3A_162 = arith.addf %add3A_157, %mul3A_161 : vector<1024x16xf32>
    %slice3A_163 = vector.extract_strided_slice %slice3A_110 {offsets = [0, 10], sizes = [1024, 1], strides = [1, 1]} : vector<1024x16xf32> to vector<1024x1xf32>
    %slice3A_164 = vector.extract_strided_slice %dot_general3A_8 {offsets = [0, 160], sizes = [1024, 16], strides = [1, 1]} : vector<1024x256xf32> to vector<1024x16xf32>
    %mul3A_165 = vector.broadcast %slice3A_163 : vector<1024x1xf32> to vector<1024x16xf32>
    %mul3A_166 = arith.mulf %mul3A_165, %slice3A_164 : vector<1024x16xf32>
    %add3A_167 = arith.addf %add3A_162, %mul3A_166 : vector<1024x16xf32>
    %slice3A_168 = vector.extract_strided_slice %slice3A_110 {offsets = [0, 11], sizes = [1024, 1], strides = [1, 1]} : vector<1024x16xf32> to vector<1024x1xf32>
    %slice3A_169 = vector.extract_strided_slice %dot_general3A_8 {offsets = [0, 176], sizes = [1024, 16], strides = [1, 1]} : vector<1024x256xf32> to vector<1024x16xf32>
    %mul3A_170 = vector.broadcast %slice3A_168 : vector<1024x1xf32> to vector<1024x16xf32>
    %mul3A_171 = arith.mulf %mul3A_170, %slice3A_169 : vector<1024x16xf32>
    %add3A_172 = arith.addf %add3A_167, %mul3A_171 : vector<1024x16xf32>
    %slice3A_173 = vector.extract_strided_slice %slice3A_110 {offsets = [0, 12], sizes = [1024, 1], strides = [1, 1]} : vector<1024x16xf32> to vector<1024x1xf32>
    %slice3A_174 = vector.extract_strided_slice %dot_general3A_8 {offsets = [0, 192], sizes = [1024, 16], strides = [1, 1]} : vector<1024x256xf32> to vector<1024x16xf32>
    %mul3A_175 = vector.broadcast %slice3A_173 : vector<1024x1xf32> to vector<1024x16xf32>
    %mul3A_176 = arith.mulf %mul3A_175, %slice3A_174 : vector<1024x16xf32>
    %add3A_177 = arith.addf %add3A_172, %mul3A_176 : vector<1024x16xf32>
    %slice3A_178 = vector.extract_strided_slice %slice3A_110 {offsets = [0, 13], sizes = [1024, 1], strides = [1, 1]} : vector<1024x16xf32> to vector<1024x1xf32>
    %slice3A_179 = vector.extract_strided_slice %dot_general3A_8 {offsets = [0, 208], sizes = [1024, 16], strides = [1, 1]} : vector<1024x256xf32> to vector<1024x16xf32>
    %mul3A_180 = vector.broadcast %slice3A_178 : vector<1024x1xf32> to vector<1024x16xf32>
    %mul3A_181 = arith.mulf %mul3A_180, %slice3A_179 : vector<1024x16xf32>
    %add3A_182 = arith.addf %add3A_177, %mul3A_181 : vector<1024x16xf32>
    %slice3A_183 = vector.extract_strided_slice %slice3A_110 {offsets = [0, 14], sizes = [1024, 1], strides = [1, 1]} : vector<1024x16xf32> to vector<1024x1xf32>
    %slice3A_184 = vector.extract_strided_slice %dot_general3A_8 {offsets = [0, 224], sizes = [1024, 16], strides = [1, 1]} : vector<1024x256xf32> to vector<1024x16xf32>
    %mul3A_185 = vector.broadcast %slice3A_183 : vector<1024x1xf32> to vector<1024x16xf32>
    %mul3A_186 = arith.mulf %mul3A_185, %slice3A_184 : vector<1024x16xf32>
    %add3A_187 = arith.addf %add3A_182, %mul3A_186 : vector<1024x16xf32>
    %slice3A_188 = vector.extract_strided_slice %slice3A_110 {offsets = [0, 15], sizes = [1024, 1], strides = [1, 1]} : vector<1024x16xf32> to vector<1024x1xf32>
    %slice3A_189 = vector.extract_strided_slice %dot_general3A_8 {offsets = [0, 240], sizes = [1024, 16], strides = [1, 1]} : vector<1024x256xf32> to vector<1024x16xf32>
    %mul3A_190 = vector.broadcast %slice3A_188 : vector<1024x1xf32> to vector<1024x16xf32>
    %mul3A_191 = arith.mulf %mul3A_190, %slice3A_189 : vector<1024x16xf32>
    %add3A_192 = arith.addf %add3A_187, %mul3A_191 : vector<1024x16xf32>
    %add3A_193 = arith.addf %dot_general3A_109, %add3A_192 : vector<1024x16xf32>
    %slice3A_194 = vector.extract_strided_slice %get3A_11 {offsets = [0, 32], sizes = [1024, 16], strides = [1, 1]} : vector<1024x64xf32> to vector<1024x16xf32>
    %mul3A_195 = arith.constant 2.500000e-01 : f32
    %mul3A_196 = vector.broadcast %mul3A_195 : f32 to vector<1024x16xf32>
    %mul3A_197 = arith.mulf %slice3A_194, %mul3A_196 : vector<1024x16xf32>
    %dot_general3A_198 = arith.constant dense<0.000000e+00> : vector<1024x16xf32>
    %dot_general3A_199 = tpu.matmul %mul3A_197, %get3A_17, %dot_general3A_198 {dimension_numbers = #tpu.dot_dimension_numbers<[1], [0], [0], [1], [0, 0, 1, 1], [], []>, transpose_lhs_hint = false} : vector<1024x16xf32>, vector<16x16xf32>, vector<1024x16xf32> -> vector<1024x16xf32>
    %slice3A_200 = vector.extract_strided_slice %get3A_14 {offsets = [0, 32], sizes = [1024, 16], strides = [1, 1]} : vector<1024x64xf32> to vector<1024x16xf32>
    %broadcast_in_dim3A_201 = arith.constant 0.000000e+00 : f32
    %broadcast_in_dim3A_202 = vector.broadcast %broadcast_in_dim3A_201 : f32 to vector<1024x16xf32>
    %slice3A_203 = vector.extract_strided_slice %slice3A_200 {offsets = [0, 0], sizes = [1024, 1], strides = [1, 1]} : vector<1024x16xf32> to vector<1024x1xf32>
    %slice3A_204 = vector.extract_strided_slice %dot_general3A_8 {offsets = [0, 0], sizes = [1024, 16], strides = [1, 1]} : vector<1024x256xf32> to vector<1024x16xf32>
    %mul3A_205 = vector.broadcast %slice3A_203 : vector<1024x1xf32> to vector<1024x16xf32>
    %mul3A_206 = arith.mulf %mul3A_205, %slice3A_204 : vector<1024x16xf32>
    %add3A_207 = arith.addf %broadcast_in_dim3A_202, %mul3A_206 : vector<1024x16xf32>
    %slice3A_208 = vector.extract_strided_slice %slice3A_200 {offsets = [0, 1], sizes = [1024, 1], strides = [1, 1]} : vector<1024x16xf32> to vector<1024x1xf32>
    %slice3A_209 = vector.extract_strided_slice %dot_general3A_8 {offsets = [0, 16], sizes = [1024, 16], strides = [1, 1]} : vector<1024x256xf32> to vector<1024x16xf32>
    %mul3A_210 = vector.broadcast %slice3A_208 : vector<1024x1xf32> to vector<1024x16xf32>
    %mul3A_211 = arith.mulf %mul3A_210, %slice3A_209 : vector<1024x16xf32>
    %add3A_212 = arith.addf %add3A_207, %mul3A_211 : vector<1024x16xf32>
    %slice3A_213 = vector.extract_strided_slice %slice3A_200 {offsets = [0, 2], sizes = [1024, 1], strides = [1, 1]} : vector<1024x16xf32> to vector<1024x1xf32>
    %slice3A_214 = vector.extract_strided_slice %dot_general3A_8 {offsets = [0, 32], sizes = [1024, 16], strides = [1, 1]} : vector<1024x256xf32> to vector<1024x16xf32>
    %mul3A_215 = vector.broadcast %slice3A_213 : vector<1024x1xf32> to vector<1024x16xf32>
    %mul3A_216 = arith.mulf %mul3A_215, %slice3A_214 : vector<1024x16xf32>
    %add3A_217 = arith.addf %add3A_212, %mul3A_216 : vector<1024x16xf32>
    %slice3A_218 = vector.extract_strided_slice %slice3A_200 {offsets = [0, 3], sizes = [1024, 1], strides = [1, 1]} : vector<1024x16xf32> to vector<1024x1xf32>
    %slice3A_219 = vector.extract_strided_slice %dot_general3A_8 {offsets = [0, 48], sizes = [1024, 16], strides = [1, 1]} : vector<1024x256xf32> to vector<1024x16xf32>
    %mul3A_220 = vector.broadcast %slice3A_218 : vector<1024x1xf32> to vector<1024x16xf32>
    %mul3A_221 = arith.mulf %mul3A_220, %slice3A_219 : vector<1024x16xf32>
    %add3A_222 = arith.addf %add3A_217, %mul3A_221 : vector<1024x16xf32>
    %slice3A_223 = vector.extract_strided_slice %slice3A_200 {offsets = [0, 4], sizes = [1024, 1], strides = [1, 1]} : vector<1024x16xf32> to vector<1024x1xf32>
    %slice3A_224 = vector.extract_strided_slice %dot_general3A_8 {offsets = [0, 64], sizes = [1024, 16], strides = [1, 1]} : vector<1024x256xf32> to vector<1024x16xf32>
    %mul3A_225 = vector.broadcast %slice3A_223 : vector<1024x1xf32> to vector<1024x16xf32>
    %mul3A_226 = arith.mulf %mul3A_225, %slice3A_224 : vector<1024x16xf32>
    %add3A_227 = arith.addf %add3A_222, %mul3A_226 : vector<1024x16xf32>
    %slice3A_228 = vector.extract_strided_slice %slice3A_200 {offsets = [0, 5], sizes = [1024, 1], strides = [1, 1]} : vector<1024x16xf32> to vector<1024x1xf32>
    %slice3A_229 = vector.extract_strided_slice %dot_general3A_8 {offsets = [0, 80], sizes = [1024, 16], strides = [1, 1]} : vector<1024x256xf32> to vector<1024x16xf32>
    %mul3A_230 = vector.broadcast %slice3A_228 : vector<1024x1xf32> to vector<1024x16xf32>
    %mul3A_231 = arith.mulf %mul3A_230, %slice3A_229 : vector<1024x16xf32>
    %add3A_232 = arith.addf %add3A_227, %mul3A_231 : vector<1024x16xf32>
    %slice3A_233 = vector.extract_strided_slice %slice3A_200 {offsets = [0, 6], sizes = [1024, 1], strides = [1, 1]} : vector<1024x16xf32> to vector<1024x1xf32>
    %slice3A_234 = vector.extract_strided_slice %dot_general3A_8 {offsets = [0, 96], sizes = [1024, 16], strides = [1, 1]} : vector<1024x256xf32> to vector<1024x16xf32>
    %mul3A_235 = vector.broadcast %slice3A_233 : vector<1024x1xf32> to vector<1024x16xf32>
    %mul3A_236 = arith.mulf %mul3A_235, %slice3A_234 : vector<1024x16xf32>
    %add3A_237 = arith.addf %add3A_232, %mul3A_236 : vector<1024x16xf32>
    %slice3A_238 = vector.extract_strided_slice %slice3A_200 {offsets = [0, 7], sizes = [1024, 1], strides = [1, 1]} : vector<1024x16xf32> to vector<1024x1xf32>
    %slice3A_239 = vector.extract_strided_slice %dot_general3A_8 {offsets = [0, 112], sizes = [1024, 16], strides = [1, 1]} : vector<1024x256xf32> to vector<1024x16xf32>
    %mul3A_240 = vector.broadcast %slice3A_238 : vector<1024x1xf32> to vector<1024x16xf32>
    %mul3A_241 = arith.mulf %mul3A_240, %slice3A_239 : vector<1024x16xf32>
    %add3A_242 = arith.addf %add3A_237, %mul3A_241 : vector<1024x16xf32>
    %slice3A_243 = vector.extract_strided_slice %slice3A_200 {offsets = [0, 8], sizes = [1024, 1], strides = [1, 1]} : vector<1024x16xf32> to vector<1024x1xf32>
    %slice3A_244 = vector.extract_strided_slice %dot_general3A_8 {offsets = [0, 128], sizes = [1024, 16], strides = [1, 1]} : vector<1024x256xf32> to vector<1024x16xf32>
    %mul3A_245 = vector.broadcast %slice3A_243 : vector<1024x1xf32> to vector<1024x16xf32>
    %mul3A_246 = arith.mulf %mul3A_245, %slice3A_244 : vector<1024x16xf32>
    %add3A_247 = arith.addf %add3A_242, %mul3A_246 : vector<1024x16xf32>
    %slice3A_248 = vector.extract_strided_slice %slice3A_200 {offsets = [0, 9], sizes = [1024, 1], strides = [1, 1]} : vector<1024x16xf32> to vector<1024x1xf32>
    %slice3A_249 = vector.extract_strided_slice %dot_general3A_8 {offsets = [0, 144], sizes = [1024, 16], strides = [1, 1]} : vector<1024x256xf32> to vector<1024x16xf32>
    %mul3A_250 = vector.broadcast %slice3A_248 : vector<1024x1xf32> to vector<1024x16xf32>
    %mul3A_251 = arith.mulf %mul3A_250, %slice3A_249 : vector<1024x16xf32>
    %add3A_252 = arith.addf %add3A_247, %mul3A_251 : vector<1024x16xf32>
    %slice3A_253 = vector.extract_strided_slice %slice3A_200 {offsets = [0, 10], sizes = [1024, 1], strides = [1, 1]} : vector<1024x16xf32> to vector<1024x1xf32>
    %slice3A_254 = vector.extract_strided_slice %dot_general3A_8 {offsets = [0, 160], sizes = [1024, 16], strides = [1, 1]} : vector<1024x256xf32> to vector<1024x16xf32>
    %mul3A_255 = vector.broadcast %slice3A_253 : vector<1024x1xf32> to vector<1024x16xf32>
    %mul3A_256 = arith.mulf %mul3A_255, %slice3A_254 : vector<1024x16xf32>
    %add3A_257 = arith.addf %add3A_252, %mul3A_256 : vector<1024x16xf32>
    %slice3A_258 = vector.extract_strided_slice %slice3A_200 {offsets = [0, 11], sizes = [1024, 1], strides = [1, 1]} : vector<1024x16xf32> to vector<1024x1xf32>
    %slice3A_259 = vector.extract_strided_slice %dot_general3A_8 {offsets = [0, 176], sizes = [1024, 16], strides = [1, 1]} : vector<1024x256xf32> to vector<1024x16xf32>
    %mul3A_260 = vector.broadcast %slice3A_258 : vector<1024x1xf32> to vector<1024x16xf32>
    %mul3A_261 = arith.mulf %mul3A_260, %slice3A_259 : vector<1024x16xf32>
    %add3A_262 = arith.addf %add3A_257, %mul3A_261 : vector<1024x16xf32>
    %slice3A_263 = vector.extract_strided_slice %slice3A_200 {offsets = [0, 12], sizes = [1024, 1], strides = [1, 1]} : vector<1024x16xf32> to vector<1024x1xf32>
    %slice3A_264 = vector.extract_strided_slice %dot_general3A_8 {offsets = [0, 192], sizes = [1024, 16], strides = [1, 1]} : vector<1024x256xf32> to vector<1024x16xf32>
    %mul3A_265 = vector.broadcast %slice3A_263 : vector<1024x1xf32> to vector<1024x16xf32>
    %mul3A_266 = arith.mulf %mul3A_265, %slice3A_264 : vector<1024x16xf32>
    %add3A_267 = arith.addf %add3A_262, %mul3A_266 : vector<1024x16xf32>
    %slice3A_268 = vector.extract_strided_slice %slice3A_200 {offsets = [0, 13], sizes = [1024, 1], strides = [1, 1]} : vector<1024x16xf32> to vector<1024x1xf32>
    %slice3A_269 = vector.extract_strided_slice %dot_general3A_8 {offsets = [0, 208], sizes = [1024, 16], strides = [1, 1]} : vector<1024x256xf32> to vector<1024x16xf32>
    %mul3A_270 = vector.broadcast %slice3A_268 : vector<1024x1xf32> to vector<1024x16xf32>
    %mul3A_271 = arith.mulf %mul3A_270, %slice3A_269 : vector<1024x16xf32>
    %add3A_272 = arith.addf %add3A_267, %mul3A_271 : vector<1024x16xf32>
    %slice3A_273 = vector.extract_strided_slice %slice3A_200 {offsets = [0, 14], sizes = [1024, 1], strides = [1, 1]} : vector<1024x16xf32> to vector<1024x1xf32>
    %slice3A_274 = vector.extract_strided_slice %dot_general3A_8 {offsets = [0, 224], sizes = [1024, 16], strides = [1, 1]} : vector<1024x256xf32> to vector<1024x16xf32>
    %mul3A_275 = vector.broadcast %slice3A_273 : vector<1024x1xf32> to vector<1024x16xf32>
    %mul3A_276 = arith.mulf %mul3A_275, %slice3A_274 : vector<1024x16xf32>
    %add3A_277 = arith.addf %add3A_272, %mul3A_276 : vector<1024x16xf32>
    %slice3A_278 = vector.extract_strided_slice %slice3A_200 {offsets = [0, 15], sizes = [1024, 1], strides = [1, 1]} : vector<1024x16xf32> to vector<1024x1xf32>
    %slice3A_279 = vector.extract_strided_slice %dot_general3A_8 {offsets = [0, 240], sizes = [1024, 16], strides = [1, 1]} : vector<1024x256xf32> to vector<1024x16xf32>
    %mul3A_280 = vector.broadcast %slice3A_278 : vector<1024x1xf32> to vector<1024x16xf32>
    %mul3A_281 = arith.mulf %mul3A_280, %slice3A_279 : vector<1024x16xf32>
    %add3A_282 = arith.addf %add3A_277, %mul3A_281 : vector<1024x16xf32>
    %add3A_283 = arith.addf %dot_general3A_199, %add3A_282 : vector<1024x16xf32>
    %slice3A_284 = vector.extract_strided_slice %get3A_11 {offsets = [0, 48], sizes = [1024, 16], strides = [1, 1]} : vector<1024x64xf32> to vector<1024x16xf32>
    %mul3A_285 = arith.constant 2.500000e-01 : f32
    %mul3A_286 = vector.broadcast %mul3A_285 : f32 to vector<1024x16xf32>
    %mul3A_287 = arith.mulf %slice3A_284, %mul3A_286 : vector<1024x16xf32>
    %dot_general3A_288 = arith.constant dense<0.000000e+00> : vector<1024x16xf32>
    %dot_general3A_289 = tpu.matmul %mul3A_287, %get3A_17, %dot_general3A_288 {dimension_numbers = #tpu.dot_dimension_numbers<[1], [0], [0], [1], [0, 0, 1, 1], [], []>, transpose_lhs_hint = false} : vector<1024x16xf32>, vector<16x16xf32>, vector<1024x16xf32> -> vector<1024x16xf32>
    %slice3A_290 = vector.extract_strided_slice %get3A_14 {offsets = [0, 48], sizes = [1024, 16], strides = [1, 1]} : vector<1024x64xf32> to vector<1024x16xf32>
    %broadcast_in_dim3A_291 = arith.constant 0.000000e+00 : f32
    %broadcast_in_dim3A_292 = vector.broadcast %broadcast_in_dim3A_291 : f32 to vector<1024x16xf32>
    %slice3A_293 = vector.extract_strided_slice %slice3A_290 {offsets = [0, 0], sizes = [1024, 1], strides = [1, 1]} : vector<1024x16xf32> to vector<1024x1xf32>
    %slice3A_294 = vector.extract_strided_slice %dot_general3A_8 {offsets = [0, 0], sizes = [1024, 16], strides = [1, 1]} : vector<1024x256xf32> to vector<1024x16xf32>
    %mul3A_295 = vector.broadcast %slice3A_293 : vector<1024x1xf32> to vector<1024x16xf32>
    %mul3A_296 = arith.mulf %mul3A_295, %slice3A_294 : vector<1024x16xf32>
    %add3A_297 = arith.addf %broadcast_in_dim3A_292, %mul3A_296 : vector<1024x16xf32>
    %slice3A_298 = vector.extract_strided_slice %slice3A_290 {offsets = [0, 1], sizes = [1024, 1], strides = [1, 1]} : vector<1024x16xf32> to vector<1024x1xf32>
    %slice3A_299 = vector.extract_strided_slice %dot_general3A_8 {offsets = [0, 16], sizes = [1024, 16], strides = [1, 1]} : vector<1024x256xf32> to vector<1024x16xf32>
    %mul3A_300 = vector.broadcast %slice3A_298 : vector<1024x1xf32> to vector<1024x16xf32>
    %mul3A_301 = arith.mulf %mul3A_300, %slice3A_299 : vector<1024x16xf32>
    %add3A_302 = arith.addf %add3A_297, %mul3A_301 : vector<1024x16xf32>
    %slice3A_303 = vector.extract_strided_slice %slice3A_290 {offsets = [0, 2], sizes = [1024, 1], strides = [1, 1]} : vector<1024x16xf32> to vector<1024x1xf32>
    %slice3A_304 = vector.extract_strided_slice %dot_general3A_8 {offsets = [0, 32], sizes = [1024, 16], strides = [1, 1]} : vector<1024x256xf32> to vector<1024x16xf32>
    %mul3A_305 = vector.broadcast %slice3A_303 : vector<1024x1xf32> to vector<1024x16xf32>
    %mul3A_306 = arith.mulf %mul3A_305, %slice3A_304 : vector<1024x16xf32>
    %add3A_307 = arith.addf %add3A_302, %mul3A_306 : vector<1024x16xf32>
    %slice3A_308 = vector.extract_strided_slice %slice3A_290 {offsets = [0, 3], sizes = [1024, 1], strides = [1, 1]} : vector<1024x16xf32> to vector<1024x1xf32>
    %slice3A_309 = vector.extract_strided_slice %dot_general3A_8 {offsets = [0, 48], sizes = [1024, 16], strides = [1, 1]} : vector<1024x256xf32> to vector<1024x16xf32>
    %mul3A_310 = vector.broadcast %slice3A_308 : vector<1024x1xf32> to vector<1024x16xf32>
    %mul3A_311 = arith.mulf %mul3A_310, %slice3A_309 : vector<1024x16xf32>
    %add3A_312 = arith.addf %add3A_307, %mul3A_311 : vector<1024x16xf32>
    %slice3A_313 = vector.extract_strided_slice %slice3A_290 {offsets = [0, 4], sizes = [1024, 1], strides = [1, 1]} : vector<1024x16xf32> to vector<1024x1xf32>
    %slice3A_314 = vector.extract_strided_slice %dot_general3A_8 {offsets = [0, 64], sizes = [1024, 16], strides = [1, 1]} : vector<1024x256xf32> to vector<1024x16xf32>
    %mul3A_315 = vector.broadcast %slice3A_313 : vector<1024x1xf32> to vector<1024x16xf32>
    %mul3A_316 = arith.mulf %mul3A_315, %slice3A_314 : vector<1024x16xf32>
    %add3A_317 = arith.addf %add3A_312, %mul3A_316 : vector<1024x16xf32>
    %slice3A_318 = vector.extract_strided_slice %slice3A_290 {offsets = [0, 5], sizes = [1024, 1], strides = [1, 1]} : vector<1024x16xf32> to vector<1024x1xf32>
    %slice3A_319 = vector.extract_strided_slice %dot_general3A_8 {offsets = [0, 80], sizes = [1024, 16], strides = [1, 1]} : vector<1024x256xf32> to vector<1024x16xf32>
    %mul3A_320 = vector.broadcast %slice3A_318 : vector<1024x1xf32> to vector<1024x16xf32>
    %mul3A_321 = arith.mulf %mul3A_320, %slice3A_319 : vector<1024x16xf32>
    %add3A_322 = arith.addf %add3A_317, %mul3A_321 : vector<1024x16xf32>
    %slice3A_323 = vector.extract_strided_slice %slice3A_290 {offsets = [0, 6], sizes = [1024, 1], strides = [1, 1]} : vector<1024x16xf32> to vector<1024x1xf32>
    %slice3A_324 = vector.extract_strided_slice %dot_general3A_8 {offsets = [0, 96], sizes = [1024, 16], strides = [1, 1]} : vector<1024x256xf32> to vector<1024x16xf32>
    %mul3A_325 = vector.broadcast %slice3A_323 : vector<1024x1xf32> to vector<1024x16xf32>
    %mul3A_326 = arith.mulf %mul3A_325, %slice3A_324 : vector<1024x16xf32>
    %add3A_327 = arith.addf %add3A_322, %mul3A_326 : vector<1024x16xf32>
    %slice3A_328 = vector.extract_strided_slice %slice3A_290 {offsets = [0, 7], sizes = [1024, 1], strides = [1, 1]} : vector<1024x16xf32> to vector<1024x1xf32>
    %slice3A_329 = vector.extract_strided_slice %dot_general3A_8 {offsets = [0, 112], sizes = [1024, 16], strides = [1, 1]} : vector<1024x256xf32> to vector<1024x16xf32>
    %mul3A_330 = vector.broadcast %slice3A_328 : vector<1024x1xf32> to vector<1024x16xf32>
    %mul3A_331 = arith.mulf %mul3A_330, %slice3A_329 : vector<1024x16xf32>
    %add3A_332 = arith.addf %add3A_327, %mul3A_331 : vector<1024x16xf32>
    %slice3A_333 = vector.extract_strided_slice %slice3A_290 {offsets = [0, 8], sizes = [1024, 1], strides = [1, 1]} : vector<1024x16xf32> to vector<1024x1xf32>
    %slice3A_334 = vector.extract_strided_slice %dot_general3A_8 {offsets = [0, 128], sizes = [1024, 16], strides = [1, 1]} : vector<1024x256xf32> to vector<1024x16xf32>
    %mul3A_335 = vector.broadcast %slice3A_333 : vector<1024x1xf32> to vector<1024x16xf32>
    %mul3A_336 = arith.mulf %mul3A_335, %slice3A_334 : vector<1024x16xf32>
    %add3A_337 = arith.addf %add3A_332, %mul3A_336 : vector<1024x16xf32>
    %slice3A_338 = vector.extract_strided_slice %slice3A_290 {offsets = [0, 9], sizes = [1024, 1], strides = [1, 1]} : vector<1024x16xf32> to vector<1024x1xf32>
    %slice3A_339 = vector.extract_strided_slice %dot_general3A_8 {offsets = [0, 144], sizes = [1024, 16], strides = [1, 1]} : vector<1024x256xf32> to vector<1024x16xf32>
    %mul3A_340 = vector.broadcast %slice3A_338 : vector<1024x1xf32> to vector<1024x16xf32>
    %mul3A_341 = arith.mulf %mul3A_340, %slice3A_339 : vector<1024x16xf32>
    %add3A_342 = arith.addf %add3A_337, %mul3A_341 : vector<1024x16xf32>
    %slice3A_343 = vector.extract_strided_slice %slice3A_290 {offsets = [0, 10], sizes = [1024, 1], strides = [1, 1]} : vector<1024x16xf32> to vector<1024x1xf32>
    %slice3A_344 = vector.extract_strided_slice %dot_general3A_8 {offsets = [0, 160], sizes = [1024, 16], strides = [1, 1]} : vector<1024x256xf32> to vector<1024x16xf32>
    %mul3A_345 = vector.broadcast %slice3A_343 : vector<1024x1xf32> to vector<1024x16xf32>
    %mul3A_346 = arith.mulf %mul3A_345, %slice3A_344 : vector<1024x16xf32>
    %add3A_347 = arith.addf %add3A_342, %mul3A_346 : vector<1024x16xf32>
    %slice3A_348 = vector.extract_strided_slice %slice3A_290 {offsets = [0, 11], sizes = [1024, 1], strides = [1, 1]} : vector<1024x16xf32> to vector<1024x1xf32>
    %slice3A_349 = vector.extract_strided_slice %dot_general3A_8 {offsets = [0, 176], sizes = [1024, 16], strides = [1, 1]} : vector<1024x256xf32> to vector<1024x16xf32>
    %mul3A_350 = vector.broadcast %slice3A_348 : vector<1024x1xf32> to vector<1024x16xf32>
    %mul3A_351 = arith.mulf %mul3A_350, %slice3A_349 : vector<1024x16xf32>
    %add3A_352 = arith.addf %add3A_347, %mul3A_351 : vector<1024x16xf32>
    %slice3A_353 = vector.extract_strided_slice %slice3A_290 {offsets = [0, 12], sizes = [1024, 1], strides = [1, 1]} : vector<1024x16xf32> to vector<1024x1xf32>
    %slice3A_354 = vector.extract_strided_slice %dot_general3A_8 {offsets = [0, 192], sizes = [1024, 16], strides = [1, 1]} : vector<1024x256xf32> to vector<1024x16xf32>
    %mul3A_355 = vector.broadcast %slice3A_353 : vector<1024x1xf32> to vector<1024x16xf32>
    %mul3A_356 = arith.mulf %mul3A_355, %slice3A_354 : vector<1024x16xf32>
    %add3A_357 = arith.addf %add3A_352, %mul3A_356 : vector<1024x16xf32>
    %slice3A_358 = vector.extract_strided_slice %slice3A_290 {offsets = [0, 13], sizes = [1024, 1], strides = [1, 1]} : vector<1024x16xf32> to vector<1024x1xf32>
    %slice3A_359 = vector.extract_strided_slice %dot_general3A_8 {offsets = [0, 208], sizes = [1024, 16], strides = [1, 1]} : vector<1024x256xf32> to vector<1024x16xf32>
    %mul3A_360 = vector.broadcast %slice3A_358 : vector<1024x1xf32> to vector<1024x16xf32>
    %mul3A_361 = arith.mulf %mul3A_360, %slice3A_359 : vector<1024x16xf32>
    %add3A_362 = arith.addf %add3A_357, %mul3A_361 : vector<1024x16xf32>
    %slice3A_363 = vector.extract_strided_slice %slice3A_290 {offsets = [0, 14], sizes = [1024, 1], strides = [1, 1]} : vector<1024x16xf32> to vector<1024x1xf32>
    %slice3A_364 = vector.extract_strided_slice %dot_general3A_8 {offsets = [0, 224], sizes = [1024, 16], strides = [1, 1]} : vector<1024x256xf32> to vector<1024x16xf32>
    %mul3A_365 = vector.broadcast %slice3A_363 : vector<1024x1xf32> to vector<1024x16xf32>
    %mul3A_366 = arith.mulf %mul3A_365, %slice3A_364 : vector<1024x16xf32>
    %add3A_367 = arith.addf %add3A_362, %mul3A_366 : vector<1024x16xf32>
    %slice3A_368 = vector.extract_strided_slice %slice3A_290 {offsets = [0, 15], sizes = [1024, 1], strides = [1, 1]} : vector<1024x16xf32> to vector<1024x1xf32>
    %slice3A_369 = vector.extract_strided_slice %dot_general3A_8 {offsets = [0, 240], sizes = [1024, 16], strides = [1, 1]} : vector<1024x256xf32> to vector<1024x16xf32>
    %mul3A_370 = vector.broadcast %slice3A_368 : vector<1024x1xf32> to vector<1024x16xf32>
    %mul3A_371 = arith.mulf %mul3A_370, %slice3A_369 : vector<1024x16xf32>
    %add3A_372 = arith.addf %add3A_367, %mul3A_371 : vector<1024x16xf32>
    %add3A_373 = arith.addf %dot_general3A_289, %add3A_372 : vector<1024x16xf32>
    %logistic3A = arith.negf %add3A_103 : vector<1024x16xf32>
    %logistic3A_374 = math.exp %logistic3A : vector<1024x16xf32>
    %logistic3A_375 = arith.constant 1.000000e+00 : f32
    %logistic3A_376 = vector.broadcast %logistic3A_375 : f32 to vector<1024x16xf32>
    %logistic3A_377 = arith.addf %logistic3A_376, %logistic3A_374 : vector<1024x16xf32>
    %logistic3A_378 = arith.divf %logistic3A_376, %logistic3A_377 : vector<1024x16xf32>
    %mul3A_379 = arith.mulf %add3A_103, %logistic3A_378 : vector<1024x16xf32>
    %mul3A_380 = arith.mulf %add3A_193, %logistic3A_378 : vector<1024x16xf32>
    %mul3A_381 = arith.mulf %add3A_283, %logistic3A_378 : vector<1024x16xf32>
    %mul3A_382 = arith.mulf %add3A_373, %logistic3A_378 : vector<1024x16xf32>
    %concatenate3A = tpu.concatenate %mul3A_379, %mul3A_380, %mul3A_381, %mul3A_382 in 1 : vector<1024x16xf32>, vector<1024x16xf32>, vector<1024x16xf32>, vector<1024x16xf32> -> vector<1024x64xf32>
    %swap3A = arith.constant 0 : index
    %swap3A_383 = arith.constant 0 : index
    %swap3A_384 = vector.load %arg6[%swap3A, %swap3A_383] : memref<1024x64xf32, #tpu.memory_space<vmem>>, vector<1024x64xf32>
    tpu.vector_store %arg6[%swap3A, %swap3A_383], %concatenate3A {strides = array<i32>} : memref<1024x64xf32, #tpu.memory_space<vmem>>, vector<1024x64xf32>,
    return
  }
  func.func @transform_0(%arg0: i32) -> (i32, i32) {
    %c0_i32 = arith.constant 0 : i32
    %c0_i32_0 = arith.constant 0 : i32
    return %arg0, %c0_i32 : i32, i32
  }
  func.func @transform_1(%arg0: i32) -> (i32, i32) {
    %c0_i32 = arith.constant 0 : i32
    %c0_i32_0 = arith.constant 0 : i32
    return %arg0, %c0_i32 : i32, i32
  }
  func.func @transform_2(%arg0: i32) -> (i32, i32) {
    %c0_i32 = arith.constant 0 : i32
    %c0_i32_0 = arith.constant 0 : i32
    return %arg0, %c0_i32 : i32, i32
  }
  func.func @transform_3(%arg0: i32) -> (i32, i32) {
    %c0_i32 = arith.constant 0 : i32
    %c0_i32_0 = arith.constant 0 : i32
    %c0_i32_1 = arith.constant 0 : i32
    return %c0_i32, %c0_i32_0 : i32, i32
  }
  func.func @transform_4(%arg0: i32) -> (i32, i32) {
    %c0_i32 = arith.constant 0 : i32
    %c0_i32_0 = arith.constant 0 : i32
    %c0_i32_1 = arith.constant 0 : i32
    return %c0_i32, %c0_i32_0 : i32, i32
  }
  func.func @transform_5(%arg0: i32) -> (i32, i32) {
    %c0_i32 = arith.constant 0 : i32
    %c0_i32_0 = arith.constant 0 : i32
    return %arg0, %c0_i32 : i32, i32
  }
}

module attributes {stable_mosaic.version = 14 : i64} {
  func.func @_readout_body(%arg0: i32, %arg1: memref<1024x64xf32, #tpu.memory_space<vmem>>, %arg2: memref<16x16xf32, #tpu.memory_space<vmem>>, %arg3: memref<16x1xf32, #tpu.memory_space<vmem>>, %arg4: memref<1024x1xf32, #tpu.memory_space<vmem>>) attributes {dimension_semantics = [#tpu.dimension_semantics<arbitrary>], iteration_bounds = array<i64: 50>, scalar_prefetch = 0 : i64, scratch_operands = 0 : i64, tpu.core_type = #tpu.core_type<tc>, window_params = [{transform_indices = @transform_0, window_bounds = array<i64: 1024, 64>}, {pipeline_mode = #tpu.pipeline_mode<synchronous>, transform_indices = @transform_1, window_bounds = array<i64: 16, 16>}, {pipeline_mode = #tpu.pipeline_mode<synchronous>, transform_indices = @transform_2, window_bounds = array<i64: 16, 1>}, {transform_indices = @transform_3, window_bounds = array<i64: 1024, 1>}]} {
    %get3A = arith.constant 0 : index
    %get3A_0 = arith.constant 0 : index
    %get3A_1 = vector.load %arg1[%get3A, %get3A_0] : memref<1024x64xf32, #tpu.memory_space<vmem>>, vector<1024x16xf32>
    %get3A_2 = arith.constant 0 : index
    %get3A_3 = arith.constant 0 : index
    %get3A_4 = vector.load %arg2[%get3A_2, %get3A_3] : memref<16x16xf32, #tpu.memory_space<vmem>>, vector<16x16xf32>
    %dot_general3A = arith.constant dense<0.000000e+00> : vector<1024x16xf32>
    %dot_general3A_5 = tpu.matmul %get3A_1, %get3A_4, %dot_general3A {dimension_numbers = #tpu.dot_dimension_numbers<[1], [0], [0], [1], [0, 0, 1, 1], [], []>, transpose_lhs_hint = false} : vector<1024x16xf32>, vector<16x16xf32>, vector<1024x16xf32> -> vector<1024x16xf32>
    %logistic3A = arith.negf %dot_general3A_5 : vector<1024x16xf32>
    %logistic3A_6 = math.exp %logistic3A : vector<1024x16xf32>
    %logistic3A_7 = arith.constant 1.000000e+00 : f32
    %logistic3A_8 = vector.broadcast %logistic3A_7 : f32 to vector<1024x16xf32>
    %logistic3A_9 = arith.addf %logistic3A_8, %logistic3A_6 : vector<1024x16xf32>
    %logistic3A_10 = arith.divf %logistic3A_8, %logistic3A_9 : vector<1024x16xf32>
    %mul3A = arith.mulf %dot_general3A_5, %logistic3A_10 : vector<1024x16xf32>
    %get3A_11 = arith.constant 0 : index
    %get3A_12 = arith.constant 0 : index
    %get3A_13 = vector.load %arg3[%get3A_11, %get3A_12] : memref<16x1xf32, #tpu.memory_space<vmem>>, vector<16x1xf32>
    %dot_general3A_14 = arith.constant dense<0.000000e+00> : vector<1024x1xf32>
    %dot_general3A_15 = tpu.matmul %mul3A, %get3A_13, %dot_general3A_14 {dimension_numbers = #tpu.dot_dimension_numbers<[1], [0], [0], [1], [0, 0, 1, 1], [], []>, transpose_lhs_hint = false} : vector<1024x16xf32>, vector<16x1xf32>, vector<1024x1xf32> -> vector<1024x1xf32>
    %swap3A = arith.constant 0 : index
    %swap3A_16 = arith.constant 0 : index
    %swap3A_17 = vector.load %arg4[%swap3A, %swap3A_16] : memref<1024x1xf32, #tpu.memory_space<vmem>>, vector<1024x1xf32>
    tpu.vector_store %arg4[%swap3A, %swap3A_16], %dot_general3A_15 {strides = array<i32>} : memref<1024x1xf32, #tpu.memory_space<vmem>>, vector<1024x1xf32>,
    return
  }
  func.func @transform_0(%arg0: i32) -> (i32, i32) {
    %c0_i32 = arith.constant 0 : i32
    %c0_i32_0 = arith.constant 0 : i32
    return %arg0, %c0_i32 : i32, i32
  }
  func.func @transform_1(%arg0: i32) -> (i32, i32) {
    %c0_i32 = arith.constant 0 : i32
    %c0_i32_0 = arith.constant 0 : i32
    %c0_i32_1 = arith.constant 0 : i32
    return %c0_i32, %c0_i32_0 : i32, i32
  }
  func.func @transform_2(%arg0: i32) -> (i32, i32) {
    %c0_i32 = arith.constant 0 : i32
    %c0_i32_0 = arith.constant 0 : i32
    %c0_i32_1 = arith.constant 0 : i32
    return %c0_i32, %c0_i32_0 : i32, i32
  }
  func.func @transform_3(%arg0: i32) -> (i32, i32) {
    %c0_i32 = arith.constant 0 : i32
    %c0_i32_0 = arith.constant 0 : i32
    return %arg0, %c0_i32 : i32, i32
  }
}

</mosaic_0001>

<sc_bundles>
// kernel: kernel.12.cloned.1.call-start
scs
__scs_entry_jumppad:
0x0: {  	(pc) =	sbr.rel $0x88, $3  }
0x1: {  	(tag) =	ssettag $0x0;
	lr =	simm.s32 $0x1  }
0x2: {  	[smem:$0x3F92] =	sst lr;
	_ =	strace $0xD0000000  }
0x3: {  	_ = 	snop  }
0x4: {  	_ = 	snop  }
0x5: {  	_ = 	snop  }
0x6: {  	_ = 	snop  }
0x7: {  	_ = 	snop  }
__scs_overlays_trampoline_lowered:
0x8: {  	[smem:$0x3FA1] =	sst s0  }
0x9: {  	[smem:$0x3FA2] =	sst s1  }
0xa: {  	[smem:$0x3FA3] =	sst s2  }
0xb: {  	[smem:$0x3FA4] =	sst s3  }
0xc: {  	[smem:$0x3FA5] =	sst s4  }
0xd: {  	[smem:$0x3FA6] =	sst s5  }
0xe: {  	[smem:$0x3FA7] =	sst s6  }
0xf: {  	[smem:$0x3FA8] =	sst s7  }
0x10: {  	[smem:$0x3FA9] =	sst s8  }
0x11: {  	[smem:$0x3FAA] =	sst s9;
	s0 =	simm.s32 @!p0 $0x0  }
0x12: {  	s1 =	sld [smem:$0x3F90];
	s0 =	simm.s32 @p0 $0x1  }
0x13: {  	[smem:$0x3FAB] =	sst s0;
	s0 =	simm.s32 @!p1 $0x0  }
0x14: {  	s2 =	sld [smem:$0x3F8F];
	s0 =	simm.s32 @p1 $0x1  }
0x15: {  	[smem:$0x3FAC] =	sst s0;
	s0 =	simm.s32 @!p2 $0x0  }
0x16: {  	s3 =	sld [smem:$0x3FDB];
	s0 =	simm.s32 @p2 $0x1  }
0x17: {  	s4 =	simm.s32 $0x1BF5;
	[smem:$0x3FAE] =	sst s0  }
0x18: {  	s0 =	sld [smem:$0x3F91];
	_ =	swait.ge [sflag:s4], $0x0  }
0x19: {  	s7 =	sld [smem:$0x3F92]  }
0x1a: {  	s8 =	sadd.s32 $0xFFFFE003, lr  }
0x1b: {  	s9 =	sadd.s32 $0xFFFFFEF7, lr;
	s5 =	simm.s32 $0xFFFFFFFF;
	p2 =	slt.u32 s8, $0xFFFFF086  }
0x1c: {  	p1 =	slt.u32 s9, $0xF7A;
	s5 =	simm.s32 @!p2 $0x0  }
0x1d: {  	s5 =	simm.s32 @p1 $0x1;
	p0 =	seq.s32 s7, s2  }
0x1e: {  	s7 =	smul.u32 @!p0 $0xF7A, s2;
	p2 =	seq.s32 @!p0 s5, $0x0  }
0x1f: {  	s9 =	smul.u32 $0xF7A, s1;
	s8 =	simm.s32 @!p0 $0x1BF5;
	p2 =	por !p2, p0  }
0x20: {  	[sflag:s8] =	ssyncset.s32 @!p0 $0xFFFFF086;
	s6 =	sadd.s32 @!p0 s3, s7;
	s7 =	simm.s32 @!p0 $0x108  }
0x21: {  	s3 =	sadd.s32 s3, s9;
	s6 =	sadd.s32 @!p0 $0x88, s6;
	s7 =	simm.s32 @p2 $0x1082  }
0x22: {  	[simem:s7], [sflag:s8] =	dma.local @!p0 [hbm:s6], $0xF7A  }
0x23: {  	s9 =	sor.u32 $0xD0000000, s2;
	s6 =	simm.s32 $0x108;
	_ =	swait.ge @!p0 [sflag:s8], $0x0  }
0x24: {  	s3 =	sadd.s32 $0x88, s3;
	s6 =	simm.s32 @!p1 $0x1082;
	[sflag:s4] =	ssyncset.s32 $0xFFFFF086  }
0x25: {  	[simem:s6], [sflag:s4] =	dma.local [hbm:s3], $0xF7A  }
0x26: {  	[smem:$0x3F92] =	sst s1;
	(tag) =	ssettag s2;
	_ =	strace s9  }
0x27: {  	s1 =	sld [smem:$0x3FA2]  }
0x28: {  	s2 =	sld [smem:$0x3FA3]  }
0x29: {  	s4 =	sld [smem:$0x3FA5]  }
0x2a: {  	p0 =	seq.s32 s5, $0x0;
	s5 =	sld [smem:$0x3FA6]  }
0x2b: {  	s6 =	sld [smem:$0x3FA7]  }
0x2c: {  	s7 =	sld [smem:$0x3FA8]  }
0x2d: {  	s3 =	simm.s32 $0x108;
	s8 =	sld [smem:$0x3FA9]  }
0x2e: {  	s3 =	simm.s32 @!p0 $0x1082;
	s9 =	sld [smem:$0x3FAA]  }
0x2f: {  	lr =	sadd.s32 s0, s3;
	s0 =	sld [smem:$0x3FA1]  }
0x30: {  	s3 =	sld [smem:$0x3FA4]  }
0x31: {  	[smem:$0x3FAD] =	sst s10  }
0x32: {  	s10 =	sld [smem:$0x3FAB];
	_ =	sdelay $0x3  }
0x33: {  	p0 =	seq.s32 s10, $0x1;
	s10 =	sld [smem:$0x3FAD];
	_ =	sdelay $0x3  }
0x34: {  	[smem:$0x3FAD] =	sst s10  }
0x35: {  	s10 =	sld [smem:$0x3FAC];
	_ =	sdelay $0x3  }
0x36: {  	p1 =	seq.s32 s10, $0x1;
	s10 =	sld [smem:$0x3FAD];
	_ =	sdelay $0x3  }
0x37: {  	[smem:$0x3FAD] =	sst s10  }
0x38: {  	s10 =	sld [smem:$0x3FAE]  }
0x39: {  	_ = 	snop;
	(pc) =	sbr.ind lr, $3  }
0x3a: {  	_ = 	snop  }
0x3b: {  	_ = 	snop  }
0x3c: {  	p2 =	seq.s32 s10, $0x1;
	s10 =	sld [smem:$0x3FAD]  }
0x3d: {  	_ =	shalt  }
0x3e: {  	_ =	shalt  }
0x3f: {  	_ =	shalt  }
0x40: {  	_ =	shalt  }
0x41: {  	_ =	shalt  }
0x42: {  	_ =	shalt  }
0x43: {  	_ =	shalt  }
0x44: {  	_ =	shalt  }
0x45: {  	_ =	shalt  }
0x46: {  	_ =	shalt  }
0x47: {  	_ =	shalt  }
0x48: {  	_ =	shalt  }
0x49: {  	_ =	shalt  }
0x4a: {  	_ =	shalt  }
0x4b: {  	_ =	shalt  }
0x4c: {  	_ =	shalt  }
0x4d: {  	_ =	shalt  }
0x4e: {  	_ =	shalt  }
0x4f: {  	_ =	shalt  }
0x50: {  	_ =	shalt  }
0x51: {  	_ =	shalt  }
0x52: {  	_ =	shalt  }
0x53: {  	_ =	shalt  }
0x54: {  	_ =	shalt  }
0x55: {  	_ =	shalt  }
0x56: {  	_ =	shalt  }
0x57: {  	_ =	shalt  }
0x58: {  	_ =	shalt  }
0x59: {  	_ =	shalt  }
0x5a: {  	_ =	shalt  }
0x5b: {  	_ =	shalt  }
0x5c: {  	_ =	shalt  }
0x5d: {  	_ =	shalt  }
0x5e: {  	_ =	shalt  }
0x5f: {  	_ =	shalt  }
0x60: {  	_ =	shalt  }
0x61: {  	_ =	shalt  }
0x62: {  	_ =	shalt  }
0x63: {  	_ =	shalt  }
0x64: {  	_ =	shalt  }
0x65: {  	_ =	shalt  }
0x66: {  	_ =	shalt  }
0x67: {  	_ =	shalt  }
0x68: {  	_ =	shalt  }
0x69: {  	_ =	shalt  }
0x6a: {  	_ =	shalt  }
0x6b: {  	_ =	shalt  }
0x6c: {  	_ =	shalt  }
0x6d: {  	_ =	shalt  }
0x6e: {  	_ =	shalt  }
0x6f: {  	_ =	shalt  }
0x70: {  	_ =	shalt  }
0x71: {  	_ =	shalt  }
0x72: {  	_ =	shalt  }
0x73: {  	_ =	shalt  }
0x74: {  	_ =	shalt  }
0x75: {  	_ =	shalt  }
0x76: {  	_ =	shalt  }
0x77: {  	_ =	shalt  }
0x78: {  	_ =	shalt  }
0x79: {  	_ =	shalt  }
0x7a: {  	_ =	shalt  }
0x7b: {  	_ =	shalt  }
0x7c: {  	_ =	shalt  }
0x7d: {  	_ =	shalt  }
0x7e: {  	_ =	shalt  }
0x7f: {  	_ =	shalt  }
0x80: {  	_ =	shalt  }
0x81: {  	_ =	shalt  }
0x82: {  	_ =	shalt  }
0x83: {  	_ =	shalt  }
0x84: {  	_ =	shalt  }
0x85: {  	_ =	shalt  }
0x86: {  	_ =	shalt  }
0x87: {  	_ =	shalt  }
.Lfunc_end0:
.L_simem_size_0:
called_computation_lowered:
.L_overlay_start_0:
0x88: {  	s2 =	sld [smem:$0x3FD9]  }
0x89: {  	s3 =	sld [smem:$0x3FFE];
	_ =	sdelay $0x1  }
0x8a: {  	s1 =	srdreg.scid  }
0x8b: {  	s0 =	sand.u32 $0x1, s1  }
0x8c: {  	s16 =	sshll.u32 s0, $0xA;
	s2 =	sadd.s32 s3, s2  }
0x8d: {  	s2 =	sadd.s32 s2, s16  }
0x8e: {  	[smem:$0x3FB9] =	sst s2  }
0x8f: {  	_ = 	snop  }
0x90: {  	(tm) =	ssettm $0x1  }
0x91: {  	s17 =	sld [smem:$0x3FFB];
	_ =	sdelay $0x3  }
0x92: {  	_ =	strace s17  }
0x93: {  	s2 =	sld [smem:$0x3FFC];
	_ =	sdelay $0x3  }
0x94: {  	_ =	strace s2  }
0x95: {  	s2 =	sld [smem:$0x3FFD];
	_ =	sdelay $0x3  }
0x96: {  	_ =	strace s2  }
0x97: {  	_ =	strace $0x8FFFFFFF  }
0x98: {  	s18 =	sld [smem:$0x3FDB];
	_ =	sdelay $0x1  }
0x99: {  	s19 =	simm.s32 $_scs_section_size  }
0x9a: {  	s4 =	simm.s32 $_size__tile_overlayer_lowered;
	s5 =	simm.s32 $_tile_overlayer_lowered  }
0x9b: {  	s22 =	simm.s32 $0x1BFF;
	s21 =	sshll.u32 s5, $0x1;
	s2 =	sadd.s32 s19, s18  }
0x9c: {  	s6 =	simm.s32 $0x0;
	s20 =	sshll.u32 s4, $0x1;
	s4 =	sadd.s32 s21, s2  }
0x9d: {  	[timem:s6], [sflag:s22] =	dma.local [hbm:s4], s20  }
0x9e: {  	_ =	swait.ge [sflag:s22], s20  }
0x9f: {  	s3 =	ssub.s32 $0x0, s20;
	[sflag:s22] =	ssyncset.done $0x0  }
0xa0: {  	[sflag:s22] =	ssyncadd.s32 s3;
	_ =	sdelay $0x1  }
0xa1: {  	s23 =	simm.s32 $0x1B8B  }
0xa2: {  	_ =	swait.ge [sflag:s23], $0x1  }
0xa3: {  	[sflag:s23] =	ssyncset.done $0x0  }
0xa4: {  	s25 =	simm.s32 $0x1B8E;
	s24 =	sld [smem:$0x3FFE];
	[sflag:s23] =	ssyncadd.s32 $0xFFFFFFFF  }
0xa5: {  	s26 =	simm.s32 $execute0_lowered;
	[smem:$0x3FD2] =	sst s25  }
0xa6: {  	s4 =	sshll.u32 s26, $0x1;
	_ =	strace $0x80000046;
	[dreg:$0x1] =	wrdreg $0xFFFFFFFF  }
0xa7: {  	s28 =	simm.s32 $_size_execute0_lowered;
	s2 =	sadd.s32 s2, s4;
	[dreg:$0x0] =	wrdreg $0x0  }
0xa8: {  	s4 =	sshll.u32 s28, $0x1;
	[dreg:$0x2] =	wrdreg s2  }
0xa9: {  	[dreg:$0x3] =	wrdreg s4  }
0xaa: {  	[dreg:$0x4] =	wrdreg $0xC0  }
0xab: {  	_ =	task [dreg:s6], $0x5FFFF  }
0xac: {  	[dreg:$0x1] =	wrdreg $0xFFFFFFFF  }
0xad: {  	[dreg:$0x0] =	wrdreg $0x60  }
0xae: {  	[dreg:$0x2] =	wrdreg s24  }
0xaf: {  	[dreg:$0x3] =	wrdreg $0x9  }
0xb0: {  	_ =	task.clear_ibuf [dreg:s6], $0x4FFFF;
	_ =	strace $0x90000046  }
0xb1: {  	s29 =	simm.s32 $0x9;
	_ =	strace $0x80000048  }
0xb2: {  	_ =	swait.ge [sflag:s29], $0x1  }
0xb3: {  	[sflag:s29] =	ssyncadd.s32 $0xFFFFFFFF  }
0xb4: {  	_ =	strace $0x90000048  }
0xb5: {  	_ =	sfence  }
0xb6: {  	s30 =	sld [smem:$0x0];
	_ =	sdelay $0x2  }
0xb7: {  	s31 =	sshll.u32 s1, $0xD;
	s1 =	sshrl.u32 s1, $0x2  }
0xb8: {  	s3 =	sand.u32 $0x4000, s31;
	s1 =	sadd.s32 s1, s30  }
0xb9: {  	s0 =	sor.u32 s3, s0;
	s1 =	sshll.u32 s1, $0x11  }
0xba: {  	s0 =	sor.u32 s1, s0  }
0xbb: {  	s0 =	sadd.s32 $0x8F2B, s0  }
0xbc: {  	[sflag:s0] =	ssyncadd.remote.s32 $0x1  }
0xbd: {  	_ =	sfence.sel $0xFFFF  }
0xbe: {  	[dreg:$0x0] =	wrdreg $0xFFFFFFFF;
	(pc) =	sbr.abs _section_cstart, $3  }
0xbf: {  	[dreg:$0x1] =	wrdreg $0xFFFFFFFF  }
0xc0: {  	_ =	task.clear_ibuf [dreg:s6], $0x2FFFF;
	_ =	strace $0x9FFFFFFF  }
0xc1: {  	(tm) =	ssettm $0x7FFFFFFF  }
tec
execute0_lowered:
.L_overlay_start_1:
0x0: {  	(tag) =	ssettag $0x1  }
0x1: {  	s1 =	srdreg.scid  }
0x2: {  	s0 =	stileid.u32;
	s4 =	rddreg [dreg:$0x0]  }
0x3: {  	s2 =	simm.s32 $0x0;
	s10 =	simm.s32 $0x8200;
	s11 =	simm.s32 $0xA200  }
0x4: {  	s12 =	simm.s32 $0xC200;
	s5 =	sand.u32 $0x1, s1;
	s3 =	sshll.u32 s0, $0x1  }
0x5: {  	s13 =	simm.s32 $0x1;
	s1 =	rddreg [dreg:$0x1];
	s3 =	sor.u32 s5, s3  }
0x6: {  	s14 =	simm.s32 $0x0;
	[smem:$0x7FF] =	sst s2;
	s6 =	smul.u32 $0xC3, s3  }
0x7: {  	s8 =	smul.u32 $0x61800, s0;
	_ =	strace $0x80000047;
	s7 =	smin.u32 s3, $0xA  }
0x8: {  	s9 =	ssub.s32 $0x2, s5;
	s5 =	smul.u32 $0x30C00, s5;
	s6 =	sadd.s32 s7, s6  }
0x9: {  	s3 =	sadd.s32 $0x192A00, s4;
	s29 =	sshrl.u32 s9, $0x1;
	s6 =	sshll.u32 s6, $0x4  }
0xa: {  	s7 =	sshll.u32 s7, $0xA;
	s6 =	sadd.s32 s6, s4;
	s4 =	sadd.s32 s8, s4  }
0xb: {  	s8 =	ssub.s32 s9, s29;
	s9 =	simm.s32 $0x6200;
	s30 =	sadd.s32 s5, s4  }
0xc: {  	s4 =	sadd.s32 $0x20F200, s6;
	s5 =	smax.u32 s8, $0x1;
	s31 =	sadd.s32 s7, s30  }
0xd: {  	s8 =	simm.s32 $0x80;
	s7 =	simm.s32 $0x2;
	s6 =	sadd.s32 $0x227A00, s31  }
.LBB2_1:
0xe: {  	[tilespmem:s2], [sflag:$0x2] =	stream.linear.gather [hbm4b:s4+s2], $0x6200, $0x38;
	[tilespmem:$0xE200] =	vst v63  }
0xf: {  	_ =	swait.ge [sflag:s7], $0x6200  }
0x10: {  	[sflag:s7] =	ssyncset.done $0x0  }
0x11: {  	s15 =	simm.s32 $0x0;
	[sflag:s7] =	ssyncadd.s32 $0xFFFF9E00  }
0x12: {  	[tilespmem:s9], [sflag:$0x1] =	stream.indirect.gather [hbm4b:s3+s8], $0x40, s15, s8, $0xb8;
	[tilespmem:$0xE200] =	vst v63  }
0x13: {  	s28 =	simm.s32 $0x80  }
0x14: {  	[tilespmem:s10], [sflag:$0x1] =	stream.indirect.gather [hbm4b:s3+s8], $0x40, s28, s8, $0xb8;
	[tilespmem:$0xE200] =	vst v63  }
0x15: {  	s29 =	simm.s32 $0x100  }
0x16: {  	[tilespmem:s11], [sflag:$0x1] =	stream.indirect.gather [hbm4b:s3+s8], $0x40, s29, s8, $0xb8;
	[tilespmem:$0xE200] =	vst v63  }
0x17: {  	s30 =	simm.s32 $0x180  }
0x18: {  	[tilespmem:s12], [sflag:$0x1] =	stream.indirect.gather [hbm4b:s3+s8], $0x40, s30, s8, $0xb8;
	[tilespmem:$0xE200] =	vst v63  }
0x19: {  	_ =	swait.ge [sflag:s13], $0x2000  }
0x1a: {  	[sflag:s13] =	ssyncset.done $0x0  }
0x1b: {  	[sflag:s13] =	ssyncadd.s32 $0xFFFFE000  }
0x1c: {  	_ =	swait.ge [sflag:s13], $0x2000  }
0x1d: {  	[sflag:s13] =	ssyncset.done $0x0  }
0x1e: {  	[sflag:s13] =	ssyncadd.s32 $0xFFFFE000  }
0x1f: {  	_ =	swait.ge [sflag:s13], $0x2000  }
0x20: {  	[sflag:s13] =	ssyncset.done $0x0  }
0x21: {  	[sflag:s13] =	ssyncadd.s32 $0xFFFFE000  }
0x22: {  	_ =	swait.ge [sflag:s13], $0x2000  }
0x23: {  	[sflag:s13] =	ssyncset.done $0x0  }
0x24: {  	s31 =	sadd.s32 $0x0, s6;
	[sflag:s13] =	ssyncadd.s32 $0xFFFFE000  }
0x25: {  	[hbm4b:s31+s2] =	stream.linear.scatter [tilespmem:s9], [sflag:$0x2], $0x8000, $0x38;
	[tilespmem:$0xE200] =	vst v63  }
0x26: {  	s17 =	simm.s32 $0x2000;
	_ =	swait.ge [sflag:s7], $0x8000  }
0x27: {  	s16 =	simm.s32 $0x380;
	s15 =	simm.s32 $0x1000;
	[sflag:s7] =	ssyncset.done $0x0  }
.LBB2_2:
0x28: {  	p0 =	sne.s32 s17, $0x30000;
	s18 =	sadd.s32 $0xFFFFFE80, s16;
	[sflag:s7] =	ssyncadd.s32 $0xFFFF8000  }
0x29: {  	[tilespmem:s9], [sflag:$0x1] =	stream.indirect.gather [hbm4b:s3+s8], $0x40, s18, s8, $0xb8;
	[tilespmem:$0xE200] =	vst v63  }
0x2a: {  	s19 =	smov.u32 s17;
	s17 =	sadd.s32 $0x1000, s17;
	s18 =	sadd.s32 $0xFFFFFF00, s16  }
0x2b: {  	[tilespmem:s10], [sflag:$0x1] =	stream.indirect.gather [hbm4b:s3+s8], $0x40, s18, s8, $0xb8;
	[tilespmem:$0xE200] =	vst v63  }
0x2c: {  	s18 =	sadd.s32 $0xFFFFFF80, s16  }
0x2d: {  	[tilespmem:s11], [sflag:$0x1] =	stream.indirect.gather [hbm4b:s3+s8], $0x40, s18, s8, $0xb8;
	[tilespmem:$0xE200] =	vst v63  }
0x2e: {  	_ = 	snop  }
0x2f: {  	[tilespmem:s12], [sflag:$0x1] =	stream.indirect.gather [hbm4b:s3+s8], $0x40, s16, s8, $0xb8;
	[tilespmem:$0xE200] =	vst v63  }
0x30: {  	_ =	swait.ge [sflag:s13], $0x2000  }
0x31: {  	[sflag:s13] =	ssyncset.done $0x0  }
0x32: {  	[sflag:s13] =	ssyncadd.s32 $0xFFFFE000  }
0x33: {  	_ =	swait.ge [sflag:s13], $0x2000  }
0x34: {  	[sflag:s13] =	ssyncset.done $0x0  }
0x35: {  	[sflag:s13] =	ssyncadd.s32 $0xFFFFE000  }
0x36: {  	_ =	swait.ge [sflag:s13], $0x2000  }
0x37: {  	[sflag:s13] =	ssyncset.done $0x0  }
0x38: {  	[sflag:s13] =	ssyncadd.s32 $0xFFFFE000  }
0x39: {  	_ =	swait.ge [sflag:s13], $0x2000  }
.Ltmp0:
0x3a: {  	[sflag:s13] =	ssyncset.done $0x0;
	(pc) =	sbr.rel @p0 .LBB2_2-.Ltmp0, $4  }
0x3b: {  	s18 =	sadd.s32 s15, s6;
	s15 =	smov.u32 s19;
	[sflag:s13] =	ssyncadd.s32 $0xFFFFE000  }
0x3c: {  	[hbm4b:s18+s2] =	stream.linear.scatter [tilespmem:s9], [sflag:$0x2], $0x8000, $0x38;
	[tilespmem:$0xE200] =	vst v63  }
0x3d: {  	_ =	swait.ge [sflag:s7], $0x8000  }
0x3e: {  	s16 =	sadd.s32 $0x200, s16;
	[sflag:s7] =	ssyncset.done $0x0  }
0x3f: {  	s17 =	sadd.s32 $0xFFFFFE80, s16;
	[sflag:s7] =	ssyncadd.s32 $0xFFFF8000  }
0x40: {  	[tilespmem:s9], [sflag:$0x1] =	stream.indirect.gather [hbm4b:s3+s8], $0x40, s17, s8, $0xb8;
	[tilespmem:$0xE200] =	vst v63  }
0x41: {  	s30 =	sadd.s32 $0xFFFFFF00, s16  }
0x42: {  	[tilespmem:s10], [sflag:$0x1] =	stream.indirect.gather [hbm4b:s3+s8], $0x40, s30, s8, $0xb8;
	[tilespmem:$0xE200] =	vst v63  }
0x43: {  	s31 =	sadd.s32 $0xFFFFFF80, s16  }
0x44: {  	[tilespmem:s11], [sflag:$0x1] =	stream.indirect.gather [hbm4b:s3+s8], $0x40, s31, s8, $0xb8;
	[tilespmem:$0xE200] =	vst v63  }
0x45: {  	_ = 	snop  }
0x46: {  	[tilespmem:s12], [sflag:$0x1] =	stream.indirect.gather [hbm4b:s3+s8], $0x40, s16, s8, $0xb8;
	[tilespmem:$0xE200] =	vst v63  }
0x47: {  	_ =	swait.ge [sflag:s13], $0x2000  }
0x48: {  	[sflag:s13] =	ssyncset.done $0x0  }
0x49: {  	[sflag:s13] =	ssyncadd.s32 $0xFFFFE000  }
0x4a: {  	_ =	swait.ge [sflag:s13], $0x2000  }
0x4b: {  	[sflag:s13] =	ssyncset.done $0x0  }
0x4c: {  	[sflag:s13] =	ssyncadd.s32 $0xFFFFE000  }
0x4d: {  	_ =	swait.ge [sflag:s13], $0x2000  }
0x4e: {  	[sflag:s13] =	ssyncset.done $0x0  }
0x4f: {  	[sflag:s13] =	ssyncadd.s32 $0xFFFFE000  }
0x50: {  	s14 =	sadd.s32 $0x1, s14;
	_ =	swait.ge [sflag:s13], $0x2000  }
0x51: {  	p0 =	sne.s32 s14, s5;
	[sflag:s13] =	ssyncset.done $0x0  }
.Ltmp1:
0x52: {  	s15 =	sadd.s32 s15, s6;
	[sflag:s13] =	ssyncadd.s32 $0xFFFFE000;
	(pc) =	sbr.rel @p0 .LBB2_1-.Ltmp1, $4  }
0x53: {  	[hbm4b:s15+s2] =	stream.linear.scatter [tilespmem:s9], [sflag:$0x2], $0x8000, $0x38;
	[tilespmem:$0xE200] =	vst v63  }
0x54: {  	_ =	swait.ge [sflag:s7], $0x8000  }
0x55: {  	[sflag:s7] =	ssyncset.done $0x0  }
0x56: {  	[sflag:s7] =	ssyncadd.s32 $0xFFFF8000  }
0x57: {  	_ =	sfence.sel $0x180000  }
0x58: {  	[bflag:$0x0] =	sbarrier.arrive $0xFFFF  }
0x59: {  	p0 =	sne.s32 s0, $0x0;
	_ =	strace $0x90000047  }
0x5a: {  	s0 =	sadd.s32 @!p0 $0x100000, s1;
	[bflag:$0x2] =	sbarrier.arrive $0xFFFF  }
0x5b: {  	[sflag:s0] =	ssyncadd.tile.s32 @!p0 $0x1;
	_ =	shalt  }
.Lfunc_end2:
_tile_overlayer_lowered:
.L_overlay_start_2:
0x5c: {  	(tag) =	ssettag $0x2  }
0x5d: {  	s0 =	rddreg [dreg:$0x0];
	s2 =	stileid.u32  }
0x5e: {  	s1 =	rddreg [dreg:$0x1];
	p0 =	sne.s32 s2, $0x0  }
0x5f: {  	s3 =	rddreg [dreg:$0x2];
	[bflag:$0x3] =	sbarrier.arrive $0xFFFF;
	s2 =	simm.s32 @!p0 $0x1C02  }
0x60: {  	[timem:s3], [sflag:s2] =	dma.local @!p0 [hbm:s0], s1  }
0x61: {  	s0 =	simm.s32 @!p0 $0x2  }
0x62: {  	_ =	swait.ge @!p0 [sflag:s0], s1  }
0x63: {  	s1 =	ssub.s32 @!p0 $0x0, s1;
	[sflag:s0] =	ssyncset.done @!p0 $0x0  }
0x64: {  	[sflag:s0] =	ssyncadd.s32 @!p0 s1  }
0x65: {  	[bflag:$0x3] =	sbarrier.arrive $0xFFFF  }
0x66: {  	_ =	shalt  }

// kernel: kernel.15.cloned.1.call-start
scs
__scs_entry_jumppad:
0x0: {  	(pc) =	sbr.rel $0x88, $3  }
0x1: {  	(tag) =	ssettag $0x0;
	lr =	simm.s32 $0x1  }
0x2: {  	[smem:$0x3F92] =	sst lr;
	_ =	strace $0xD0000000  }
0x3: {  	_ = 	snop  }
0x4: {  	_ = 	snop  }
0x5: {  	_ = 	snop  }
0x6: {  	_ = 	snop  }
0x7: {  	_ = 	snop  }
__scs_overlays_trampoline_lowered:
0x8: {  	[smem:$0x3FA1] =	sst s0  }
0x9: {  	[smem:$0x3FA2] =	sst s1  }
0xa: {  	[smem:$0x3FA3] =	sst s2  }
0xb: {  	[smem:$0x3FA4] =	sst s3  }
0xc: {  	[smem:$0x3FA5] =	sst s4  }
0xd: {  	[smem:$0x3FA6] =	sst s5  }
0xe: {  	[smem:$0x3FA7] =	sst s6  }
0xf: {  	[smem:$0x3FA8] =	sst s7  }
0x10: {  	[smem:$0x3FA9] =	sst s8  }
0x11: {  	[smem:$0x3FAA] =	sst s9;
	s0 =	simm.s32 @!p0 $0x0  }
0x12: {  	s1 =	sld [smem:$0x3F90];
	s0 =	simm.s32 @p0 $0x1  }
0x13: {  	[smem:$0x3FAB] =	sst s0;
	s0 =	simm.s32 @!p1 $0x0  }
0x14: {  	s2 =	sld [smem:$0x3F8F];
	s0 =	simm.s32 @p1 $0x1  }
0x15: {  	[smem:$0x3FAC] =	sst s0;
	s0 =	simm.s32 @!p2 $0x0  }
0x16: {  	s3 =	sld [smem:$0x3FDB];
	s0 =	simm.s32 @p2 $0x1  }
0x17: {  	s4 =	simm.s32 $0x1BF5;
	[smem:$0x3FAE] =	sst s0  }
0x18: {  	s0 =	sld [smem:$0x3F91];
	_ =	swait.ge [sflag:s4], $0x0  }
0x19: {  	s7 =	sld [smem:$0x3F92]  }
0x1a: {  	s8 =	sadd.s32 $0xFFFFE003, lr  }
0x1b: {  	s9 =	sadd.s32 $0xFFFFFEF7, lr;
	s5 =	simm.s32 $0xFFFFFFFF;
	p2 =	slt.u32 s8, $0xFFFFF086  }
0x1c: {  	p1 =	slt.u32 s9, $0xF7A;
	s5 =	simm.s32 @!p2 $0x0  }
0x1d: {  	s5 =	simm.s32 @p1 $0x1;
	p0 =	seq.s32 s7, s2  }
0x1e: {  	s7 =	smul.u32 @!p0 $0xF7A, s2;
	p2 =	seq.s32 @!p0 s5, $0x0  }
0x1f: {  	s9 =	smul.u32 $0xF7A, s1;
	s8 =	simm.s32 @!p0 $0x1BF5;
	p2 =	por !p2, p0  }
0x20: {  	[sflag:s8] =	ssyncset.s32 @!p0 $0xFFFFF086;
	s6 =	sadd.s32 @!p0 s3, s7;
	s7 =	simm.s32 @!p0 $0x108  }
0x21: {  	s3 =	sadd.s32 s3, s9;
	s6 =	sadd.s32 @!p0 $0x88, s6;
	s7 =	simm.s32 @p2 $0x1082  }
0x22: {  	[simem:s7], [sflag:s8] =	dma.local @!p0 [hbm:s6], $0xF7A  }
0x23: {  	s9 =	sor.u32 $0xD0000000, s2;
	s6 =	simm.s32 $0x108;
	_ =	swait.ge @!p0 [sflag:s8], $0x0  }
0x24: {  	s3 =	sadd.s32 $0x88, s3;
	s6 =	simm.s32 @!p1 $0x1082;
	[sflag:s4] =	ssyncset.s32 $0xFFFFF086  }
0x25: {  	[simem:s6], [sflag:s4] =	dma.local [hbm:s3], $0xF7A  }
0x26: {  	[smem:$0x3F92] =	sst s1;
	(tag) =	ssettag s2;
	_ =	strace s9  }
0x27: {  	s1 =	sld [smem:$0x3FA2]  }
0x28: {  	s2 =	sld [smem:$0x3FA3]  }
0x29: {  	s4 =	sld [smem:$0x3FA5]  }
0x2a: {  	p0 =	seq.s32 s5, $0x0;
	s5 =	sld [smem:$0x3FA6]  }
0x2b: {  	s6 =	sld [smem:$0x3FA7]  }
0x2c: {  	s7 =	sld [smem:$0x3FA8]  }
0x2d: {  	s3 =	simm.s32 $0x108;
	s8 =	sld [smem:$0x3FA9]  }
0x2e: {  	s3 =	simm.s32 @!p0 $0x1082;
	s9 =	sld [smem:$0x3FAA]  }
0x2f: {  	lr =	sadd.s32 s0, s3;
	s0 =	sld [smem:$0x3FA1]  }
0x30: {  	s3 =	sld [smem:$0x3FA4]  }
0x31: {  	[smem:$0x3FAD] =	sst s10  }
0x32: {  	s10 =	sld [smem:$0x3FAB];
	_ =	sdelay $0x3  }
0x33: {  	p0 =	seq.s32 s10, $0x1;
	s10 =	sld [smem:$0x3FAD];
	_ =	sdelay $0x3  }
0x34: {  	[smem:$0x3FAD] =	sst s10  }
0x35: {  	s10 =	sld [smem:$0x3FAC];
	_ =	sdelay $0x3  }
0x36: {  	p1 =	seq.s32 s10, $0x1;
	s10 =	sld [smem:$0x3FAD];
	_ =	sdelay $0x3  }
0x37: {  	[smem:$0x3FAD] =	sst s10  }
0x38: {  	s10 =	sld [smem:$0x3FAE]  }
0x39: {  	_ = 	snop;
	(pc) =	sbr.ind lr, $3  }
0x3a: {  	_ = 	snop  }
0x3b: {  	_ = 	snop  }
0x3c: {  	p2 =	seq.s32 s10, $0x1;
	s10 =	sld [smem:$0x3FAD]  }
0x3d: {  	_ =	shalt  }
0x3e: {  	_ =	shalt  }
0x3f: {  	_ =	shalt  }
0x40: {  	_ =	shalt  }
0x41: {  	_ =	shalt  }
0x42: {  	_ =	shalt  }
0x43: {  	_ =	shalt  }
0x44: {  	_ =	shalt  }
0x45: {  	_ =	shalt  }
0x46: {  	_ =	shalt  }
0x47: {  	_ =	shalt  }
0x48: {  	_ =	shalt  }
0x49: {  	_ =	shalt  }
0x4a: {  	_ =	shalt  }
0x4b: {  	_ =	shalt  }
0x4c: {  	_ =	shalt  }
0x4d: {  	_ =	shalt  }
0x4e: {  	_ =	shalt  }
0x4f: {  	_ =	shalt  }
0x50: {  	_ =	shalt  }
0x51: {  	_ =	shalt  }
0x52: {  	_ =	shalt  }
0x53: {  	_ =	shalt  }
0x54: {  	_ =	shalt  }
0x55: {  	_ =	shalt  }
0x56: {  	_ =	shalt  }
0x57: {  	_ =	shalt  }
0x58: {  	_ =	shalt  }
0x59: {  	_ =	shalt  }
0x5a: {  	_ =	shalt  }
0x5b: {  	_ =	shalt  }
0x5c: {  	_ =	shalt  }
0x5d: {  	_ =	shalt  }
0x5e: {  	_ =	shalt  }
0x5f: {  	_ =	shalt  }
0x60: {  	_ =	shalt  }
0x61: {  	_ =	shalt  }
0x62: {  	_ =	shalt  }
0x63: {  	_ =	shalt  }
0x64: {  	_ =	shalt  }
0x65: {  	_ =	shalt  }
0x66: {  	_ =	shalt  }
0x67: {  	_ =	shalt  }
0x68: {  	_ =	shalt  }
0x69: {  	_ =	shalt  }
0x6a: {  	_ =	shalt  }
0x6b: {  	_ =	shalt  }
0x6c: {  	_ =	shalt  }
0x6d: {  	_ =	shalt  }
0x6e: {  	_ =	shalt  }
0x6f: {  	_ =	shalt  }
0x70: {  	_ =	shalt  }
0x71: {  	_ =	shalt  }
0x72: {  	_ =	shalt  }
0x73: {  	_ =	shalt  }
0x74: {  	_ =	shalt  }
0x75: {  	_ =	shalt  }
0x76: {  	_ =	shalt  }
0x77: {  	_ =	shalt  }
0x78: {  	_ =	shalt  }
0x79: {  	_ =	shalt  }
0x7a: {  	_ =	shalt  }
0x7b: {  	_ =	shalt  }
0x7c: {  	_ =	shalt  }
0x7d: {  	_ =	shalt  }
0x7e: {  	_ =	shalt  }
0x7f: {  	_ =	shalt  }
0x80: {  	_ =	shalt  }
0x81: {  	_ =	shalt  }
0x82: {  	_ =	shalt  }
0x83: {  	_ =	shalt  }
0x84: {  	_ =	shalt  }
0x85: {  	_ =	shalt  }
0x86: {  	_ =	shalt  }
0x87: {  	_ =	shalt  }
.Lfunc_end0:
.L_simem_size_0:
called_computation.1_lowered:
.L_overlay_start_0:
0x88: {  	s2 =	sld [smem:$0x3FD9]  }
0x89: {  	s3 =	sld [smem:$0x3FFE];
	_ =	sdelay $0x1  }
0x8a: {  	s1 =	srdreg.scid  }
0x8b: {  	s0 =	sand.u32 $0x1, s1  }
0x8c: {  	s16 =	sshll.u32 s0, $0xA;
	s2 =	sadd.s32 s3, s2  }
0x8d: {  	s2 =	sadd.s32 s2, s16  }
0x8e: {  	[smem:$0x3FB9] =	sst s2  }
0x8f: {  	_ = 	snop  }
0x90: {  	(tm) =	ssettm $0x1  }
0x91: {  	s17 =	sld [smem:$0x3FFB];
	_ =	sdelay $0x3  }
0x92: {  	_ =	strace s17  }
0x93: {  	s2 =	sld [smem:$0x3FFC];
	_ =	sdelay $0x3  }
0x94: {  	_ =	strace s2  }
0x95: {  	s2 =	sld [smem:$0x3FFD];
	_ =	sdelay $0x3  }
0x96: {  	_ =	strace s2  }
0x97: {  	_ =	strace $0x8FFFFFFF  }
0x98: {  	s18 =	sld [smem:$0x3FDB];
	_ =	sdelay $0x1  }
0x99: {  	s19 =	simm.s32 $_scs_section_size  }
0x9a: {  	s4 =	simm.s32 $_size__tile_overlayer_lowered;
	s5 =	simm.s32 $_tile_overlayer_lowered  }
0x9b: {  	s22 =	simm.s32 $0x1BFF;
	s21 =	sshll.u32 s5, $0x1;
	s2 =	sadd.s32 s19, s18  }
0x9c: {  	s6 =	simm.s32 $0x0;
	s20 =	sshll.u32 s4, $0x1;
	s4 =	sadd.s32 s21, s2  }
0x9d: {  	[timem:s6], [sflag:s22] =	dma.local [hbm:s4], s20  }
0x9e: {  	_ =	swait.ge [sflag:s22], s20  }
0x9f: {  	s3 =	ssub.s32 $0x0, s20;
	[sflag:s22] =	ssyncset.done $0x0  }
0xa0: {  	[sflag:s22] =	ssyncadd.s32 s3;
	_ =	sdelay $0x1  }
0xa1: {  	s23 =	simm.s32 $0x1B8B  }
0xa2: {  	_ =	swait.ge [sflag:s23], $0x1  }
0xa3: {  	[sflag:s23] =	ssyncset.done $0x0  }
0xa4: {  	s25 =	simm.s32 $0x1B8E;
	s24 =	sld [smem:$0x3FFE];
	[sflag:s23] =	ssyncadd.s32 $0xFFFFFFFF  }
0xa5: {  	s26 =	simm.s32 $execute0_lowered;
	[smem:$0x3FD2] =	sst s25  }
0xa6: {  	s4 =	sshll.u32 s26, $0x1;
	_ =	strace $0x80000049;
	[dreg:$0x1] =	wrdreg $0xFFFFFFFF  }
0xa7: {  	s28 =	simm.s32 $_size_execute0_lowered;
	s2 =	sadd.s32 s2, s4;
	[dreg:$0x0] =	wrdreg $0x0  }
0xa8: {  	s4 =	sshll.u32 s28, $0x1;
	[dreg:$0x2] =	wrdreg s2  }
0xa9: {  	[dreg:$0x3] =	wrdreg s4  }
0xaa: {  	[dreg:$0x4] =	wrdreg $0xC0  }
0xab: {  	_ =	task [dreg:s6], $0x5FFFF  }
0xac: {  	[dreg:$0x1] =	wrdreg $0xFFFFFFFF  }
0xad: {  	[dreg:$0x0] =	wrdreg $0x60  }
0xae: {  	[dreg:$0x2] =	wrdreg s24  }
0xaf: {  	[dreg:$0x3] =	wrdreg $0x42000  }
0xb0: {  	[dreg:$0x4] =	wrdreg $0x9  }
0xb1: {  	_ =	task.clear_ibuf [dreg:s6], $0x5FFFF;
	_ =	strace $0x90000049  }
0xb2: {  	s29 =	simm.s32 $0x9;
	_ =	strace $0x8000004B  }
0xb3: {  	_ =	swait.ge [sflag:s29], $0x1  }
0xb4: {  	[sflag:s29] =	ssyncadd.s32 $0xFFFFFFFF  }
0xb5: {  	_ =	strace $0x9000004B  }
0xb6: {  	_ =	sfence  }
0xb7: {  	s30 =	sld [smem:$0x0];
	_ =	sdelay $0x2  }
0xb8: {  	s31 =	sshll.u32 s1, $0xD;
	s1 =	sshrl.u32 s1, $0x2  }
0xb9: {  	s3 =	sand.u32 $0x4000, s31;
	s1 =	sadd.s32 s1, s30  }
0xba: {  	s0 =	sor.u32 s3, s0;
	s1 =	sshll.u32 s1, $0x11  }
0xbb: {  	s0 =	sor.u32 s1, s0  }
0xbc: {  	s0 =	sadd.s32 $0x8F2B, s0  }
0xbd: {  	[sflag:s0] =	ssyncadd.remote.s32 $0x1  }
0xbe: {  	_ =	sfence.sel $0xFFFF  }
0xbf: {  	[dreg:$0x0] =	wrdreg $0xFFFFFFFF;
	(pc) =	sbr.abs _section_cstart, $3  }
0xc0: {  	[dreg:$0x1] =	wrdreg $0xFFFFFFFF  }
0xc1: {  	_ =	task.clear_ibuf [dreg:s6], $0x2FFFF;
	_ =	strace $0x9FFFFFFF  }
0xc2: {  	(tm) =	ssettm $0x7FFFFFFF  }
0xc3: {  	_ =	shalt  }
tec
execute0_lowered:
.L_overlay_start_1:
0x0: {  	(tag) =	ssettag $0x1  }
0x1: {  	s0 =	rddreg [dreg:$0x0]  }
0x2: {  	s2 =	rddreg [dreg:$0x1];
	s3 =	simm.s32 $0x0;
	s4 =	srdreg.scid  }
0x3: {  	s1 =	stileid.u32;
	s19 =	simm.s32 $0x80;
	s28 =	simm.s32 $0x4  }
0x4: {  	s29 =	simm.s32 $0x0;
	s20 =	smul.u32 $0x32000, s1;
	s12 =	sadd.s32 $0x227A00, s0  }
0x5: {  	[smem:$0x7FF] =	sst s3;
	s13 =	sadd.s32 $0x1F6A00, s0;
	s7 =	smul.u32 $0x186, s1  }
0x6: {  	s5 =	sand.u32 $0x1, s4;
	s4 =	sadd.s32 $0x842200, s0;
	s9 =	smul.u32 $0x64000, s1  }
0x7: {  	s8 =	smin.u32 s1, $0xA;
	s24 =	sshll.u32 s1, $0x6;
	s17 =	smul.u32 $0x30C000, s1  }
0x8: {  	p0 =	sgt.u32 s1, $0x9;
	_ =	strace $0x8000004A;
	s11 =	sshll.u32 s5, $0x5  }
0x9: {  	s5 =	ssub.s32 $0x2, s5;
	s18 =	sshll.u32 s8, $0xD;
	s6 =	sor.u32 s11, s20  }
0xa: {  	s7 =	sadd.s32 s8, s7;
	s21 =	sshrl.u32 s5, $0x1;
	s22 =	sshrl.u32 s9, $0x2  }
0xb: {  	s17 =	sadd.s32 s18, s17;
	s18 =	simm.s32 $0x200;
	s20 =	simm.s32 $0x1200  }
0xc: {  	s6 =	sshrl.u32 s6, $0x3;
	s14 =	sshll.u32 s7, $0x7;
	s15 =	ssub.s32 s5, s21  }
0xd: {  	s16 =	sadd.s32 s22, s2;
	s5 =	sor.u32 $0x1C02, s24;
	s31 =	sor.u32 s11, s17  }
0xe: {  	s17 =	simm.s32 $0x40;
	s21 =	simm.s32 $0x100;
	s22 =	simm.s32 $0x2200  }
0xf: {  	s24 =	simm.s32 $0x3200;
	s0 =	sadd.s32 s6, s0;
	s23 =	sadd.s32 $0xC200, s14  }
0x10: {  	s26 =	sadd.s32 $0xC300, s14;
	s14 =	sshrl.u32 s14, $0x3;
	s25 =	sshll.u32 s23, $0x6  }
0x11: {  	s6 =	sshrl.u32 s23, $0x3;
	s10 =	sshll.u32 s26, $0x6;
	s9 =	sshrl.u32 s26, $0x3  }
0x12: {  	s23 =	simm.s32 $0x180;
	s7 =	sor.u32 s11, s25;
	s6 =	sadd.s32 s13, s6  }
0x13: {  	s10 =	sor.u32 s11, s10;
	s8 =	sadd.s32 s13, s9;
	s11 =	smax.u32 s15, $0x1  }
0x14: {  	s13 =	sadd.s32 s14, s13;
	s14 =	sshrl.u32 s16, $0x3;
	s15 =	simm.s32 $0x2  }
0x15: {  	s16 =	simm.s32 $0x20;
	s25 =	simm.s32 $0x1;
	s7 =	sshrl.u32 s7, $0x3  }
0x16: {  	s30 =	sshrl.u32 s10, $0x3;
	s10 =	sadd.s32 $0x192A00, s0;
	s0 =	sshrl.u32 s31, $0x3  }
0x17: {  	s7 =	sadd.s32 s12, s7;
	s9 =	sadd.s32 s12, s30;
	s12 =	sadd.s32 s0, s12  }
.LBB2_1:
0x18: {  	[spmem:s14], [sflag:s5] =	dma.local [hbm:s4], $0x3200  }
0x19: {  	_ =	swait.ge [sflag:s15], $0x3200  }
0x1a: {  	[sflag:s15] =	ssyncset.done $0x0  }
0x1b: {  	[sflag:s15] =	ssyncadd.s32 $0xFFFFCE00  }
0x1c: {  	s0 =	sadd.s32 $0x0, s13;
	[bflag:$0x0] =	sbarrier.arrive $0xFFFF  }
0x1d: {  	[tilespmem:s3], [sflag:$0x2] =	stream.linear.gather [hbm4b:s0+s3], $0x200, $0x38;
	[tilespmem:$0x1D200] =	vst v63  }
0x1e: {  	_ =	swait.ge [sflag:s15], $0x200  }
0x1f: {  	[sflag:s15] =	ssyncset.done $0x0  }
0x20: {  	[sflag:s15] =	ssyncadd.s32 $0xFFFFFE00  }
0x21: {  	[tilespmem:s18], [sflag:$0x2] =	stream.strided.gather [hbm4b:s12+s16], $0x4000, s17, s16, $0x38;
	[tilespmem:$0x1D200] =	vst v63  }
0x22: {  	_ =	swait.ge [sflag:s15], $0x4000  }
0x23: {  	[sflag:s15] =	ssyncset.done $0x0  }
0x24: {  	[sflag:s15] =	ssyncadd.s32 $0xFFFFC000  }
0x25: {  	[spmem:s2] =	stream.indirect.scatter.add.f32 [tilespmem:s18], [sflag:$0x1], $0x20, s3, s19, $0xb8;
	[tilespmem:$0x1D200] =	vst v63  }
0x26: {  	_ = 	snop  }
0x27: {  	[spmem:s2] =	stream.indirect.scatter.add.f32 [tilespmem:s20], [sflag:$0x1], $0x20, s19, s19, $0xb8;
	[tilespmem:$0x1D200] =	vst v63  }
0x28: {  	_ = 	snop  }
0x29: {  	[spmem:s2] =	stream.indirect.scatter.add.f32 [tilespmem:s22], [sflag:$0x1], $0x20, s21, s19, $0xb8;
	[tilespmem:$0x1D200] =	vst v63  }
0x2a: {  	_ = 	snop  }
0x2b: {  	[spmem:s2] =	stream.indirect.scatter.add.f32 [tilespmem:s24], [sflag:$0x1], $0x20, s23, s19, $0xb8;
	[tilespmem:$0x1D200] =	vst v63  }
0x2c: {  	_ =	swait.ge [sflag:s25], $0x1000  }
0x2d: {  	[sflag:s25] =	ssyncset.done $0x0  }
0x2e: {  	[sflag:s25] =	ssyncadd.s32 $0xFFFFF000  }
0x2f: {  	_ =	swait.ge [sflag:s25], $0x1000  }
0x30: {  	[sflag:s25] =	ssyncset.done $0x0  }
0x31: {  	[sflag:s25] =	ssyncadd.s32 $0xFFFFF000  }
0x32: {  	_ =	swait.ge [sflag:s25], $0x1000  }
0x33: {  	[sflag:s25] =	ssyncset.done $0x0  }
0x34: {  	[sflag:s25] =	ssyncadd.s32 $0xFFFFF000  }
0x35: {  	s31 =	simm.s32 $0x40;
	_ =	swait.ge [sflag:s25], $0x1000  }
0x36: {  	s30 =	sadd.s32 $0x1000, s12;
	s0 =	simm.s32 $0x80;
	[sflag:s25] =	ssyncset.done $0x0  }
.LBB2_2:
0x37: {  	s1 =	sadd.s32 s31, s13  }
0x38: {  	[sflag:s25] =	ssyncadd.s32 $0xFFFFF000;
	s31 =	smov.u32 s0;
	s26 =	sadd.s32 $0x40, s0  }
0x39: {  	[tilespmem:s3], [sflag:$0x2] =	stream.linear.gather [hbm4b:s1+s3], $0x200, $0x38;
	[tilespmem:$0x1D200] =	vst v63  }
0x3a: {  	p1 =	sne.s32 s0, $0x1800;
	_ =	swait.ge [sflag:s15], $0x200  }
0x3b: {  	[sflag:s15] =	ssyncset.done $0x0  }
0x3c: {  	[sflag:s15] =	ssyncadd.s32 $0xFFFFFE00  }
0x3d: {  	[tilespmem:s18], [sflag:$0x2] =	stream.strided.gather [hbm4b:s30+s16], $0x4000, s17, s16, $0x38;
	[tilespmem:$0x1D200] =	vst v63  }
0x3e: {  	_ =	swait.ge [sflag:s15], $0x4000  }
0x3f: {  	[sflag:s15] =	ssyncset.done $0x0  }
0x40: {  	[sflag:s15] =	ssyncadd.s32 $0xFFFFC000  }
0x41: {  	[spmem:s2] =	stream.indirect.scatter.add.f32 [tilespmem:s18], [sflag:$0x1], $0x20, s3, s19, $0xb8;
	[tilespmem:$0x1D200] =	vst v63  }
0x42: {  	_ = 	snop  }
0x43: {  	[spmem:s2] =	stream.indirect.scatter.add.f32 [tilespmem:s20], [sflag:$0x1], $0x20, s19, s19, $0xb8;
	[tilespmem:$0x1D200] =	vst v63  }
0x44: {  	_ = 	snop  }
0x45: {  	[spmem:s2] =	stream.indirect.scatter.add.f32 [tilespmem:s22], [sflag:$0x1], $0x20, s21, s19, $0xb8;
	[tilespmem:$0x1D200] =	vst v63  }
0x46: {  	_ = 	snop  }
0x47: {  	[spmem:s2] =	stream.indirect.scatter.add.f32 [tilespmem:s24], [sflag:$0x1], $0x20, s23, s19, $0xb8;
	[tilespmem:$0x1D200] =	vst v63  }
0x48: {  	_ =	swait.ge [sflag:s25], $0x1000  }
0x49: {  	[sflag:s25] =	ssyncset.done $0x0  }
0x4a: {  	[sflag:s25] =	ssyncadd.s32 $0xFFFFF000  }
0x4b: {  	_ =	swait.ge [sflag:s25], $0x1000  }
0x4c: {  	[sflag:s25] =	ssyncset.done $0x0  }
0x4d: {  	[sflag:s25] =	ssyncadd.s32 $0xFFFFF000  }
.Ltmp0:
0x4e: {  	_ =	swait.ge [sflag:s25], $0x1000;
	(pc) =	sbr.rel @p1 .LBB2_2-.Ltmp0, $4  }
0x4f: {  	[sflag:s25] =	ssyncset.done $0x0  }
0x50: {  	[sflag:s25] =	ssyncadd.s32 $0xFFFFF000  }
0x51: {  	_ =	swait.ge [sflag:s25], $0x1000  }
0x52: {  	s0 =	smov.u32 s26;
	s30 =	sadd.s32 $0x1000, s30;
	[sflag:s25] =	ssyncset.done $0x0  }
0x53: {  	s0 =	sadd.s32 s31, s13;
	[sflag:s25] =	ssyncadd.s32 $0xFFFFF000  }
0x54: {  	[tilespmem:s3], [sflag:$0x2] =	stream.linear.gather [hbm4b:s0+s3], $0x200, $0x38;
	[tilespmem:$0x1D200] =	vst v63  }
0x55: {  	_ =	swait.ge [sflag:s15], $0x200  }
0x56: {  	[sflag:s15] =	ssyncset.done $0x0  }
0x57: {  	[sflag:s15] =	ssyncadd.s32 $0xFFFFFE00  }
0x58: {  	[tilespmem:s18], [sflag:$0x2] =	stream.strided.gather [hbm4b:s30+s16], $0x4000, s17, s16, $0x38;
	[tilespmem:$0x1D200] =	vst v63  }
0x59: {  	_ =	swait.ge [sflag:s15], $0x4000  }
0x5a: {  	[sflag:s15] =	ssyncset.done $0x0  }
0x5b: {  	[sflag:s15] =	ssyncadd.s32 $0xFFFFC000  }
0x5c: {  	[spmem:s2] =	stream.indirect.scatter.add.f32 [tilespmem:s18], [sflag:$0x1], $0x20, s3, s19, $0xb8;
	[tilespmem:$0x1D200] =	vst v63  }
0x5d: {  	_ = 	snop  }
0x5e: {  	[spmem:s2] =	stream.indirect.scatter.add.f32 [tilespmem:s20], [sflag:$0x1], $0x20, s19, s19, $0xb8;
	[tilespmem:$0x1D200] =	vst v63  }
0x5f: {  	_ = 	snop  }
0x60: {  	[spmem:s2] =	stream.indirect.scatter.add.f32 [tilespmem:s22], [sflag:$0x1], $0x20, s21, s19, $0xb8;
	[tilespmem:$0x1D200] =	vst v63  }
0x61: {  	_ = 	snop  }
0x62: {  	[spmem:s2] =	stream.indirect.scatter.add.f32 [tilespmem:s24], [sflag:$0x1], $0x20, s23, s19, $0xb8;
	[tilespmem:$0x1D200] =	vst v63  }
0x63: {  	_ =	swait.ge [sflag:s25], $0x1000  }
0x64: {  	[sflag:s25] =	ssyncset.done $0x0  }
0x65: {  	[sflag:s25] =	ssyncadd.s32 $0xFFFFF000  }
0x66: {  	_ =	swait.ge [sflag:s25], $0x1000  }
0x67: {  	[sflag:s25] =	ssyncset.done $0x0  }
0x68: {  	[sflag:s25] =	ssyncadd.s32 $0xFFFFF000  }
0x69: {  	_ =	swait.ge [sflag:s25], $0x1000  }
0x6a: {  	[sflag:s25] =	ssyncset.done $0x0  }
0x6b: {  	[sflag:s25] =	ssyncadd.s32 $0xFFFFF000  }
0x6c: {  	_ =	swait.ge [sflag:s25], $0x1000  }
0x6d: {  	[sflag:s25] =	ssyncset.done $0x0  }
0x6e: {  	[sflag:s25] =	ssyncadd.s32 $0xFFFFF000  }
0x6f: {  	[tilespmem:s3], [sflag:$0x2] =	stream.linear.gather [hbm4b:s6+s3], $0x100, $0x38;
	[tilespmem:$0x1D200] =	vst v63  }
0x70: {  	_ =	swait.ge [sflag:s15], $0x100  }
0x71: {  	[sflag:s15] =	ssyncset.done $0x0  }
0x72: {  	[sflag:s15] =	ssyncadd.s32 $0xFFFFFF00  }
0x73: {  	[tilespmem:s18], [sflag:$0x2] =	stream.strided.gather [hbm4b:s7+s16], $0x2000, s17, s16, $0x38;
	[tilespmem:$0x1D200] =	vst v63  }
0x74: {  	_ =	swait.ge [sflag:s15], $0x2000  }
0x75: {  	[sflag:s15] =	ssyncset.done $0x0  }
0x76: {  	[sflag:s15] =	ssyncadd.s32 $0xFFFFE000  }
0x77: {  	[spmem:s2] =	stream.indirect.scatter.add.f32 [tilespmem:s18], [sflag:$0x1], $0x20, s3, s19, $0xb8;
	[tilespmem:$0x1D200] =	vst v63  }
0x78: {  	_ = 	snop  }
0x79: {  	[spmem:s2] =	stream.indirect.scatter.add.f32 [tilespmem:s20], [sflag:$0x1], $0x20, s19, s19, $0xb8;
	[tilespmem:$0x1D200] =	vst v63  }
0x7a: {  	_ =	swait.ge [sflag:s25], $0x1000  }
0x7b: {  	[sflag:s25] =	ssyncset.done $0x0  }
0x7c: {  	[sflag:s25] =	ssyncadd.s32 $0xFFFFF000  }
0x7d: {  	_ =	swait.ge [sflag:s25], $0x1000  }
0x7e: {  	[sflag:s25] =	ssyncset.done $0x0  }
0x7f: {  	s1 =	simm.s32 @!p0 $0x2;
	s0 =	simm.s32 @!p0 $0x0;
	[sflag:s25] =	ssyncadd.s32 $0xFFFFF000  }
0x80: {  	[tilespmem:s0], [sflag:$0x2] =	stream.linear.gather @!p0 [hbm4b:s8+s0], $0x80, $0x38;
	[tilespmem:$0x1D200] =	vst v63  }
0x81: {  	_ =	swait.ge @!p0 [sflag:s1], $0x80  }
0x82: {  	s26 =	simm.s32 @!p0 $0x20;
	[sflag:s1] =	ssyncset.done @!p0 $0x0  }
0x83: {  	s31 =	simm.s32 @!p0 $0x200;
	s30 =	simm.s32 @!p0 $0x40;
	[sflag:s1] =	ssyncadd.s32 @!p0 $0xFFFFFF80  }
0x84: {  	[tilespmem:s31], [sflag:$0x2] =	stream.strided.gather @!p0 [hbm4b:s9+s26], $0x1000, s30, s26, $0x38;
	[tilespmem:$0x1D200] =	vst v63  }
0x85: {  	_ =	swait.ge @!p0 [sflag:s1], $0x1000  }
0x86: {  	[sflag:s1] =	ssyncset.done @!p0 $0x0  }
0x87: {  	[sflag:s1] =	ssyncadd.s32 @!p0 $0xFFFFF000;
	s1 =	simm.s32 @!p0 $0x80  }
0x88: {  	[spmem:s2] =	stream.indirect.scatter.add.f32 @!p0 [tilespmem:s31], [sflag:$0x1], $0x20, s0, s1, $0xb8;
	[tilespmem:$0x1D200] =	vst v63  }
0x89: {  	s0 =	simm.s32 @!p0 $0x1  }
0x8a: {  	_ =	swait.ge @!p0 [sflag:s0], $0x1000  }
0x8b: {  	s29 =	sadd.s32 $0x1, s29;
	[sflag:s0] =	ssyncset.done @!p0 $0x0  }
0x8c: {  	p1 =	sne.s32 s29, s11;
	[sflag:s0] =	ssyncadd.s32 @!p0 $0xFFFFF000  }
.Ltmp1:
0x8d: {  	s31 =	simm.s32 $0x8;
	[bflag:$0x0] =	sbarrier.arrive $0xFFFF;
	(pc) =	sbr.rel @p1 .LBB2_1-.Ltmp1, $4  }
0x8e: {  	[hbm:s10@s31], [sflag:s5] =	dma.strided [spmem:s14@s28], $0x3200, s25, $0x4   }
0x8f: {  	_ =	swait.ge [sflag:s15], $0x3200  }
0x90: {  	[sflag:s15] =	ssyncset.done $0x0  }
0x91: {  	[sflag:s15] =	ssyncadd.s32 $0xFFFFCE00  }
0x92: {  	_ =	sfence.sel $0x180000  }
0x93: {  	[bflag:$0x0] =	sbarrier.arrive $0xFFFF  }
0x94: {  	_ =	strace $0x9000004A  }
0x95: {  	s0 =	stileid.u32;
	[bflag:$0x2] =	sbarrier.arrive $0xFFFF  }
0x96: {  	p0 =	sne.s32 s0, $0x0;
	s0 =	rddreg [dreg:$0x2]  }
0x97: {  	s0 =	sadd.s32 @!p0 $0x100000, s0  }
0x98: {  	[sflag:s0] =	ssyncadd.tile.s32 @!p0 $0x1;
	_ =	shalt  }
.Lfunc_end2:
_tile_overlayer_lowered:
.L_overlay_start_2:
0x99: {  	(tag) =	ssettag $0x2  }
0x9a: {  	s0 =	rddreg [dreg:$0x0];
	s2 =	stileid.u32  }
0x9b: {  	s1 =	rddreg [dreg:$0x1];
	p0 =	sne.s32 s2, $0x0  }
0x9c: {  	s3 =	rddreg [dreg:$0x2];
	[bflag:$0x3] =	sbarrier.arrive $0xFFFF;
	s2 =	simm.s32 @!p0 $0x1C02  }
0x9d: {  	[timem:s3], [sflag:s2] =	dma.local @!p0 [hbm:s0], s1  }
0x9e: {  	s0 =	simm.s32 @!p0 $0x2  }
0x9f: {  	_ =	swait.ge @!p0 [sflag:s0], s1  }
0xa0: {  	s1 =	ssub.s32 @!p0 $0x0, s1;
	[sflag:s0] =	ssyncset.done @!p0 $0x0  }
0xa1: {  	[sflag:s0] =	ssyncadd.s32 @!p0 s1  }
0xa2: {  	[bflag:$0x3] =	sbarrier.arrive $0xFFFF  }
0xa3: {  	_ =	shalt  }

// kernel: kernel.18.cloned.1.call-start
scs
__scs_entry_jumppad:
0x0: {  	(pc) =	sbr.rel $0x88, $3  }
0x1: {  	(tag) =	ssettag $0x0;
	lr =	simm.s32 $0x1  }
0x2: {  	[smem:$0x3F92] =	sst lr;
	_ =	strace $0xD0000000  }
0x3: {  	_ = 	snop  }
0x4: {  	_ = 	snop  }
0x5: {  	_ = 	snop  }
0x6: {  	_ = 	snop  }
0x7: {  	_ = 	snop  }
__scs_overlays_trampoline_lowered:
0x8: {  	[smem:$0x3FA1] =	sst s0  }
0x9: {  	[smem:$0x3FA2] =	sst s1  }
0xa: {  	[smem:$0x3FA3] =	sst s2  }
0xb: {  	[smem:$0x3FA4] =	sst s3  }
0xc: {  	[smem:$0x3FA5] =	sst s4  }
0xd: {  	[smem:$0x3FA6] =	sst s5  }
0xe: {  	[smem:$0x3FA7] =	sst s6  }
0xf: {  	[smem:$0x3FA8] =	sst s7  }
0x10: {  	[smem:$0x3FA9] =	sst s8  }
0x11: {  	[smem:$0x3FAA] =	sst s9;
	s0 =	simm.s32 @!p0 $0x0  }
0x12: {  	s1 =	sld [smem:$0x3F90];
	s0 =	simm.s32 @p0 $0x1  }
0x13: {  	[smem:$0x3FAB] =	sst s0;
	s0 =	simm.s32 @!p1 $0x0  }
0x14: {  	s2 =	sld [smem:$0x3F8F];
	s0 =	simm.s32 @p1 $0x1  }
0x15: {  	[smem:$0x3FAC] =	sst s0;
	s0 =	simm.s32 @!p2 $0x0  }
0x16: {  	s3 =	sld [smem:$0x3FDB];
	s0 =	simm.s32 @p2 $0x1  }
0x17: {  	s4 =	simm.s32 $0x1BF5;
	[smem:$0x3FAE] =	sst s0  }
0x18: {  	s0 =	sld [smem:$0x3F91];
	_ =	swait.ge [sflag:s4], $0x0  }
0x19: {  	s7 =	sld [smem:$0x3F92]  }
0x1a: {  	s8 =	sadd.s32 $0xFFFFE003, lr  }
0x1b: {  	s9 =	sadd.s32 $0xFFFFFEF7, lr;
	s5 =	simm.s32 $0xFFFFFFFF;
	p2 =	slt.u32 s8, $0xFFFFF086  }
0x1c: {  	p1 =	slt.u32 s9, $0xF7A;
	s5 =	simm.s32 @!p2 $0x0  }
0x1d: {  	s5 =	simm.s32 @p1 $0x1;
	p0 =	seq.s32 s7, s2  }
0x1e: {  	s7 =	smul.u32 @!p0 $0xF7A, s2;
	p2 =	seq.s32 @!p0 s5, $0x0  }
0x1f: {  	s9 =	smul.u32 $0xF7A, s1;
	s8 =	simm.s32 @!p0 $0x1BF5;
	p2 =	por !p2, p0  }
0x20: {  	[sflag:s8] =	ssyncset.s32 @!p0 $0xFFFFF086;
	s6 =	sadd.s32 @!p0 s3, s7;
	s7 =	simm.s32 @!p0 $0x108  }
0x21: {  	s3 =	sadd.s32 s3, s9;
	s6 =	sadd.s32 @!p0 $0x88, s6;
	s7 =	simm.s32 @p2 $0x1082  }
0x22: {  	[simem:s7], [sflag:s8] =	dma.local @!p0 [hbm:s6], $0xF7A  }
0x23: {  	s9 =	sor.u32 $0xD0000000, s2;
	s6 =	simm.s32 $0x108;
	_ =	swait.ge @!p0 [sflag:s8], $0x0  }
0x24: {  	s3 =	sadd.s32 $0x88, s3;
	s6 =	simm.s32 @!p1 $0x1082;
	[sflag:s4] =	ssyncset.s32 $0xFFFFF086  }
0x25: {  	[simem:s6], [sflag:s4] =	dma.local [hbm:s3], $0xF7A  }
0x26: {  	[smem:$0x3F92] =	sst s1;
	(tag) =	ssettag s2;
	_ =	strace s9  }
0x27: {  	s1 =	sld [smem:$0x3FA2]  }
0x28: {  	s2 =	sld [smem:$0x3FA3]  }
0x29: {  	s4 =	sld [smem:$0x3FA5]  }
0x2a: {  	p0 =	seq.s32 s5, $0x0;
	s5 =	sld [smem:$0x3FA6]  }
0x2b: {  	s6 =	sld [smem:$0x3FA7]  }
0x2c: {  	s7 =	sld [smem:$0x3FA8]  }
0x2d: {  	s3 =	simm.s32 $0x108;
	s8 =	sld [smem:$0x3FA9]  }
0x2e: {  	s3 =	simm.s32 @!p0 $0x1082;
	s9 =	sld [smem:$0x3FAA]  }
0x2f: {  	lr =	sadd.s32 s0, s3;
	s0 =	sld [smem:$0x3FA1]  }
0x30: {  	s3 =	sld [smem:$0x3FA4]  }
0x31: {  	[smem:$0x3FAD] =	sst s10  }
0x32: {  	s10 =	sld [smem:$0x3FAB];
	_ =	sdelay $0x3  }
0x33: {  	p0 =	seq.s32 s10, $0x1;
	s10 =	sld [smem:$0x3FAD];
	_ =	sdelay $0x3  }
0x34: {  	[smem:$0x3FAD] =	sst s10  }
0x35: {  	s10 =	sld [smem:$0x3FAC];
	_ =	sdelay $0x3  }
0x36: {  	p1 =	seq.s32 s10, $0x1;
	s10 =	sld [smem:$0x3FAD];
	_ =	sdelay $0x3  }
0x37: {  	[smem:$0x3FAD] =	sst s10  }
0x38: {  	s10 =	sld [smem:$0x3FAE]  }
0x39: {  	_ = 	snop;
	(pc) =	sbr.ind lr, $3  }
0x3a: {  	_ = 	snop  }
0x3b: {  	_ = 	snop  }
0x3c: {  	p2 =	seq.s32 s10, $0x1;
	s10 =	sld [smem:$0x3FAD]  }
0x3d: {  	_ =	shalt  }
0x3e: {  	_ =	shalt  }
0x3f: {  	_ =	shalt  }
0x40: {  	_ =	shalt  }
0x41: {  	_ =	shalt  }
0x42: {  	_ =	shalt  }
0x43: {  	_ =	shalt  }
0x44: {  	_ =	shalt  }
0x45: {  	_ =	shalt  }
0x46: {  	_ =	shalt  }
0x47: {  	_ =	shalt  }
0x48: {  	_ =	shalt  }
0x49: {  	_ =	shalt  }
0x4a: {  	_ =	shalt  }
0x4b: {  	_ =	shalt  }
0x4c: {  	_ =	shalt  }
0x4d: {  	_ =	shalt  }
0x4e: {  	_ =	shalt  }
0x4f: {  	_ =	shalt  }
0x50: {  	_ =	shalt  }
0x51: {  	_ =	shalt  }
0x52: {  	_ =	shalt  }
0x53: {  	_ =	shalt  }
0x54: {  	_ =	shalt  }
0x55: {  	_ =	shalt  }
0x56: {  	_ =	shalt  }
0x57: {  	_ =	shalt  }
0x58: {  	_ =	shalt  }
0x59: {  	_ =	shalt  }
0x5a: {  	_ =	shalt  }
0x5b: {  	_ =	shalt  }
0x5c: {  	_ =	shalt  }
0x5d: {  	_ =	shalt  }
0x5e: {  	_ =	shalt  }
0x5f: {  	_ =	shalt  }
0x60: {  	_ =	shalt  }
0x61: {  	_ =	shalt  }
0x62: {  	_ =	shalt  }
0x63: {  	_ =	shalt  }
0x64: {  	_ =	shalt  }
0x65: {  	_ =	shalt  }
0x66: {  	_ =	shalt  }
0x67: {  	_ =	shalt  }
0x68: {  	_ =	shalt  }
0x69: {  	_ =	shalt  }
0x6a: {  	_ =	shalt  }
0x6b: {  	_ =	shalt  }
0x6c: {  	_ =	shalt  }
0x6d: {  	_ =	shalt  }
0x6e: {  	_ =	shalt  }
0x6f: {  	_ =	shalt  }
0x70: {  	_ =	shalt  }
0x71: {  	_ =	shalt  }
0x72: {  	_ =	shalt  }
0x73: {  	_ =	shalt  }
0x74: {  	_ =	shalt  }
0x75: {  	_ =	shalt  }
0x76: {  	_ =	shalt  }
0x77: {  	_ =	shalt  }
0x78: {  	_ =	shalt  }
0x79: {  	_ =	shalt  }
0x7a: {  	_ =	shalt  }
0x7b: {  	_ =	shalt  }
0x7c: {  	_ =	shalt  }
0x7d: {  	_ =	shalt  }
0x7e: {  	_ =	shalt  }
0x7f: {  	_ =	shalt  }
0x80: {  	_ =	shalt  }
0x81: {  	_ =	shalt  }
0x82: {  	_ =	shalt  }
0x83: {  	_ =	shalt  }
0x84: {  	_ =	shalt  }
0x85: {  	_ =	shalt  }
0x86: {  	_ =	shalt  }
0x87: {  	_ =	shalt  }
.Lfunc_end0:
.L_simem_size_0:
called_computation.2_lowered:
.L_overlay_start_0:
0x88: {  	s2 =	sld [smem:$0x3FD9]  }
0x89: {  	s3 =	sld [smem:$0x3FFE];
	_ =	sdelay $0x1  }
0x8a: {  	s1 =	srdreg.scid  }
0x8b: {  	s0 =	sand.u32 $0x1, s1  }
0x8c: {  	s16 =	sshll.u32 s0, $0xA;
	s2 =	sadd.s32 s3, s2  }
0x8d: {  	s2 =	sadd.s32 s2, s16  }
0x8e: {  	[smem:$0x3FB9] =	sst s2  }
0x8f: {  	_ = 	snop  }
0x90: {  	(tm) =	ssettm $0x1  }
0x91: {  	s17 =	sld [smem:$0x3FFB];
	_ =	sdelay $0x3  }
0x92: {  	_ =	strace s17  }
0x93: {  	s2 =	sld [smem:$0x3FFC];
	_ =	sdelay $0x3  }
0x94: {  	_ =	strace s2  }
0x95: {  	s2 =	sld [smem:$0x3FFD];
	_ =	sdelay $0x3  }
0x96: {  	_ =	strace s2  }
0x97: {  	_ =	strace $0x8FFFFFFF  }
0x98: {  	s18 =	sld [smem:$0x3FDB];
	_ =	sdelay $0x1  }
0x99: {  	s19 =	simm.s32 $_scs_section_size  }
0x9a: {  	s4 =	simm.s32 $_size__tile_overlayer_lowered;
	s5 =	simm.s32 $_tile_overlayer_lowered  }
0x9b: {  	s22 =	simm.s32 $0x1BFF;
	s21 =	sshll.u32 s5, $0x1;
	s2 =	sadd.s32 s19, s18  }
0x9c: {  	s6 =	simm.s32 $0x0;
	s20 =	sshll.u32 s4, $0x1;
	s4 =	sadd.s32 s21, s2  }
0x9d: {  	[timem:s6], [sflag:s22] =	dma.local [hbm:s4], s20  }
0x9e: {  	_ =	swait.ge [sflag:s22], s20  }
0x9f: {  	s3 =	ssub.s32 $0x0, s20;
	[sflag:s22] =	ssyncset.done $0x0  }
0xa0: {  	[sflag:s22] =	ssyncadd.s32 s3;
	_ =	sdelay $0x1  }
0xa1: {  	s23 =	simm.s32 $0x1B8B  }
0xa2: {  	_ =	swait.ge [sflag:s23], $0x1  }
0xa3: {  	[sflag:s23] =	ssyncset.done $0x0  }
0xa4: {  	s25 =	simm.s32 $0x1B8E;
	s24 =	sld [smem:$0x3FFE];
	[sflag:s23] =	ssyncadd.s32 $0xFFFFFFFF  }
0xa5: {  	s26 =	simm.s32 $execute0_lowered;
	[smem:$0x3FD2] =	sst s25  }
0xa6: {  	s4 =	sshll.u32 s26, $0x1;
	_ =	strace $0x8000004C;
	[dreg:$0x1] =	wrdreg $0xFFFFFFFF  }
0xa7: {  	s28 =	simm.s32 $_size_execute0_lowered;
	s2 =	sadd.s32 s2, s4;
	[dreg:$0x0] =	wrdreg $0x0  }
0xa8: {  	s4 =	sshll.u32 s28, $0x1;
	[dreg:$0x2] =	wrdreg s2  }
0xa9: {  	[dreg:$0x3] =	wrdreg s4  }
0xaa: {  	[dreg:$0x4] =	wrdreg $0xC0  }
0xab: {  	_ =	task [dreg:s6], $0x5FFFF  }
0xac: {  	[dreg:$0x1] =	wrdreg $0xFFFFFFFF  }
0xad: {  	[dreg:$0x0] =	wrdreg $0x60  }
0xae: {  	[dreg:$0x2] =	wrdreg s24  }
0xaf: {  	[dreg:$0x3] =	wrdreg $0x9  }
0xb0: {  	_ =	task.clear_ibuf [dreg:s6], $0x4FFFF;
	_ =	strace $0x9000004C  }
0xb1: {  	s29 =	simm.s32 $0x9;
	_ =	strace $0x8000004E  }
0xb2: {  	_ =	swait.ge [sflag:s29], $0x1  }
0xb3: {  	[sflag:s29] =	ssyncadd.s32 $0xFFFFFFFF  }
0xb4: {  	_ =	strace $0x9000004E  }
0xb5: {  	_ =	sfence  }
0xb6: {  	s30 =	sld [smem:$0x0];
	_ =	sdelay $0x2  }
0xb7: {  	s31 =	sshll.u32 s1, $0xD;
	s1 =	sshrl.u32 s1, $0x2  }
0xb8: {  	s3 =	sand.u32 $0x4000, s31;
	s1 =	sadd.s32 s1, s30  }
0xb9: {  	s0 =	sor.u32 s3, s0;
	s1 =	sshll.u32 s1, $0x11  }
0xba: {  	s0 =	sor.u32 s1, s0  }
0xbb: {  	s0 =	sadd.s32 $0x8F2B, s0  }
0xbc: {  	[sflag:s0] =	ssyncadd.remote.s32 $0x1  }
0xbd: {  	_ =	sfence.sel $0xFFFF  }
0xbe: {  	[dreg:$0x0] =	wrdreg $0xFFFFFFFF;
	(pc) =	sbr.abs _section_cstart, $3  }
0xbf: {  	[dreg:$0x1] =	wrdreg $0xFFFFFFFF  }
0xc0: {  	_ =	task.clear_ibuf [dreg:s6], $0x2FFFF;
	_ =	strace $0x9FFFFFFF  }
0xc1: {  	(tm) =	ssettm $0x7FFFFFFF  }
tec
execute0_lowered:
.L_overlay_start_1:
0x0: {  	(tag) =	ssettag $0x1  }
0x1: {  	s1 =	srdreg.scid  }
0x2: {  	s0 =	stileid.u32;
	s4 =	rddreg [dreg:$0x0]  }
0x3: {  	s2 =	simm.s32 $0x0;
	s10 =	simm.s32 $0x8200;
	s11 =	simm.s32 $0xA200  }
0x4: {  	s12 =	simm.s32 $0xC200;
	s5 =	sand.u32 $0x1, s1;
	s3 =	sshll.u32 s0, $0x1  }
0x5: {  	s13 =	simm.s32 $0x1;
	s1 =	rddreg [dreg:$0x1];
	s3 =	sor.u32 s5, s3  }
0x6: {  	s14 =	simm.s32 $0x0;
	[smem:$0x7FF] =	sst s2;
	s6 =	smul.u32 $0xC3, s3  }
0x7: {  	s8 =	smul.u32 $0x61800, s0;
	_ =	strace $0x8000004D;
	s7 =	smin.u32 s3, $0xA  }
0x8: {  	s9 =	ssub.s32 $0x2, s5;
	s5 =	smul.u32 $0x30C00, s5;
	s6 =	sadd.s32 s7, s6  }
0x9: {  	s3 =	sadd.s32 $0x227A00, s4;
	s29 =	sshrl.u32 s9, $0x1;
	s6 =	sshll.u32 s6, $0x4  }
0xa: {  	s7 =	sshll.u32 s7, $0xA;
	s6 =	sadd.s32 s6, s4;
	s4 =	sadd.s32 s8, s4  }
0xb: {  	s8 =	ssub.s32 s9, s29;
	s9 =	simm.s32 $0x6200;
	s30 =	sadd.s32 s5, s4  }
0xc: {  	s4 =	sadd.s32 $0x20F200, s6;
	s5 =	smax.u32 s8, $0x1;
	s31 =	sadd.s32 s7, s30  }
0xd: {  	s8 =	simm.s32 $0x80;
	s7 =	simm.s32 $0x2;
	s6 =	sadd.s32 $0x3934200, s31  }
.LBB2_1:
0xe: {  	[tilespmem:s2], [sflag:$0x2] =	stream.linear.gather [hbm4b:s4+s2], $0x6200, $0x38;
	[tilespmem:$0xE200] =	vst v63  }
0xf: {  	_ =	swait.ge [sflag:s7], $0x6200  }
0x10: {  	[sflag:s7] =	ssyncset.done $0x0  }
0x11: {  	s15 =	simm.s32 $0x0;
	[sflag:s7] =	ssyncadd.s32 $0xFFFF9E00  }
0x12: {  	[tilespmem:s9], [sflag:$0x1] =	stream.indirect.gather [hbm4b:s3+s8], $0x40, s15, s8, $0xb8;
	[tilespmem:$0xE200] =	vst v63  }
0x13: {  	s28 =	simm.s32 $0x80  }
0x14: {  	[tilespmem:s10], [sflag:$0x1] =	stream.indirect.gather [hbm4b:s3+s8], $0x40, s28, s8, $0xb8;
	[tilespmem:$0xE200] =	vst v63  }
0x15: {  	s29 =	simm.s32 $0x100  }
0x16: {  	[tilespmem:s11], [sflag:$0x1] =	stream.indirect.gather [hbm4b:s3+s8], $0x40, s29, s8, $0xb8;
	[tilespmem:$0xE200] =	vst v63  }
0x17: {  	s30 =	simm.s32 $0x180  }
0x18: {  	[tilespmem:s12], [sflag:$0x1] =	stream.indirect.gather [hbm4b:s3+s8], $0x40, s30, s8, $0xb8;
	[tilespmem:$0xE200] =	vst v63  }
0x19: {  	_ =	swait.ge [sflag:s13], $0x2000  }
0x1a: {  	[sflag:s13] =	ssyncset.done $0x0  }
0x1b: {  	[sflag:s13] =	ssyncadd.s32 $0xFFFFE000  }
0x1c: {  	_ =	swait.ge [sflag:s13], $0x2000  }
0x1d: {  	[sflag:s13] =	ssyncset.done $0x0  }
0x1e: {  	[sflag:s13] =	ssyncadd.s32 $0xFFFFE000  }
0x1f: {  	_ =	swait.ge [sflag:s13], $0x2000  }
0x20: {  	[sflag:s13] =	ssyncset.done $0x0  }
0x21: {  	[sflag:s13] =	ssyncadd.s32 $0xFFFFE000  }
0x22: {  	_ =	swait.ge [sflag:s13], $0x2000  }
0x23: {  	[sflag:s13] =	ssyncset.done $0x0  }
0x24: {  	s31 =	sadd.s32 $0x0, s6;
	[sflag:s13] =	ssyncadd.s32 $0xFFFFE000  }
0x25: {  	[hbm4b:s31+s2] =	stream.linear.scatter [tilespmem:s9], [sflag:$0x2], $0x8000, $0x38;
	[tilespmem:$0xE200] =	vst v63  }
0x26: {  	s17 =	simm.s32 $0x2000;
	_ =	swait.ge [sflag:s7], $0x8000  }
0x27: {  	s16 =	simm.s32 $0x380;
	s15 =	simm.s32 $0x1000;
	[sflag:s7] =	ssyncset.done $0x0  }
.LBB2_2:
0x28: {  	p0 =	sne.s32 s17, $0x30000;
	s18 =	sadd.s32 $0xFFFFFE80, s16;
	[sflag:s7] =	ssyncadd.s32 $0xFFFF8000  }
0x29: {  	[tilespmem:s9], [sflag:$0x1] =	stream.indirect.gather [hbm4b:s3+s8], $0x40, s18, s8, $0xb8;
	[tilespmem:$0xE200] =	vst v63  }
0x2a: {  	s19 =	smov.u32 s17;
	s17 =	sadd.s32 $0x1000, s17;
	s18 =	sadd.s32 $0xFFFFFF00, s16  }
0x2b: {  	[tilespmem:s10], [sflag:$0x1] =	stream.indirect.gather [hbm4b:s3+s8], $0x40, s18, s8, $0xb8;
	[tilespmem:$0xE200] =	vst v63  }
0x2c: {  	s18 =	sadd.s32 $0xFFFFFF80, s16  }
0x2d: {  	[tilespmem:s11], [sflag:$0x1] =	stream.indirect.gather [hbm4b:s3+s8], $0x40, s18, s8, $0xb8;
	[tilespmem:$0xE200] =	vst v63  }
0x2e: {  	_ = 	snop  }
0x2f: {  	[tilespmem:s12], [sflag:$0x1] =	stream.indirect.gather [hbm4b:s3+s8], $0x40, s16, s8, $0xb8;
	[tilespmem:$0xE200] =	vst v63  }
0x30: {  	_ =	swait.ge [sflag:s13], $0x2000  }
0x31: {  	[sflag:s13] =	ssyncset.done $0x0  }
0x32: {  	[sflag:s13] =	ssyncadd.s32 $0xFFFFE000  }
0x33: {  	_ =	swait.ge [sflag:s13], $0x2000  }
0x34: {  	[sflag:s13] =	ssyncset.done $0x0  }
0x35: {  	[sflag:s13] =	ssyncadd.s32 $0xFFFFE000  }
0x36: {  	_ =	swait.ge [sflag:s13], $0x2000  }
0x37: {  	[sflag:s13] =	ssyncset.done $0x0  }
0x38: {  	[sflag:s13] =	ssyncadd.s32 $0xFFFFE000  }
0x39: {  	_ =	swait.ge [sflag:s13], $0x2000  }
.Ltmp0:
0x3a: {  	[sflag:s13] =	ssyncset.done $0x0;
	(pc) =	sbr.rel @p0 .LBB2_2-.Ltmp0, $4  }
0x3b: {  	s18 =	sadd.s32 s15, s6;
	s15 =	smov.u32 s19;
	[sflag:s13] =	ssyncadd.s32 $0xFFFFE000  }
0x3c: {  	[hbm4b:s18+s2] =	stream.linear.scatter [tilespmem:s9], [sflag:$0x2], $0x8000, $0x38;
	[tilespmem:$0xE200] =	vst v63  }
0x3d: {  	_ =	swait.ge [sflag:s7], $0x8000  }
0x3e: {  	s16 =	sadd.s32 $0x200, s16;
	[sflag:s7] =	ssyncset.done $0x0  }
0x3f: {  	s17 =	sadd.s32 $0xFFFFFE80, s16;
	[sflag:s7] =	ssyncadd.s32 $0xFFFF8000  }
0x40: {  	[tilespmem:s9], [sflag:$0x1] =	stream.indirect.gather [hbm4b:s3+s8], $0x40, s17, s8, $0xb8;
	[tilespmem:$0xE200] =	vst v63  }
0x41: {  	s30 =	sadd.s32 $0xFFFFFF00, s16  }
0x42: {  	[tilespmem:s10], [sflag:$0x1] =	stream.indirect.gather [hbm4b:s3+s8], $0x40, s30, s8, $0xb8;
	[tilespmem:$0xE200] =	vst v63  }
0x43: {  	s31 =	sadd.s32 $0xFFFFFF80, s16  }
0x44: {  	[tilespmem:s11], [sflag:$0x1] =	stream.indirect.gather [hbm4b:s3+s8], $0x40, s31, s8, $0xb8;
	[tilespmem:$0xE200] =	vst v63  }
0x45: {  	_ = 	snop  }
0x46: {  	[tilespmem:s12], [sflag:$0x1] =	stream.indirect.gather [hbm4b:s3+s8], $0x40, s16, s8, $0xb8;
	[tilespmem:$0xE200] =	vst v63  }
0x47: {  	_ =	swait.ge [sflag:s13], $0x2000  }
0x48: {  	[sflag:s13] =	ssyncset.done $0x0  }
0x49: {  	[sflag:s13] =	ssyncadd.s32 $0xFFFFE000  }
0x4a: {  	_ =	swait.ge [sflag:s13], $0x2000  }
0x4b: {  	[sflag:s13] =	ssyncset.done $0x0  }
0x4c: {  	[sflag:s13] =	ssyncadd.s32 $0xFFFFE000  }
0x4d: {  	_ =	swait.ge [sflag:s13], $0x2000  }
0x4e: {  	[sflag:s13] =	ssyncset.done $0x0  }
0x4f: {  	[sflag:s13] =	ssyncadd.s32 $0xFFFFE000  }
0x50: {  	s14 =	sadd.s32 $0x1, s14;
	_ =	swait.ge [sflag:s13], $0x2000  }
0x51: {  	p0 =	sne.s32 s14, s5;
	[sflag:s13] =	ssyncset.done $0x0  }
.Ltmp1:
0x52: {  	s15 =	sadd.s32 s15, s6;
	[sflag:s13] =	ssyncadd.s32 $0xFFFFE000;
	(pc) =	sbr.rel @p0 .LBB2_1-.Ltmp1, $4  }
0x53: {  	[hbm4b:s15+s2] =	stream.linear.scatter [tilespmem:s9], [sflag:$0x2], $0x8000, $0x38;
	[tilespmem:$0xE200] =	vst v63  }
0x54: {  	_ =	swait.ge [sflag:s7], $0x8000  }
0x55: {  	[sflag:s7] =	ssyncset.done $0x0  }
0x56: {  	[sflag:s7] =	ssyncadd.s32 $0xFFFF8000  }
0x57: {  	_ =	sfence.sel $0x180000  }
0x58: {  	[bflag:$0x0] =	sbarrier.arrive $0xFFFF  }
0x59: {  	p0 =	sne.s32 s0, $0x0;
	_ =	strace $0x9000004D  }
0x5a: {  	s0 =	sadd.s32 @!p0 $0x100000, s1;
	[bflag:$0x2] =	sbarrier.arrive $0xFFFF  }
0x5b: {  	[sflag:s0] =	ssyncadd.tile.s32 @!p0 $0x1;
	_ =	shalt  }
.Lfunc_end2:
_tile_overlayer_lowered:
.L_overlay_start_2:
0x5c: {  	(tag) =	ssettag $0x2  }
0x5d: {  	s0 =	rddreg [dreg:$0x0];
	s2 =	stileid.u32  }
0x5e: {  	s1 =	rddreg [dreg:$0x1];
	p0 =	sne.s32 s2, $0x0  }
0x5f: {  	s3 =	rddreg [dreg:$0x2];
	[bflag:$0x3] =	sbarrier.arrive $0xFFFF;
	s2 =	simm.s32 @!p0 $0x1C02  }
0x60: {  	[timem:s3], [sflag:s2] =	dma.local @!p0 [hbm:s0], s1  }
0x61: {  	s0 =	simm.s32 @!p0 $0x2  }
0x62: {  	_ =	swait.ge @!p0 [sflag:s0], s1  }
0x63: {  	s1 =	ssub.s32 @!p0 $0x0, s1;
	[sflag:s0] =	ssyncset.done @!p0 $0x0  }
0x64: {  	[sflag:s0] =	ssyncadd.s32 @!p0 s1  }
0x65: {  	[bflag:$0x3] =	sbarrier.arrive $0xFFFF  }
0x66: {  	_ =	shalt  }

// kernel: kernel.21.cloned.1.call-start
scs
__scs_entry_jumppad:
0x0: {  	(pc) =	sbr.rel $0x88, $3  }
0x1: {  	(tag) =	ssettag $0x0;
	lr =	simm.s32 $0x1  }
0x2: {  	[smem:$0x3F92] =	sst lr;
	_ =	strace $0xD0000000  }
0x3: {  	_ = 	snop  }
0x4: {  	_ = 	snop  }
0x5: {  	_ = 	snop  }
0x6: {  	_ = 	snop  }
0x7: {  	_ = 	snop  }
__scs_overlays_trampoline_lowered:
0x8: {  	[smem:$0x3FA1] =	sst s0  }
0x9: {  	[smem:$0x3FA2] =	sst s1  }
0xa: {  	[smem:$0x3FA3] =	sst s2  }
0xb: {  	[smem:$0x3FA4] =	sst s3  }
0xc: {  	[smem:$0x3FA5] =	sst s4  }
0xd: {  	[smem:$0x3FA6] =	sst s5  }
0xe: {  	[smem:$0x3FA7] =	sst s6  }
0xf: {  	[smem:$0x3FA8] =	sst s7  }
0x10: {  	[smem:$0x3FA9] =	sst s8  }
0x11: {  	[smem:$0x3FAA] =	sst s9;
	s0 =	simm.s32 @!p0 $0x0  }
0x12: {  	s1 =	sld [smem:$0x3F90];
	s0 =	simm.s32 @p0 $0x1  }
0x13: {  	[smem:$0x3FAB] =	sst s0;
	s0 =	simm.s32 @!p1 $0x0  }
0x14: {  	s2 =	sld [smem:$0x3F8F];
	s0 =	simm.s32 @p1 $0x1  }
0x15: {  	[smem:$0x3FAC] =	sst s0;
	s0 =	simm.s32 @!p2 $0x0  }
0x16: {  	s3 =	sld [smem:$0x3FDB];
	s0 =	simm.s32 @p2 $0x1  }
0x17: {  	s4 =	simm.s32 $0x1BF5;
	[smem:$0x3FAE] =	sst s0  }
0x18: {  	s0 =	sld [smem:$0x3F91];
	_ =	swait.ge [sflag:s4], $0x0  }
0x19: {  	s7 =	sld [smem:$0x3F92]  }
0x1a: {  	s8 =	sadd.s32 $0xFFFFE003, lr  }
0x1b: {  	s9 =	sadd.s32 $0xFFFFFEF7, lr;
	s5 =	simm.s32 $0xFFFFFFFF;
	p2 =	slt.u32 s8, $0xFFFFF086  }
0x1c: {  	p1 =	slt.u32 s9, $0xF7A;
	s5 =	simm.s32 @!p2 $0x0  }
0x1d: {  	s5 =	simm.s32 @p1 $0x1;
	p0 =	seq.s32 s7, s2  }
0x1e: {  	s7 =	smul.u32 @!p0 $0xF7A, s2;
	p2 =	seq.s32 @!p0 s5, $0x0  }
0x1f: {  	s9 =	smul.u32 $0xF7A, s1;
	s8 =	simm.s32 @!p0 $0x1BF5;
	p2 =	por !p2, p0  }
0x20: {  	[sflag:s8] =	ssyncset.s32 @!p0 $0xFFFFF086;
	s6 =	sadd.s32 @!p0 s3, s7;
	s7 =	simm.s32 @!p0 $0x108  }
0x21: {  	s3 =	sadd.s32 s3, s9;
	s6 =	sadd.s32 @!p0 $0x88, s6;
	s7 =	simm.s32 @p2 $0x1082  }
0x22: {  	[simem:s7], [sflag:s8] =	dma.local @!p0 [hbm:s6], $0xF7A  }
0x23: {  	s9 =	sor.u32 $0xD0000000, s2;
	s6 =	simm.s32 $0x108;
	_ =	swait.ge @!p0 [sflag:s8], $0x0  }
0x24: {  	s3 =	sadd.s32 $0x88, s3;
	s6 =	simm.s32 @!p1 $0x1082;
	[sflag:s4] =	ssyncset.s32 $0xFFFFF086  }
0x25: {  	[simem:s6], [sflag:s4] =	dma.local [hbm:s3], $0xF7A  }
0x26: {  	[smem:$0x3F92] =	sst s1;
	(tag) =	ssettag s2;
	_ =	strace s9  }
0x27: {  	s1 =	sld [smem:$0x3FA2]  }
0x28: {  	s2 =	sld [smem:$0x3FA3]  }
0x29: {  	s4 =	sld [smem:$0x3FA5]  }
0x2a: {  	p0 =	seq.s32 s5, $0x0;
	s5 =	sld [smem:$0x3FA6]  }
0x2b: {  	s6 =	sld [smem:$0x3FA7]  }
0x2c: {  	s7 =	sld [smem:$0x3FA8]  }
0x2d: {  	s3 =	simm.s32 $0x108;
	s8 =	sld [smem:$0x3FA9]  }
0x2e: {  	s3 =	simm.s32 @!p0 $0x1082;
	s9 =	sld [smem:$0x3FAA]  }
0x2f: {  	lr =	sadd.s32 s0, s3;
	s0 =	sld [smem:$0x3FA1]  }
0x30: {  	s3 =	sld [smem:$0x3FA4]  }
0x31: {  	[smem:$0x3FAD] =	sst s10  }
0x32: {  	s10 =	sld [smem:$0x3FAB];
	_ =	sdelay $0x3  }
0x33: {  	p0 =	seq.s32 s10, $0x1;
	s10 =	sld [smem:$0x3FAD];
	_ =	sdelay $0x3  }
0x34: {  	[smem:$0x3FAD] =	sst s10  }
0x35: {  	s10 =	sld [smem:$0x3FAC];
	_ =	sdelay $0x3  }
0x36: {  	p1 =	seq.s32 s10, $0x1;
	s10 =	sld [smem:$0x3FAD];
	_ =	sdelay $0x3  }
0x37: {  	[smem:$0x3FAD] =	sst s10  }
0x38: {  	s10 =	sld [smem:$0x3FAE]  }
0x39: {  	_ = 	snop;
	(pc) =	sbr.ind lr, $3  }
0x3a: {  	_ = 	snop  }
0x3b: {  	_ = 	snop  }
0x3c: {  	p2 =	seq.s32 s10, $0x1;
	s10 =	sld [smem:$0x3FAD]  }
0x3d: {  	_ =	shalt  }
0x3e: {  	_ =	shalt  }
0x3f: {  	_ =	shalt  }
0x40: {  	_ =	shalt  }
0x41: {  	_ =	shalt  }
0x42: {  	_ =	shalt  }
0x43: {  	_ =	shalt  }
0x44: {  	_ =	shalt  }
0x45: {  	_ =	shalt  }
0x46: {  	_ =	shalt  }
0x47: {  	_ =	shalt  }
0x48: {  	_ =	shalt  }
0x49: {  	_ =	shalt  }
0x4a: {  	_ =	shalt  }
0x4b: {  	_ =	shalt  }
0x4c: {  	_ =	shalt  }
0x4d: {  	_ =	shalt  }
0x4e: {  	_ =	shalt  }
0x4f: {  	_ =	shalt  }
0x50: {  	_ =	shalt  }
0x51: {  	_ =	shalt  }
0x52: {  	_ =	shalt  }
0x53: {  	_ =	shalt  }
0x54: {  	_ =	shalt  }
0x55: {  	_ =	shalt  }
0x56: {  	_ =	shalt  }
0x57: {  	_ =	shalt  }
0x58: {  	_ =	shalt  }
0x59: {  	_ =	shalt  }
0x5a: {  	_ =	shalt  }
0x5b: {  	_ =	shalt  }
0x5c: {  	_ =	shalt  }
0x5d: {  	_ =	shalt  }
0x5e: {  	_ =	shalt  }
0x5f: {  	_ =	shalt  }
0x60: {  	_ =	shalt  }
0x61: {  	_ =	shalt  }
0x62: {  	_ =	shalt  }
0x63: {  	_ =	shalt  }
0x64: {  	_ =	shalt  }
0x65: {  	_ =	shalt  }
0x66: {  	_ =	shalt  }
0x67: {  	_ =	shalt  }
0x68: {  	_ =	shalt  }
0x69: {  	_ =	shalt  }
0x6a: {  	_ =	shalt  }
0x6b: {  	_ =	shalt  }
0x6c: {  	_ =	shalt  }
0x6d: {  	_ =	shalt  }
0x6e: {  	_ =	shalt  }
0x6f: {  	_ =	shalt  }
0x70: {  	_ =	shalt  }
0x71: {  	_ =	shalt  }
0x72: {  	_ =	shalt  }
0x73: {  	_ =	shalt  }
0x74: {  	_ =	shalt  }
0x75: {  	_ =	shalt  }
0x76: {  	_ =	shalt  }
0x77: {  	_ =	shalt  }
0x78: {  	_ =	shalt  }
0x79: {  	_ =	shalt  }
0x7a: {  	_ =	shalt  }
0x7b: {  	_ =	shalt  }
0x7c: {  	_ =	shalt  }
0x7d: {  	_ =	shalt  }
0x7e: {  	_ =	shalt  }
0x7f: {  	_ =	shalt  }
0x80: {  	_ =	shalt  }
0x81: {  	_ =	shalt  }
0x82: {  	_ =	shalt  }
0x83: {  	_ =	shalt  }
0x84: {  	_ =	shalt  }
0x85: {  	_ =	shalt  }
0x86: {  	_ =	shalt  }
0x87: {  	_ =	shalt  }
.Lfunc_end0:
.L_simem_size_0:
called_computation.3_lowered:
.L_overlay_start_0:
0x88: {  	s2 =	sld [smem:$0x3FD9]  }
0x89: {  	s3 =	sld [smem:$0x3FFE];
	_ =	sdelay $0x1  }
0x8a: {  	s1 =	srdreg.scid  }
0x8b: {  	s0 =	sand.u32 $0x1, s1  }
0x8c: {  	s16 =	sshll.u32 s0, $0xA;
	s2 =	sadd.s32 s3, s2  }
0x8d: {  	s2 =	sadd.s32 s2, s16  }
0x8e: {  	[smem:$0x3FB9] =	sst s2  }
0x8f: {  	_ = 	snop  }
0x90: {  	(tm) =	ssettm $0x1  }
0x91: {  	s17 =	sld [smem:$0x3FFB];
	_ =	sdelay $0x3  }
0x92: {  	_ =	strace s17  }
0x93: {  	s2 =	sld [smem:$0x3FFC];
	_ =	sdelay $0x3  }
0x94: {  	_ =	strace s2  }
0x95: {  	s2 =	sld [smem:$0x3FFD];
	_ =	sdelay $0x3  }
0x96: {  	_ =	strace s2  }
0x97: {  	_ =	strace $0x8FFFFFFF  }
0x98: {  	s18 =	sld [smem:$0x3FDB];
	_ =	sdelay $0x1  }
0x99: {  	s19 =	simm.s32 $_scs_section_size  }
0x9a: {  	s4 =	simm.s32 $_size__tile_overlayer_lowered;
	s5 =	simm.s32 $_tile_overlayer_lowered  }
0x9b: {  	s22 =	simm.s32 $0x1BFF;
	s21 =	sshll.u32 s5, $0x1;
	s2 =	sadd.s32 s19, s18  }
0x9c: {  	s6 =	simm.s32 $0x0;
	s20 =	sshll.u32 s4, $0x1;
	s4 =	sadd.s32 s21, s2  }
0x9d: {  	[timem:s6], [sflag:s22] =	dma.local [hbm:s4], s20  }
0x9e: {  	_ =	swait.ge [sflag:s22], s20  }
0x9f: {  	s3 =	ssub.s32 $0x0, s20;
	[sflag:s22] =	ssyncset.done $0x0  }
0xa0: {  	[sflag:s22] =	ssyncadd.s32 s3;
	_ =	sdelay $0x1  }
0xa1: {  	s23 =	simm.s32 $0x1B8B  }
0xa2: {  	_ =	swait.ge [sflag:s23], $0x1  }
0xa3: {  	[sflag:s23] =	ssyncset.done $0x0  }
0xa4: {  	s25 =	simm.s32 $0x1B8E;
	s24 =	sld [smem:$0x3FFE];
	[sflag:s23] =	ssyncadd.s32 $0xFFFFFFFF  }
0xa5: {  	s26 =	simm.s32 $execute0_lowered;
	[smem:$0x3FD2] =	sst s25  }
0xa6: {  	s4 =	sshll.u32 s26, $0x1;
	_ =	strace $0x8000004F;
	[dreg:$0x1] =	wrdreg $0xFFFFFFFF  }
0xa7: {  	s28 =	simm.s32 $_size_execute0_lowered;
	s2 =	sadd.s32 s2, s4;
	[dreg:$0x0] =	wrdreg $0x0  }
0xa8: {  	s4 =	sshll.u32 s28, $0x1;
	[dreg:$0x2] =	wrdreg s2  }
0xa9: {  	[dreg:$0x3] =	wrdreg s4  }
0xaa: {  	[dreg:$0x4] =	wrdreg $0xC0  }
0xab: {  	_ =	task [dreg:s6], $0x5FFFF  }
0xac: {  	[dreg:$0x1] =	wrdreg $0xFFFFFFFF  }
0xad: {  	[dreg:$0x0] =	wrdreg $0x60  }
0xae: {  	[dreg:$0x2] =	wrdreg s24  }
0xaf: {  	[dreg:$0x3] =	wrdreg $0x42000  }
0xb0: {  	[dreg:$0x4] =	wrdreg $0x9  }
0xb1: {  	_ =	task.clear_ibuf [dreg:s6], $0x5FFFF;
	_ =	strace $0x9000004F  }
0xb2: {  	s29 =	simm.s32 $0x9;
	_ =	strace $0x80000051  }
0xb3: {  	_ =	swait.ge [sflag:s29], $0x1  }
0xb4: {  	[sflag:s29] =	ssyncadd.s32 $0xFFFFFFFF  }
0xb5: {  	_ =	strace $0x90000051  }
0xb6: {  	_ =	sfence  }
0xb7: {  	s30 =	sld [smem:$0x0];
	_ =	sdelay $0x2  }
0xb8: {  	s31 =	sshll.u32 s1, $0xD;
	s1 =	sshrl.u32 s1, $0x2  }
0xb9: {  	s3 =	sand.u32 $0x4000, s31;
	s1 =	sadd.s32 s1, s30  }
0xba: {  	s0 =	sor.u32 s3, s0;
	s1 =	sshll.u32 s1, $0x11  }
0xbb: {  	s0 =	sor.u32 s1, s0  }
0xbc: {  	s0 =	sadd.s32 $0x8F2B, s0  }
0xbd: {  	[sflag:s0] =	ssyncadd.remote.s32 $0x1  }
0xbe: {  	_ =	sfence.sel $0xFFFF  }
0xbf: {  	[dreg:$0x0] =	wrdreg $0xFFFFFFFF;
	(pc) =	sbr.abs _section_cstart, $3  }
0xc0: {  	[dreg:$0x1] =	wrdreg $0xFFFFFFFF  }
0xc1: {  	_ =	task.clear_ibuf [dreg:s6], $0x2FFFF;
	_ =	strace $0x9FFFFFFF  }
0xc2: {  	(tm) =	ssettm $0x7FFFFFFF  }
0xc3: {  	_ =	shalt  }
tec
execute0_lowered:
.L_overlay_start_1:
0x0: {  	(tag) =	ssettag $0x1  }
0x1: {  	s0 =	rddreg [dreg:$0x0]  }
0x2: {  	s2 =	rddreg [dreg:$0x1];
	s3 =	simm.s32 $0x0;
	s4 =	srdreg.scid  }
0x3: {  	s1 =	stileid.u32;
	s19 =	simm.s32 $0x80;
	s28 =	simm.s32 $0x4  }
0x4: {  	s29 =	simm.s32 $0x0;
	s20 =	smul.u32 $0x32000, s1;
	s12 =	sadd.s32 $0x845400, s0  }
0x5: {  	[smem:$0x7FF] =	sst s3;
	s13 =	sadd.s32 $0x1F6A00, s0;
	s7 =	smul.u32 $0x186, s1  }
0x6: {  	s5 =	sand.u32 $0x1, s4;
	s4 =	sadd.s32 $0x842200, s0;
	s9 =	smul.u32 $0x64000, s1  }
0x7: {  	s8 =	smin.u32 s1, $0xA;
	s24 =	sshll.u32 s1, $0x6;
	s17 =	smul.u32 $0x30C000, s1  }
0x8: {  	p0 =	sgt.u32 s1, $0x9;
	_ =	strace $0x80000050;
	s11 =	sshll.u32 s5, $0x5  }
0x9: {  	s5 =	ssub.s32 $0x2, s5;
	s18 =	sshll.u32 s8, $0xD;
	s6 =	sor.u32 s11, s20  }
0xa: {  	s7 =	sadd.s32 s8, s7;
	s21 =	sshrl.u32 s5, $0x1;
	s22 =	sshrl.u32 s9, $0x2  }
0xb: {  	s17 =	sadd.s32 s18, s17;
	s18 =	simm.s32 $0x200;
	s20 =	simm.s32 $0x1200  }
0xc: {  	s6 =	sshrl.u32 s6, $0x3;
	s14 =	sshll.u32 s7, $0x7;
	s15 =	ssub.s32 s5, s21  }
0xd: {  	s16 =	sadd.s32 s22, s2;
	s5 =	sor.u32 $0x1C02, s24;
	s31 =	sor.u32 s11, s17  }
0xe: {  	s17 =	simm.s32 $0x40;
	s21 =	simm.s32 $0x100;
	s22 =	simm.s32 $0x2200  }
0xf: {  	s24 =	simm.s32 $0x3200;
	s0 =	sadd.s32 s6, s0;
	s23 =	sadd.s32 $0xC200, s14  }
0x10: {  	s26 =	sadd.s32 $0xC300, s14;
	s14 =	sshrl.u32 s14, $0x3;
	s25 =	sshll.u32 s23, $0x6  }
0x11: {  	s6 =	sshrl.u32 s23, $0x3;
	s10 =	sshll.u32 s26, $0x6;
	s9 =	sshrl.u32 s26, $0x3  }
0x12: {  	s23 =	simm.s32 $0x180;
	s7 =	sor.u32 s11, s25;
	s6 =	sadd.s32 s13, s6  }
0x13: {  	s10 =	sor.u32 s11, s10;
	s8 =	sadd.s32 s13, s9;
	s11 =	smax.u32 s15, $0x1  }
0x14: {  	s13 =	sadd.s32 s14, s13;
	s14 =	sshrl.u32 s16, $0x3;
	s15 =	simm.s32 $0x2  }
0x15: {  	s16 =	simm.s32 $0x20;
	s25 =	simm.s32 $0x1;
	s7 =	sshrl.u32 s7, $0x3  }
0x16: {  	s30 =	sshrl.u32 s10, $0x3;
	s10 =	sadd.s32 $0x20F200, s0;
	s0 =	sshrl.u32 s31, $0x3  }
0x17: {  	s7 =	sadd.s32 s12, s7;
	s9 =	sadd.s32 s12, s30;
	s12 =	sadd.s32 s0, s12  }
.LBB2_1:
0x18: {  	[spmem:s14], [sflag:s5] =	dma.local [hbm:s4], $0x3200  }
0x19: {  	_ =	swait.ge [sflag:s15], $0x3200  }
0x1a: {  	[sflag:s15] =	ssyncset.done $0x0  }
0x1b: {  	[sflag:s15] =	ssyncadd.s32 $0xFFFFCE00  }
0x1c: {  	s0 =	sadd.s32 $0x0, s13;
	[bflag:$0x0] =	sbarrier.arrive $0xFFFF  }
0x1d: {  	[tilespmem:s3], [sflag:$0x2] =	stream.linear.gather [hbm4b:s0+s3], $0x200, $0x38;
	[tilespmem:$0x1D200] =	vst v63  }
0x1e: {  	_ =	swait.ge [sflag:s15], $0x200  }
0x1f: {  	[sflag:s15] =	ssyncset.done $0x0  }
0x20: {  	[sflag:s15] =	ssyncadd.s32 $0xFFFFFE00  }
0x21: {  	[tilespmem:s18], [sflag:$0x2] =	stream.strided.gather [hbm4b:s12+s16], $0x4000, s17, s16, $0x38;
	[tilespmem:$0x1D200] =	vst v63  }
0x22: {  	_ =	swait.ge [sflag:s15], $0x4000  }
0x23: {  	[sflag:s15] =	ssyncset.done $0x0  }
0x24: {  	[sflag:s15] =	ssyncadd.s32 $0xFFFFC000  }
0x25: {  	[spmem:s2] =	stream.indirect.scatter.add.f32 [tilespmem:s18], [sflag:$0x1], $0x20, s3, s19, $0xb8;
	[tilespmem:$0x1D200] =	vst v63  }
0x26: {  	_ = 	snop  }
0x27: {  	[spmem:s2] =	stream.indirect.scatter.add.f32 [tilespmem:s20], [sflag:$0x1], $0x20, s19, s19, $0xb8;
	[tilespmem:$0x1D200] =	vst v63  }
0x28: {  	_ = 	snop  }
0x29: {  	[spmem:s2] =	stream.indirect.scatter.add.f32 [tilespmem:s22], [sflag:$0x1], $0x20, s21, s19, $0xb8;
	[tilespmem:$0x1D200] =	vst v63  }
0x2a: {  	_ = 	snop  }
0x2b: {  	[spmem:s2] =	stream.indirect.scatter.add.f32 [tilespmem:s24], [sflag:$0x1], $0x20, s23, s19, $0xb8;
	[tilespmem:$0x1D200] =	vst v63  }
0x2c: {  	_ =	swait.ge [sflag:s25], $0x1000  }
0x2d: {  	[sflag:s25] =	ssyncset.done $0x0  }
0x2e: {  	[sflag:s25] =	ssyncadd.s32 $0xFFFFF000  }
0x2f: {  	_ =	swait.ge [sflag:s25], $0x1000  }
0x30: {  	[sflag:s25] =	ssyncset.done $0x0  }
0x31: {  	[sflag:s25] =	ssyncadd.s32 $0xFFFFF000  }
0x32: {  	_ =	swait.ge [sflag:s25], $0x1000  }
0x33: {  	[sflag:s25] =	ssyncset.done $0x0  }
0x34: {  	[sflag:s25] =	ssyncadd.s32 $0xFFFFF000  }
0x35: {  	s31 =	simm.s32 $0x40;
	_ =	swait.ge [sflag:s25], $0x1000  }
0x36: {  	s30 =	sadd.s32 $0x1000, s12;
	s0 =	simm.s32 $0x80;
	[sflag:s25] =	ssyncset.done $0x0  }
.LBB2_2:
0x37: {  	s1 =	sadd.s32 s31, s13  }
0x38: {  	[sflag:s25] =	ssyncadd.s32 $0xFFFFF000;
	s31 =	smov.u32 s0;
	s26 =	sadd.s32 $0x40, s0  }
0x39: {  	[tilespmem:s3], [sflag:$0x2] =	stream.linear.gather [hbm4b:s1+s3], $0x200, $0x38;
	[tilespmem:$0x1D200] =	vst v63  }
0x3a: {  	p1 =	sne.s32 s0, $0x1800;
	_ =	swait.ge [sflag:s15], $0x200  }
0x3b: {  	[sflag:s15] =	ssyncset.done $0x0  }
0x3c: {  	[sflag:s15] =	ssyncadd.s32 $0xFFFFFE00  }
0x3d: {  	[tilespmem:s18], [sflag:$0x2] =	stream.strided.gather [hbm4b:s30+s16], $0x4000, s17, s16, $0x38;
	[tilespmem:$0x1D200] =	vst v63  }
0x3e: {  	_ =	swait.ge [sflag:s15], $0x4000  }
0x3f: {  	[sflag:s15] =	ssyncset.done $0x0  }
0x40: {  	[sflag:s15] =	ssyncadd.s32 $0xFFFFC000  }
0x41: {  	[spmem:s2] =	stream.indirect.scatter.add.f32 [tilespmem:s18], [sflag:$0x1], $0x20, s3, s19, $0xb8;
	[tilespmem:$0x1D200] =	vst v63  }
0x42: {  	_ = 	snop  }
0x43: {  	[spmem:s2] =	stream.indirect.scatter.add.f32 [tilespmem:s20], [sflag:$0x1], $0x20, s19, s19, $0xb8;
	[tilespmem:$0x1D200] =	vst v63  }
0x44: {  	_ = 	snop  }
0x45: {  	[spmem:s2] =	stream.indirect.scatter.add.f32 [tilespmem:s22], [sflag:$0x1], $0x20, s21, s19, $0xb8;
	[tilespmem:$0x1D200] =	vst v63  }
0x46: {  	_ = 	snop  }
0x47: {  	[spmem:s2] =	stream.indirect.scatter.add.f32 [tilespmem:s24], [sflag:$0x1], $0x20, s23, s19, $0xb8;
	[tilespmem:$0x1D200] =	vst v63  }
0x48: {  	_ =	swait.ge [sflag:s25], $0x1000  }
0x49: {  	[sflag:s25] =	ssyncset.done $0x0  }
0x4a: {  	[sflag:s25] =	ssyncadd.s32 $0xFFFFF000  }
0x4b: {  	_ =	swait.ge [sflag:s25], $0x1000  }
0x4c: {  	[sflag:s25] =	ssyncset.done $0x0  }
0x4d: {  	[sflag:s25] =	ssyncadd.s32 $0xFFFFF000  }
.Ltmp0:
0x4e: {  	_ =	swait.ge [sflag:s25], $0x1000;
	(pc) =	sbr.rel @p1 .LBB2_2-.Ltmp0, $4  }
0x4f: {  	[sflag:s25] =	ssyncset.done $0x0  }
0x50: {  	[sflag:s25] =	ssyncadd.s32 $0xFFFFF000  }
0x51: {  	_ =	swait.ge [sflag:s25], $0x1000  }
0x52: {  	s0 =	smov.u32 s26;
	s30 =	sadd.s32 $0x1000, s30;
	[sflag:s25] =	ssyncset.done $0x0  }
0x53: {  	s0 =	sadd.s32 s31, s13;
	[sflag:s25] =	ssyncadd.s32 $0xFFFFF000  }
0x54: {  	[tilespmem:s3], [sflag:$0x2] =	stream.linear.gather [hbm4b:s0+s3], $0x200, $0x38;
	[tilespmem:$0x1D200] =	vst v63  }
0x55: {  	_ =	swait.ge [sflag:s15], $0x200  }
0x56: {  	[sflag:s15] =	ssyncset.done $0x0  }
0x57: {  	[sflag:s15] =	ssyncadd.s32 $0xFFFFFE00  }
0x58: {  	[tilespmem:s18], [sflag:$0x2] =	stream.strided.gather [hbm4b:s30+s16], $0x4000, s17, s16, $0x38;
	[tilespmem:$0x1D200] =	vst v63  }
0x59: {  	_ =	swait.ge [sflag:s15], $0x4000  }
0x5a: {  	[sflag:s15] =	ssyncset.done $0x0  }
0x5b: {  	[sflag:s15] =	ssyncadd.s32 $0xFFFFC000  }
0x5c: {  	[spmem:s2] =	stream.indirect.scatter.add.f32 [tilespmem:s18], [sflag:$0x1], $0x20, s3, s19, $0xb8;
	[tilespmem:$0x1D200] =	vst v63  }
0x5d: {  	_ = 	snop  }
0x5e: {  	[spmem:s2] =	stream.indirect.scatter.add.f32 [tilespmem:s20], [sflag:$0x1], $0x20, s19, s19, $0xb8;
	[tilespmem:$0x1D200] =	vst v63  }
0x5f: {  	_ = 	snop  }
0x60: {  	[spmem:s2] =	stream.indirect.scatter.add.f32 [tilespmem:s22], [sflag:$0x1], $0x20, s21, s19, $0xb8;
	[tilespmem:$0x1D200] =	vst v63  }
0x61: {  	_ = 	snop  }
0x62: {  	[spmem:s2] =	stream.indirect.scatter.add.f32 [tilespmem:s24], [sflag:$0x1], $0x20, s23, s19, $0xb8;
	[tilespmem:$0x1D200] =	vst v63  }
0x63: {  	_ =	swait.ge [sflag:s25], $0x1000  }
0x64: {  	[sflag:s25] =	ssyncset.done $0x0  }
0x65: {  	[sflag:s25] =	ssyncadd.s32 $0xFFFFF000  }
0x66: {  	_ =	swait.ge [sflag:s25], $0x1000  }
0x67: {  	[sflag:s25] =	ssyncset.done $0x0  }
0x68: {  	[sflag:s25] =	ssyncadd.s32 $0xFFFFF000  }
0x69: {  	_ =	swait.ge [sflag:s25], $0x1000  }
0x6a: {  	[sflag:s25] =	ssyncset.done $0x0  }
0x6b: {  	[sflag:s25] =	ssyncadd.s32 $0xFFFFF000  }
0x6c: {  	_ =	swait.ge [sflag:s25], $0x1000  }
0x6d: {  	[sflag:s25] =	ssyncset.done $0x0  }
0x6e: {  	[sflag:s25] =	ssyncadd.s32 $0xFFFFF000  }
0x6f: {  	[tilespmem:s3], [sflag:$0x2] =	stream.linear.gather [hbm4b:s6+s3], $0x100, $0x38;
	[tilespmem:$0x1D200] =	vst v63  }
0x70: {  	_ =	swait.ge [sflag:s15], $0x100  }
0x71: {  	[sflag:s15] =	ssyncset.done $0x0  }
0x72: {  	[sflag:s15] =	ssyncadd.s32 $0xFFFFFF00  }
0x73: {  	[tilespmem:s18], [sflag:$0x2] =	stream.strided.gather [hbm4b:s7+s16], $0x2000, s17, s16, $0x38;
	[tilespmem:$0x1D200] =	vst v63  }
0x74: {  	_ =	swait.ge [sflag:s15], $0x2000  }
0x75: {  	[sflag:s15] =	ssyncset.done $0x0  }
0x76: {  	[sflag:s15] =	ssyncadd.s32 $0xFFFFE000  }
0x77: {  	[spmem:s2] =	stream.indirect.scatter.add.f32 [tilespmem:s18], [sflag:$0x1], $0x20, s3, s19, $0xb8;
	[tilespmem:$0x1D200] =	vst v63  }
0x78: {  	_ = 	snop  }
0x79: {  	[spmem:s2] =	stream.indirect.scatter.add.f32 [tilespmem:s20], [sflag:$0x1], $0x20, s19, s19, $0xb8;
	[tilespmem:$0x1D200] =	vst v63  }
0x7a: {  	_ =	swait.ge [sflag:s25], $0x1000  }
0x7b: {  	[sflag:s25] =	ssyncset.done $0x0  }
0x7c: {  	[sflag:s25] =	ssyncadd.s32 $0xFFFFF000  }
0x7d: {  	_ =	swait.ge [sflag:s25], $0x1000  }
0x7e: {  	[sflag:s25] =	ssyncset.done $0x0  }
0x7f: {  	s1 =	simm.s32 @!p0 $0x2;
	s0 =	simm.s32 @!p0 $0x0;
	[sflag:s25] =	ssyncadd.s32 $0xFFFFF000  }
0x80: {  	[tilespmem:s0], [sflag:$0x2] =	stream.linear.gather @!p0 [hbm4b:s8+s0], $0x80, $0x38;
	[tilespmem:$0x1D200] =	vst v63  }
0x81: {  	_ =	swait.ge @!p0 [sflag:s1], $0x80  }
0x82: {  	s26 =	simm.s32 @!p0 $0x20;
	[sflag:s1] =	ssyncset.done @!p0 $0x0  }
0x83: {  	s31 =	simm.s32 @!p0 $0x200;
	s30 =	simm.s32 @!p0 $0x40;
	[sflag:s1] =	ssyncadd.s32 @!p0 $0xFFFFFF80  }
0x84: {  	[tilespmem:s31], [sflag:$0x2] =	stream.strided.gather @!p0 [hbm4b:s9+s26], $0x1000, s30, s26, $0x38;
	[tilespmem:$0x1D200] =	vst v63  }
0x85: {  	_ =	swait.ge @!p0 [sflag:s1], $0x1000  }
0x86: {  	[sflag:s1] =	ssyncset.done @!p0 $0x0  }
0x87: {  	[sflag:s1] =	ssyncadd.s32 @!p0 $0xFFFFF000;
	s1 =	simm.s32 @!p0 $0x80  }
0x88: {  	[spmem:s2] =	stream.indirect.scatter.add.f32 @!p0 [tilespmem:s31], [sflag:$0x1], $0x20, s0, s1, $0xb8;
	[tilespmem:$0x1D200] =	vst v63  }
0x89: {  	s0 =	simm.s32 @!p0 $0x1  }
0x8a: {  	_ =	swait.ge @!p0 [sflag:s0], $0x1000  }
0x8b: {  	s29 =	sadd.s32 $0x1, s29;
	[sflag:s0] =	ssyncset.done @!p0 $0x0  }
0x8c: {  	p1 =	sne.s32 s29, s11;
	[sflag:s0] =	ssyncadd.s32 @!p0 $0xFFFFF000  }
.Ltmp1:
0x8d: {  	s31 =	simm.s32 $0x8;
	[bflag:$0x0] =	sbarrier.arrive $0xFFFF;
	(pc) =	sbr.rel @p1 .LBB2_1-.Ltmp1, $4  }
0x8e: {  	[hbm:s10@s31], [sflag:s5] =	dma.strided [spmem:s14@s28], $0x3200, s25, $0x4   }
0x8f: {  	_ =	swait.ge [sflag:s15], $0x3200  }
0x90: {  	[sflag:s15] =	ssyncset.done $0x0  }
0x91: {  	[sflag:s15] =	ssyncadd.s32 $0xFFFFCE00  }
0x92: {  	_ =	sfence.sel $0x180000  }
0x93: {  	[bflag:$0x0] =	sbarrier.arrive $0xFFFF  }
0x94: {  	_ =	strace $0x90000050  }
0x95: {  	s0 =	stileid.u32;
	[bflag:$0x2] =	sbarrier.arrive $0xFFFF  }
0x96: {  	p0 =	sne.s32 s0, $0x0;
	s0 =	rddreg [dreg:$0x2]  }
0x97: {  	s0 =	sadd.s32 @!p0 $0x100000, s0  }
0x98: {  	[sflag:s0] =	ssyncadd.tile.s32 @!p0 $0x1;
	_ =	shalt  }
.Lfunc_end2:
_tile_overlayer_lowered:
.L_overlay_start_2:
0x99: {  	(tag) =	ssettag $0x2  }
0x9a: {  	s0 =	rddreg [dreg:$0x0];
	s2 =	stileid.u32  }
0x9b: {  	s1 =	rddreg [dreg:$0x1];
	p0 =	sne.s32 s2, $0x0  }
0x9c: {  	s3 =	rddreg [dreg:$0x2];
	[bflag:$0x3] =	sbarrier.arrive $0xFFFF;
	s2 =	simm.s32 @!p0 $0x1C02  }
0x9d: {  	[timem:s3], [sflag:s2] =	dma.local @!p0 [hbm:s0], s1  }
0x9e: {  	s0 =	simm.s32 @!p0 $0x2  }
0x9f: {  	_ =	swait.ge @!p0 [sflag:s0], s1  }
0xa0: {  	s1 =	ssub.s32 @!p0 $0x0, s1;
	[sflag:s0] =	ssyncset.done @!p0 $0x0  }
0xa1: {  	[sflag:s0] =	ssyncadd.s32 @!p0 s1  }
0xa2: {  	[bflag:$0x3] =	sbarrier.arrive $0xFFFF  }
0xa3: {  	_ =	shalt  }

</sc_bundles>
